<compile_context>
chip_gen: v7x
topology: tpu7x:2x2x1
jax: 0.10.2.dev20260603
libtpu: 0.0.44.dev20260713+nightly
codegen_flags: <defaults>
</compile_context>

<pallas_src>
import functools

import jax
import jax.numpy as jnp
import numpy as np
from jax import lax
from jax.experimental import pallas as pl
from jax.experimental.pallas import tpu as pltpu
from jax.experimental.pallas import tpu_sc as plsc

H = 32
MAX_D = 5.0
N = 100000
E = 1600000
NB = 2000
EB = 3200
CH = 512
NCH = E // CH
DCH = 128
NDCH = E // DCH
W = H + 8
NW = 32
HALF = N // 2
ACC_ROWS = 50048
TRASH = 50008


def _silu(x):
    return x * jax.nn.sigmoid(x)



def _stage_a_body(x_ref, b_ref, t_ref, tw1t, tb1, tw2t, tb2, w1at, w1bt, b1,
                  gwt, gb, xm_ref, a_ref, pj_ref):
    t = t_ref[...]
    ss = _silu(jnp.dot(t, tw1t[...], preferred_element_type=jnp.float32) + tb1[...])
    ss = jnp.dot(ss, tw2t[...], preferred_element_type=jnp.float32) + tb2[...]
    b = b_ref[...]
    iota = lax.broadcasted_iota(jnp.int32, (NB, ss.shape[0]), 1).astype(jnp.float32)
    oh = (b == iota).astype(jnp.float32)
    ssn = jnp.dot(oh, ss, preferred_element_type=jnp.float32)
    xm = _silu(x_ref[...] * (1.0 + ssn[:, :H]) + ssn[:, H:])
    xm_ref[...] = xm
    a_ref[...] = jnp.dot(xm, w1at[...], preferred_element_type=jnp.float32)
    bb = jnp.dot(xm, w1bt[...], preferred_element_type=jnp.float32) + b1[...]
    g = jax.nn.sigmoid(jnp.dot(xm, gwt[...], preferred_element_type=jnp.float32) + gb[...])
    pj_ref[...] = jnp.concatenate([bb, g], axis=1)


def _stage_a(x, batchf, time, tw1t, tb1, tw2t, tb2, w1at, w1bt, b1, gwt, gb):
    grid = (N // NB,)
    full = lambda shape: pl.BlockSpec(shape, lambda n: (0, 0))
    row = lambda w: pl.BlockSpec((NB, w), lambda n: (n, 0))
    return pl.pallas_call(
        _stage_a_body,
        grid=grid,
        in_specs=[row(H), row(1), full(time.shape), full(tw1t.shape),
                  full(tb1.shape), full(tw2t.shape), full(tb2.shape),
                  full(w1at.shape), full(w1bt.shape), full(b1.shape),
                  full(gwt.shape), full(gb.shape)],
        out_specs=[row(H), row(H), row(2 * H)],
        out_shape=[jax.ShapeDtypeStruct((N, H), jnp.float32),
                   jax.ShapeDtypeStruct((N, H), jnp.float32),
                   jax.ShapeDtypeStruct((N, 2 * H), jnp.float32)],
    )(x, batchf, time, tw1t, tb1, tw2t, tb2, w1at, w1bt, b1, gwt, gb)



def _gather_body(a_h, pj_h, pos_h, i2_h, j2_h, ai_o, pjo_o, pi_o, pj4_o,
                 idxi, idxj, bA, bPJ, bPI, bPJ4, sem):
    wid = lax.axis_index("s") * 2 + lax.axis_index("c")
    nw = jnp.where(wid < NCH % NW, NCH // NW + 1, NCH // NW)
    base = wid * (NCH // NW) + jnp.minimum(wid, NCH % NW)

    def body(t, carry):
        ch = base + t
        r = ch * (CH // 128)
        eb = ch * CH
        pltpu.sync_copy(i2_h.at[pl.ds(r, CH // 128)], idxi)
        pltpu.sync_copy(j2_h.at[pl.ds(r, CH // 128)], idxj)
        cps = []
        for kk in range(CH // 128):
            sl = pl.ds(kk * 128, 128)
            cps.append(pltpu.async_copy(a_h.at[idxi.at[kk]], bA.at[sl], sem))
            cps.append(pltpu.async_copy(pj_h.at[idxj.at[kk]], bPJ.at[sl], sem))
            cps.append(pltpu.async_copy(pos_h.at[idxi.at[kk]], bPI.at[sl], sem))
            cps.append(pltpu.async_copy(pos_h.at[idxj.at[kk]], bPJ4.at[sl], sem))
        for cp in cps:
            cp.wait()
        pltpu.sync_copy(bA, ai_o.at[pl.ds(eb, CH)])
        pltpu.sync_copy(bPJ, pjo_o.at[pl.ds(eb, CH)])
        pltpu.sync_copy(bPI, pi_o.at[pl.ds(eb, CH)])
        pltpu.sync_copy(bPJ4, pj4_o.at[pl.ds(eb, CH)])
        return carry

    lax.fori_loop(0, nw, body, 0)


def _stage_b(a, pjt, pos4, i2, j2):
    mesh = plsc.VectorSubcoreMesh(core_axis_name="c", subcore_axis_name="s")
    f = pl.kernel(
        _gather_body,
        mesh=mesh,
        out_type=[jax.ShapeDtypeStruct((E, H), jnp.float32),
                  jax.ShapeDtypeStruct((E, 2 * H), jnp.float32),
                  jax.ShapeDtypeStruct((E, 16), jnp.float32),
                  jax.ShapeDtypeStruct((E, 16), jnp.float32)],
        scratch_types=[pltpu.VMEM((CH // 128, 128), jnp.int32),
                       pltpu.VMEM((CH // 128, 128), jnp.int32),
                       pltpu.VMEM((CH, H), jnp.float32),
                       pltpu.VMEM((CH, 2 * H), jnp.float32),
                       pltpu.VMEM((CH, 16), jnp.float32),
                       pltpu.VMEM((CH, 16), jnp.float32),
                       pltpu.SemaphoreType.DMA],
        compiler_params=pltpu.CompilerParams(use_tc_tiling_on_sc=False),
    )
    return f(a, pjt, pos4, i2, j2)



def _stage_c_body(ai_ref, pj_ref, pi_ref, pj4_ref, jf_ref, w2t, b2, wdt, cw1t,
                  cb1, cw2r, cb2, means, betas, mp_ref, jl0_ref, jl1_ref):
    jf = jf_ref[...]
    jl0_ref[...] = jnp.where(jf < HALF, jf, float(TRASH)).astype(jnp.int32)
    jl1_ref[...] = jnp.where(jf >= HALF, jf - HALF, float(TRASH)).astype(jnp.int32)
    a = ai_ref[...]
    pj = pj_ref[...]
    h1 = _silu(a + pj[:, :H])
    g = pj[:, H:]
    h = _silu(jnp.dot(h1, w2t[...], preferred_element_type=jnp.float32) + b2[...])
    pd = pi_ref[...][:, :4] - pj4_ref[...][:, :4]
    d2 = jnp.sum(pd * pd, axis=1, keepdims=True)
    dist = jnp.sqrt(d2)
    d_c = jnp.minimum(dist, MAX_D)
    cutoff = 0.5 * (jnp.cos(d_c * (np.pi / MAX_D)) + 1.0)
    rbf = jnp.exp(-betas[...] * (jnp.exp(-dist) - means[...]) ** 2)
    demb = jnp.dot(cutoff * rbf, wdt[...], preferred_element_type=jnp.float32)
    m = h * demb * g
    cm1 = _silu(jnp.dot(m, cw1t[...], preferred_element_type=jnp.float32) + cb1[...])
    cmsg = jnp.sum(cm1 * cw2r[...], axis=1, keepdims=True) + cb2[...]
    ch3 = (lax.broadcasted_iota(jnp.int32, (EB, 4), 1) == 3).astype(jnp.float32)
    mp_ref[...] = jnp.concatenate([m, pd * cmsg + ch3,
                                   jnp.zeros((EB, 4), jnp.float32)], axis=1)


def _stage_c(ai, pjg, pi4, pj4, jf, w2t, b2, wdt, cw1t, cb1, cw2r, cb2, means, betas):
    grid = (E // EB,)
    full = lambda arr: pl.BlockSpec(arr.shape, lambda n: (0, 0))
    row = lambda w: pl.BlockSpec((EB, w), lambda n: (n, 0))
    return pl.pallas_call(
        _stage_c_body,
        grid=grid,
        in_specs=[row(H), row(2 * H), row(16), row(16), row(1)] +
                 [full(a) for a in (w2t, b2, wdt, cw1t, cb1, cw2r, cb2, means, betas)],
        out_specs=[row(W), row(1), row(1)],
        out_shape=[jax.ShapeDtypeStruct((E, W), jnp.float32),
                   jax.ShapeDtypeStruct((E, 1), jnp.int32),
                   jax.ShapeDtypeStruct((E, 1), jnp.int32)],
    )(ai, pjg, pi4, pj4, jf, w2t, b2, wdt, cw1t, cb1, cw2r, cb2, means, betas)



def _scatter_body(jl_h, mp_h, zmp_h, rows_h, acc_o, idxloc, idxr, bmp, acc):
    cid = lax.axis_index("c")
    sid = lax.axis_index("s")
    scid = cid
    tw = sid
    pltpu.sync_copy(zmp_h, bmp)

    NZC = ACC_ROWS // 128
    nz = jnp.where(tw < NZC % 16, NZC // 16 + 1, NZC // 16)
    zbase = tw * (NZC // 16) + jnp.minimum(tw, NZC % 16)

    def zbody(t, carry):
        pltpu.sync_copy(rows_h.at[pl.ds(zbase + t, 1)], idxr)
        pltpu.sync_copy(bmp, acc.at[idxr.at[0]])
        return carry

    lax.fori_loop(0, nz, zbody, 0)
    plsc.subcore_barrier()

    nt = jnp.where(tw < NDCH % 16, NDCH // 16 + 1, NDCH // 16)
    base = tw * (NDCH // 16) + jnp.minimum(tw, NDCH % 16)

    def body(t, carry):
        ch = base + t
        pltpu.sync_copy(jl_h.at[pl.ds(scid * (E // 128) + ch, 1)], idxloc)
        pltpu.sync_copy(mp_h.at[pl.ds(ch * DCH, DCH)], bmp)
        pltpu.sync_copy(bmp, acc.at[idxloc.at[0]], add=True)
        return carry

    lax.fori_loop(0, nt, body, 0)
    plsc.subcore_barrier()

    NFC = HALF // 128
    nc = jnp.where(tw < NFC % 16, NFC // 16 + 1, NFC // 16)
    cbase = tw * (NFC // 16) + jnp.minimum(tw, NFC % 16)

    def cbody(t, carry):
        c = cbase + t
        pltpu.sync_copy(rows_h.at[pl.ds(c, 1)], idxr)
        pltpu.sync_copy(acc.at[idxr.at[0]], bmp)
        pltpu.sync_copy(bmp, acc_o.at[pl.ds(scid * HALF + c * 128, 128)])
        return carry

    lax.fori_loop(0, nc, cbody, 0)
    TL = HALF - NFC * 128
    pltpu.sync_copy(rows_h.at[pl.ds(NFC, 1)], idxr)
    pltpu.sync_copy(acc.at[idxr.at[0, pl.ds(0, TL)]], bmp.at[pl.ds(0, TL)])
    pltpu.sync_copy(bmp.at[pl.ds(0, TL)],
                    acc_o.at[pl.ds(scid * HALF + NFC * 128, TL)])


def _stage_d(jl, mp, zmp, rows):
    mesh = plsc.VectorSubcoreMesh(core_axis_name="c", subcore_axis_name="s")
    f = pl.kernel(
        _scatter_body,
        mesh=mesh,
        out_type=[jax.ShapeDtypeStruct((N, W), jnp.float32)],
        scratch_types=[pltpu.VMEM((1, 128), jnp.int32),
                       pltpu.VMEM((1, 128), jnp.int32),
                       pltpu.VMEM((DCH, W), jnp.float32),
                       pltpu.VMEM_SHARED((ACC_ROWS, W), jnp.float32)],
        compiler_params=pltpu.CompilerParams(use_tc_tiling_on_sc=False),
    )
    return f(jl, mp, zmp, rows)[0]



def _stage_e_body(xm_ref, acc_ref, pos_ref, cw1at, cw1bt, cb1, cw2t,
                  cb2, xo_ref, po_ref):
    xm = xm_ref[...]
    accv = acc_ref[...]
    mi = accv[:, :H]
    pua = accv[:, H:H + 4]
    c1 = _silu(jnp.dot(xm, cw1at[...], preferred_element_type=jnp.float32) +
               jnp.dot(mi, cw1bt[...], preferred_element_type=jnp.float32) + cb1[...])
    xc = jnp.dot(c1, cw2t[...], preferred_element_type=jnp.float32) + cb2[...]
    xo_ref[...] = _silu(xm + xc)
    cnt = jnp.maximum(pua[:, 3:4], 1.0)
    mask3 = (lax.broadcasted_iota(jnp.int32, (NB, 4), 1) < 3).astype(jnp.float32)
    po_ref[...] = pos_ref[...] + pua * mask3 / cnt


def _stage_e(xm, acc, pos4, cw1at, cw1bt, cb1, cw2t, cb2):
    grid = (N // NB,)
    full = lambda arr: pl.BlockSpec(arr.shape, lambda n: (0, 0))
    row = lambda w: pl.BlockSpec((NB, w), lambda n: (n, 0))
    return pl.pallas_call(
        _stage_e_body,
        grid=grid,
        in_specs=[row(H), row(W), row(4)] +
                 [full(a) for a in (cw1at, cw1bt, cb1, cw2t, cb2)],
        out_specs=[row(H), row(4)],
        out_shape=[jax.ShapeDtypeStruct((N, H), jnp.float32),
                   jax.ShapeDtypeStruct((N, 4), jnp.float32)],
    )(xm, acc, pos4, cw1at, cw1bt, cb1, cw2t, cb2)



def kernel(x, edge_index, pos, time, batch, w_dist, msg_w1, msg_b1, msg_w2,
           msg_b2, gate_w, gate_b, time_w1, time_b1, time_w2, time_b2,
           comb_w1, comb_b1, comb_w2, comb_b2, coord_w1, coord_b1, coord_w2,
           coord_b2):
    batchf = batch.astype(jnp.float32).reshape(N, 1)
    pos4 = jnp.concatenate([pos, jnp.zeros((N, 1), jnp.float32)], axis=1)
    pos16 = jnp.concatenate([pos, jnp.zeros((N, 13), jnp.float32)], axis=1)
    i2 = edge_index[0].reshape(E // 128, 128)
    j2 = edge_index[1].reshape(E // 128, 128)

    xm, a, pjt = _stage_a(
        x, batchf, time,
        time_w1.T, time_b1.reshape(1, -1), time_w2.T, time_b2.reshape(1, -1),
        msg_w1[:, :H].T, msg_w1[:, H:].T, msg_b1.reshape(1, -1),
        gate_w.T, gate_b.reshape(1, -1))

    ai, pjg, pi4, pj4 = _stage_b(a, pjt, pos16, i2, j2)

    start = float(np.exp(-MAX_D))
    means = np.linspace(start, 1.0, H, dtype=np.float32).reshape(1, H)
    betas = np.full((1, H), (2.0 / H * (1.0 - start)) ** (-2), dtype=np.float32)
    jf = edge_index[1].astype(jnp.float32).reshape(E, 1)
    mp, jl0, jl1 = _stage_c(ai, pjg, pi4, pj4, jf,
                            msg_w2.T, msg_b2.reshape(1, -1), w_dist.T,
                            coord_w1.T, coord_b1.reshape(1, -1),
                            coord_w2.reshape(1, -1), coord_b2.reshape(1, 1),
                            jnp.asarray(means), jnp.asarray(betas))
    jl = jnp.concatenate([jl0.reshape(E // 128, 128), jl1.reshape(E // 128, 128)])

    zmp = jnp.zeros((128, W), jnp.float32)
    rows = jnp.arange(ACC_ROWS, dtype=jnp.int32).reshape(ACC_ROWS // 128, 128)
    acc = _stage_d(jl, mp, zmp, rows)

    xo, po4 = _stage_e(xm, acc, pos4,
                       comb_w1[:, :H].T, comb_w1[:, H:].T,
                       comb_b1.reshape(1, -1), comb_w2.T,
                       comb_b2.reshape(1, -1))
    return (xo, po4[:, :3])

# --- scband reference (transcript-rebuilt; emitter-appended) ---
"""Pipeline reference for scband-message-layer-11862699671910 (READ-ONLY COPY).

The authoritative reference and input builder live on the scoring server;
editing this copy changes nothing except your own understanding.
"""

import jax, jax.numpy as jnp
import numpy as np

H = 32
TIME_DIM = 128
MAX_D = 5.0
N = 100000
E = 1600000
B = 64

def silu(x):
    return x * jax.nn.sigmoid(x)

def rbf_embed(d):
    start = float(np.exp(-MAX_D))
    means = jnp.linspace(start, 1.0, H).astype(jnp.float32)
    betas = jnp.full((H,), (2.0 / H * (1.0 - start)) ** (-2), dtype=jnp.float32)
    d_c = jnp.minimum(d, MAX_D)
    cutoff = 0.5 * (jnp.cos(d_c * jnp.pi / MAX_D) + 1.0)
    rbf = jnp.exp(-betas * (jnp.exp(-d) - means) ** 2)
    return cutoff * rbf

def _lin(k, out_d, in_d):
    return jax.random.normal(k, (out_d, in_d), dtype=jnp.float32) * 0.05

def setup_inputs(seed: int = 0):
    key = jax.random.key(seed)
    ks = jax.random.split(key, 24)
    inp = {}
    inp['x'] = jax.random.normal(ks[0], (N, H), dtype=jnp.float32)
    src = jax.random.randint(ks[1], (E,), 0, N, dtype=jnp.int32)
    off = jax.random.randint(ks[15], (E,), 1, N, dtype=jnp.int32)
    inp['edge_index'] = jnp.stack([src, (src + off) % N])  # no self-loops -> dist > 0
    inp['pos'] = jax.random.normal(ks[2], (N, 3), dtype=jnp.float32)
    inp['time'] = jax.random.normal(ks[3], (B, TIME_DIM), dtype=jnp.float32)
    inp['batch'] = jnp.sort(jax.random.randint(ks[4], (N,), 0, B, dtype=jnp.int32))
    inp['w_dist'] = _lin(ks[5], H, H)
    inp['msg_w1'] = _lin(ks[6], H, 2 * H); inp['msg_b1'] = jnp.zeros((H,), jnp.float32)
    inp['msg_w2'] = _lin(ks[7], H, H); inp['msg_b2'] = jnp.zeros((H,), jnp.float32)
    inp['gate_w'] = _lin(ks[8], H, H); inp['gate_b'] = jnp.zeros((H,), jnp.float32)
    inp['time_w1'] = _lin(ks[9], 2 * H, TIME_DIM); inp['time_b1'] = jnp.zeros((2 * H,), jnp.float32)
    inp['time_w2'] = _lin(ks[10], 2 * H, 2 * H); inp['time_b2'] = jnp.zeros((2 * H,), jnp.float32)
    inp['comb_w1'] = _lin(ks[11], H, 2 * H); inp['comb_b1'] = jnp.zeros((H,), jnp.float32)
    inp['comb_w2'] = _lin(ks[12], H, H); inp['comb_b2'] = jnp.zeros((H,), jnp.float32)
    inp['coord_w1'] = _lin(ks[13], H, H); inp['coord_b1'] = jnp.zeros((H,), jnp.float32)
    inp['coord_w2'] = _lin(ks[14], 1, H); inp['coord_b2'] = jnp.zeros((1,), jnp.float32)
    return inp

def reference(x, edge_index, pos, time, batch, w_dist, msg_w1, msg_b1, msg_w2, msg_b2, gate_w, gate_b, time_w1, time_b1, time_w2, time_b2, comb_w1, comb_b1, comb_w2, comb_b2, coord_w1, coord_b1, coord_w2, coord_b2):
    n = x.shape[0]
    ss = silu(time @ time_w1.T + time_b1) @ time_w2.T + time_b2
    ss = ss[batch]
    scale = ss[:, :H]
    shift = ss[:, H:]
    x = silu(x * (1.0 + scale) + shift)
    i = edge_index[0]
    j = edge_index[1]
    x_i = x[i]
    x_j = x[j]
    pos_diff = pos[i] - pos[j]
    dist = jnp.sqrt(jnp.sum(pos_diff ** 2, axis=1, keepdims=True))
    dist_emb = rbf_embed(dist) @ w_dist.T
    h = silu(jnp.concatenate([x_i, x_j], axis=1) @ msg_w1.T + msg_b1)
    h = silu(h @ msg_w2.T + msg_b2)
    g = jax.nn.sigmoid(x_j @ gate_w.T + gate_b)
    m_ij = h * dist_emb * g
    m_i = jax.ops.segment_sum(m_ij, j, num_segments=n)
    x_out = silu(x + silu(jnp.concatenate([x, m_i], axis=1) @ comb_w1.T + comb_b1) @ comb_w2.T + comb_b2)
    cmsg = silu(m_ij @ coord_w1.T + coord_b1) @ coord_w2.T + coord_b2
    pos_updates = pos_diff * cmsg
    sums = jax.ops.segment_sum(pos_updates, j, num_segments=n)
    counts = jax.ops.segment_sum(jnp.ones((pos_updates.shape[0],), dtype=pos.dtype), j, num_segments=n)
    pos_update_i = sums / jnp.maximum(counts, 1.0)[:, None]
    return (x_out, pos + pos_update_i)

if __name__ == "__main__":
    import jax
    _d = setup_inputs()
    print(jax.jit(kernel)(*tuple(_d.values())))

</pallas_src>

<mosaic_0001>
#map = affine_map<(d0, d1) -> (0, 0)>
module attributes {stable_mosaic.version = 14 : i64} {
  func.func @_gather_body(%arg0: i32, %arg1: i32, %arg2: memref<100000x32xf32, #tpu.memory_space<hbm>>, %arg3: memref<100000x64xf32, #tpu.memory_space<hbm>>, %arg4: memref<100000x16xf32, #tpu.memory_space<hbm>>, %arg5: memref<12500x128xi32, #tpu.memory_space<hbm>>, %arg6: memref<12500x128xi32, #tpu.memory_space<hbm>>, %arg7: memref<1600000x32xf32, #tpu.memory_space<hbm>>, %arg8: memref<1600000x64xf32, #tpu.memory_space<hbm>>, %arg9: memref<1600000x16xf32, #tpu.memory_space<hbm>>, %arg10: memref<1600000x16xf32, #tpu.memory_space<hbm>>, %arg11: memref<4x128xi32, #tpu.memory_space<vmem>>, %arg12: memref<4x128xi32, #tpu.memory_space<vmem>>, %arg13: memref<512x32xf32, #tpu.memory_space<vmem>>, %arg14: memref<512x64xf32, #tpu.memory_space<vmem>>, %arg15: memref<512x16xf32, #tpu.memory_space<vmem>>, %arg16: memref<512x16xf32, #tpu.memory_space<vmem>>, %arg17: memref<!tpu.dma_semaphore, #tpu.memory_space<semaphore_mem>>) attributes {dimension_semantics = [#tpu.dimension_semantics<core_parallel>, #tpu.dimension_semantics<subcore_parallel>], iteration_bounds = array<i64: 2, 16>, scalar_prefetch = 0 : i64, scratch_operands = 7 : i64, tpu.core_type = #tpu.core_type<sc_vector_subcore>, window_params = [{transform_indices = #map}, {transform_indices = #map}, {transform_indices = #map}, {transform_indices = #map}, {transform_indices = #map}, {transform_indices = #map}, {transform_indices = #map}, {transform_indices = #map}, {transform_indices = #map}]} {
    %mul3A = arith.constant 2 : i32
    %mul3A_0 = arith.muli %arg1, %mul3A : i32
    %add3A = arith.addi %mul3A_0, %arg0 : i32
    %lt3A = arith.constant 21 : i32
    %lt3A_1 = arith.cmpi slt, %add3A, %lt3A : i32
    %jit3A = arith.constant 98 : i32
    %jit3A_2 = arith.constant 97 : i32
    %select_n3A = arith.select %lt3A_1, %jit3A, %jit3A_2 : i32
    %mul3A_3 = arith.constant 97 : i32
    %mul3A_4 = arith.muli %add3A, %mul3A_3 : i32
    %min3A = arith.constant 21 : i32
    %min3A_5 = arith.minsi %add3A, %min3A : i32
    %add3A_6 = arith.addi %mul3A_4, %min3A_5 : i32
    %while3A = arith.constant 0 : i32
    %while3A_7 = arith.constant 0 : i32
    %while3A_8 = arith.subi %select_n3A, %while3A_7 : i32
    %while3A_9 = arith.addi %while3A_7, %while3A_8 : i32
    %while3A_10 = arith.constant 1 : i32
    %while3A_11 = arith.divsi %while3A_8, %while3A_10 : i32
    %while3A_12 = arith.muli %while3A_11, %while3A_10 : i32
    %while3A_13 = arith.addi %while3A_7, %while3A_12 : i32
    %while3A_14 = arith.constant 1 : i32
    scf.for %while3A_16 = %while3A_7 to %while3A_13 step %while3A_14  : i32 {
      %add3A_17 = arith.addi %add3A_6, %while3A_16 : i32
      %mul3A_18 = arith.constant 4 : i32
      %mul3A_19 = arith.muli %add3A_17, %mul3A_18 : i32
      %mul3A_20 = arith.constant 512 : i32
      %mul3A_21 = arith.muli %add3A_17, %mul3A_20 : i32
      "tpu.region"() ({
        %run_scoped3A = tpu.sem_alloc : memref<!tpu.dma_semaphore, #tpu.memory_space<semaphore_mem>>
        %dma_start3A_340 = arith.constant 0 : i32
        %dma_start3A_341 = tpu.memref_slice %arg5[%mul3A_19, %dma_start3A_340] : memref<12500x128xi32, #tpu.memory_space<hbm>> -> memref<4x128xi32, #tpu.memory_space<hbm>>
        %dma_start3A_342 = arith.constant 0 : i32
        %dma_start3A_343 = tpu.memref_slice %arg5[%mul3A_19, %dma_start3A_342] : memref<12500x128xi32, #tpu.memory_space<hbm>> -> memref<4x128xi32, #tpu.memory_space<hbm>>
        tpu.enqueue_dma source(%dma_start3A_343 : memref<4x128xi32, #tpu.memory_space<hbm>>) target(%arg11 : memref<4x128xi32, #tpu.memory_space<vmem>>) target_semaphore(%run_scoped3A : memref<!tpu.dma_semaphore, #tpu.memory_space<semaphore_mem>>)
        %dma_wait3A_344 = arith.constant 0 : i32
        %dma_wait3A_345 = tpu.memref_slice %arg5[%mul3A_19, %dma_wait3A_344] : memref<12500x128xi32, #tpu.memory_space<hbm>> -> memref<4x128xi32, #tpu.memory_space<hbm>>
        %dma_wait3A_346 = arith.constant 0 : i32
        %dma_wait3A_347 = tpu.memref_slice %arg5[%mul3A_19, %dma_wait3A_346] : memref<12500x128xi32, #tpu.memory_space<hbm>> -> memref<4x128xi32, #tpu.memory_space<hbm>>
        tpu.wait_dma2 semaphore(%run_scoped3A : memref<!tpu.dma_semaphore, #tpu.memory_space<semaphore_mem>>) src(%dma_wait3A_347 : memref<4x128xi32, #tpu.memory_space<hbm>>) dst(%arg11 : memref<4x128xi32, #tpu.memory_space<vmem>>)
        tpu.yield
      }) : () -> ()
      "tpu.region"() ({
        %run_scoped3A = tpu.sem_alloc : memref<!tpu.dma_semaphore, #tpu.memory_space<semaphore_mem>>
        %dma_start3A_340 = arith.constant 0 : i32
        %dma_start3A_341 = tpu.memref_slice %arg6[%mul3A_19, %dma_start3A_340] : memref<12500x128xi32, #tpu.memory_space<hbm>> -> memref<4x128xi32, #tpu.memory_space<hbm>>
        %dma_start3A_342 = arith.constant 0 : i32
        %dma_start3A_343 = tpu.memref_slice %arg6[%mul3A_19, %dma_start3A_342] : memref<12500x128xi32, #tpu.memory_space<hbm>> -> memref<4x128xi32, #tpu.memory_space<hbm>>
        tpu.enqueue_dma source(%dma_start3A_343 : memref<4x128xi32, #tpu.memory_space<hbm>>) target(%arg12 : memref<4x128xi32, #tpu.memory_space<vmem>>) target_semaphore(%run_scoped3A : memref<!tpu.dma_semaphore, #tpu.memory_space<semaphore_mem>>)
        %dma_wait3A_344 = arith.constant 0 : i32
        %dma_wait3A_345 = tpu.memref_slice %arg6[%mul3A_19, %dma_wait3A_344] : memref<12500x128xi32, #tpu.memory_space<hbm>> -> memref<4x128xi32, #tpu.memory_space<hbm>>
        %dma_wait3A_346 = arith.constant 0 : i32
        %dma_wait3A_347 = tpu.memref_slice %arg6[%mul3A_19, %dma_wait3A_346] : memref<12500x128xi32, #tpu.memory_space<hbm>> -> memref<4x128xi32, #tpu.memory_space<hbm>>
        tpu.wait_dma2 semaphore(%run_scoped3A : memref<!tpu.dma_semaphore, #tpu.memory_space<semaphore_mem>>) src(%dma_wait3A_347 : memref<4x128xi32, #tpu.memory_space<hbm>>) dst(%arg12 : memref<4x128xi32, #tpu.memory_space<vmem>>)
        tpu.yield
      }) : () -> ()
      %dma_start3A = arith.constant 0 : i32
      %dma_start3A_22 = arith.constant 0 : i32
      %dma_start3A_23 = arith.constant 0 : i32
      %dma_start3A_24 = tpu.memref_slice %arg13[%dma_start3A_22, %dma_start3A_23] : memref<512x32xf32, #tpu.memory_space<vmem>> -> memref<128x32xf32, #tpu.memory_space<vmem>>
      %dma_start3A_25 = arith.constant 0 : i32
      %dma_start3A_26 = tpu.memref_slice %arg11[%dma_start3A, %dma_start3A_25] : memref<4x128xi32, #tpu.memory_space<vmem>> -> memref<1x128xi32, #tpu.memory_space<vmem>>
      %dma_start3A_27 = tpu.memref_squeeze %dma_start3A_26 : memref<1x128xi32, #tpu.memory_space<vmem>> -> memref<128xi32, #tpu.memory_space<vmem>>
      %dma_start3A_28 = arith.constant 0 : i32
      %dma_start3A_29 = arith.constant 0 : i32
      %dma_start3A_30 = tpu.memref_slice %arg2[%dma_start3A_28, %dma_start3A_29] : memref<100000x32xf32, #tpu.memory_space<hbm>> -> memref<100000x32xf32, #tpu.memory_space<hbm>>
      tpu.enqueue_indirect_dma source(%dma_start3A_30 : memref<100000x32xf32, #tpu.memory_space<hbm>>) target(%dma_start3A_24 : memref<128x32xf32, #tpu.memory_space<vmem>>) offsets(%dma_start3A_27 : memref<128xi32, #tpu.memory_space<vmem>>) semaphore(%arg17 : memref<!tpu.dma_semaphore, #tpu.memory_space<semaphore_mem>>)
      %dma_start3A_31 = arith.constant 0 : i32
      %dma_start3A_32 = arith.constant 0 : i32
      %dma_start3A_33 = arith.constant 0 : i32
      %dma_start3A_34 = tpu.memref_slice %arg14[%dma_start3A_32, %dma_start3A_33] : memref<512x64xf32, #tpu.memory_space<vmem>> -> memref<128x64xf32, #tpu.memory_space<vmem>>
      %dma_start3A_35 = arith.constant 0 : i32
      %dma_start3A_36 = tpu.memref_slice %arg12[%dma_start3A_31, %dma_start3A_35] : memref<4x128xi32, #tpu.memory_space<vmem>> -> memref<1x128xi32, #tpu.memory_space<vmem>>
      %dma_start3A_37 = tpu.memref_squeeze %dma_start3A_36 : memref<1x128xi32, #tpu.memory_space<vmem>> -> memref<128xi32, #tpu.memory_space<vmem>>
      %dma_start3A_38 = arith.constant 0 : i32
      %dma_start3A_39 = arith.constant 0 : i32
      %dma_start3A_40 = tpu.memref_slice %arg3[%dma_start3A_38, %dma_start3A_39] : memref<100000x64xf32, #tpu.memory_space<hbm>> -> memref<100000x64xf32, #tpu.memory_space<hbm>>
      tpu.enqueue_indirect_dma source(%dma_start3A_40 : memref<100000x64xf32, #tpu.memory_space<hbm>>) target(%dma_start3A_34 : memref<128x64xf32, #tpu.memory_space<vmem>>) offsets(%dma_start3A_37 : memref<128xi32, #tpu.memory_space<vmem>>) semaphore(%arg17 : memref<!tpu.dma_semaphore, #tpu.memory_space<semaphore_mem>>)
      %dma_start3A_41 = arith.constant 0 : i32
      %dma_start3A_42 = arith.constant 0 : i32
      %dma_start3A_43 = arith.constant 0 : i32
      %dma_start3A_44 = tpu.memref_slice %arg15[%dma_start3A_42, %dma_start3A_43] : memref<512x16xf32, #tpu.memory_space<vmem>> -> memref<128x16xf32, #tpu.memory_space<vmem>>
      %dma_start3A_45 = arith.constant 0 : i32
      %dma_start3A_46 = tpu.memref_slice %arg11[%dma_start3A_41, %dma_start3A_45] : memref<4x128xi32, #tpu.memory_space<vmem>> -> memref<1x128xi32, #tpu.memory_space<vmem>>
      %dma_start3A_47 = tpu.memref_squeeze %dma_start3A_46 : memref<1x128xi32, #tpu.memory_space<vmem>> -> memref<128xi32, #tpu.memory_space<vmem>>
      %dma_start3A_48 = arith.constant 0 : i32
      %dma_start3A_49 = arith.constant 0 : i32
      %dma_start3A_50 = tpu.memref_slice %arg4[%dma_start3A_48, %dma_start3A_49] : memref<100000x16xf32, #tpu.memory_space<hbm>> -> memref<100000x16xf32, #tpu.memory_space<hbm>>
      tpu.enqueue_indirect_dma source(%dma_start3A_50 : memref<100000x16xf32, #tpu.memory_space<hbm>>) target(%dma_start3A_44 : memref<128x16xf32, #tpu.memory_space<vmem>>) offsets(%dma_start3A_47 : memref<128xi32, #tpu.memory_space<vmem>>) semaphore(%arg17 : memref<!tpu.dma_semaphore, #tpu.memory_space<semaphore_mem>>)
      %dma_start3A_51 = arith.constant 0 : i32
      %dma_start3A_52 = arith.constant 0 : i32
      %dma_start3A_53 = arith.constant 0 : i32
      %dma_start3A_54 = tpu.memref_slice %arg16[%dma_start3A_52, %dma_start3A_53] : memref<512x16xf32, #tpu.memory_space<vmem>> -> memref<128x16xf32, #tpu.memory_space<vmem>>
      %dma_start3A_55 = arith.constant 0 : i32
      %dma_start3A_56 = tpu.memref_slice %arg12[%dma_start3A_51, %dma_start3A_55] : memref<4x128xi32, #tpu.memory_space<vmem>> -> memref<1x128xi32, #tpu.memory_space<vmem>>
      %dma_start3A_57 = tpu.memref_squeeze %dma_start3A_56 : memref<1x128xi32, #tpu.memory_space<vmem>> -> memref<128xi32, #tpu.memory_space<vmem>>
      %dma_start3A_58 = arith.constant 0 : i32
      %dma_start3A_59 = arith.constant 0 : i32
      %dma_start3A_60 = tpu.memref_slice %arg4[%dma_start3A_58, %dma_start3A_59] : memref<100000x16xf32, #tpu.memory_space<hbm>> -> memref<100000x16xf32, #tpu.memory_space<hbm>>
      tpu.enqueue_indirect_dma source(%dma_start3A_60 : memref<100000x16xf32, #tpu.memory_space<hbm>>) target(%dma_start3A_54 : memref<128x16xf32, #tpu.memory_space<vmem>>) offsets(%dma_start3A_57 : memref<128xi32, #tpu.memory_space<vmem>>) semaphore(%arg17 : memref<!tpu.dma_semaphore, #tpu.memory_space<semaphore_mem>>)
      %dma_start3A_61 = arith.constant 1 : i32
      %dma_start3A_62 = arith.constant 128 : i32
      %dma_start3A_63 = arith.constant 0 : i32
      %dma_start3A_64 = tpu.memref_slice %arg13[%dma_start3A_62, %dma_start3A_63] : memref<512x32xf32, #tpu.memory_space<vmem>> -> memref<128x32xf32, #tpu.memory_space<vmem>>
      %dma_start3A_65 = arith.constant 0 : i32
      %dma_start3A_66 = tpu.memref_slice %arg11[%dma_start3A_61, %dma_start3A_65] : memref<4x128xi32, #tpu.memory_space<vmem>> -> memref<1x128xi32, #tpu.memory_space<vmem>>
      %dma_start3A_67 = tpu.memref_squeeze %dma_start3A_66 : memref<1x128xi32, #tpu.memory_space<vmem>> -> memref<128xi32, #tpu.memory_space<vmem>>
      %dma_start3A_68 = arith.constant 0 : i32
      %dma_start3A_69 = arith.constant 0 : i32
      %dma_start3A_70 = tpu.memref_slice %arg2[%dma_start3A_68, %dma_start3A_69] : memref<100000x32xf32, #tpu.memory_space<hbm>> -> memref<100000x32xf32, #tpu.memory_space<hbm>>
      tpu.enqueue_indirect_dma source(%dma_start3A_70 : memref<100000x32xf32, #tpu.memory_space<hbm>>) target(%dma_start3A_64 : memref<128x32xf32, #tpu.memory_space<vmem>>) offsets(%dma_start3A_67 : memref<128xi32, #tpu.memory_space<vmem>>) semaphore(%arg17 : memref<!tpu.dma_semaphore, #tpu.memory_space<semaphore_mem>>)
      %dma_start3A_71 = arith.constant 1 : i32
      %dma_start3A_72 = arith.constant 128 : i32
      %dma_start3A_73 = arith.constant 0 : i32
      %dma_start3A_74 = tpu.memref_slice %arg14[%dma_start3A_72, %dma_start3A_73] : memref<512x64xf32, #tpu.memory_space<vmem>> -> memref<128x64xf32, #tpu.memory_space<vmem>>
      %dma_start3A_75 = arith.constant 0 : i32
      %dma_start3A_76 = tpu.memref_slice %arg12[%dma_start3A_71, %dma_start3A_75] : memref<4x128xi32, #tpu.memory_space<vmem>> -> memref<1x128xi32, #tpu.memory_space<vmem>>
      %dma_start3A_77 = tpu.memref_squeeze %dma_start3A_76 : memref<1x128xi32, #tpu.memory_space<vmem>> -> memref<128xi32, #tpu.memory_space<vmem>>
      %dma_start3A_78 = arith.constant 0 : i32
      %dma_start3A_79 = arith.constant 0 : i32
      %dma_start3A_80 = tpu.memref_slice %arg3[%dma_start3A_78, %dma_start3A_79] : memref<100000x64xf32, #tpu.memory_space<hbm>> -> memref<100000x64xf32, #tpu.memory_space<hbm>>
      tpu.enqueue_indirect_dma source(%dma_start3A_80 : memref<100000x64xf32, #tpu.memory_space<hbm>>) target(%dma_start3A_74 : memref<128x64xf32, #tpu.memory_space<vmem>>) offsets(%dma_start3A_77 : memref<128xi32, #tpu.memory_space<vmem>>) semaphore(%arg17 : memref<!tpu.dma_semaphore, #tpu.memory_space<semaphore_mem>>)
      %dma_start3A_81 = arith.constant 1 : i32
      %dma_start3A_82 = arith.constant 128 : i32
      %dma_start3A_83 = arith.constant 0 : i32
      %dma_start3A_84 = tpu.memref_slice %arg15[%dma_start3A_82, %dma_start3A_83] : memref<512x16xf32, #tpu.memory_space<vmem>> -> memref<128x16xf32, #tpu.memory_space<vmem>>
      %dma_start3A_85 = arith.constant 0 : i32
      %dma_start3A_86 = tpu.memref_slice %arg11[%dma_start3A_81, %dma_start3A_85] : memref<4x128xi32, #tpu.memory_space<vmem>> -> memref<1x128xi32, #tpu.memory_space<vmem>>
      %dma_start3A_87 = tpu.memref_squeeze %dma_start3A_86 : memref<1x128xi32, #tpu.memory_space<vmem>> -> memref<128xi32, #tpu.memory_space<vmem>>
      %dma_start3A_88 = arith.constant 0 : i32
      %dma_start3A_89 = arith.constant 0 : i32
      %dma_start3A_90 = tpu.memref_slice %arg4[%dma_start3A_88, %dma_start3A_89] : memref<100000x16xf32, #tpu.memory_space<hbm>> -> memref<100000x16xf32, #tpu.memory_space<hbm>>
      tpu.enqueue_indirect_dma source(%dma_start3A_90 : memref<100000x16xf32, #tpu.memory_space<hbm>>) target(%dma_start3A_84 : memref<128x16xf32, #tpu.memory_space<vmem>>) offsets(%dma_start3A_87 : memref<128xi32, #tpu.memory_space<vmem>>) semaphore(%arg17 : memref<!tpu.dma_semaphore, #tpu.memory_space<semaphore_mem>>)
      %dma_start3A_91 = arith.constant 1 : i32
      %dma_start3A_92 = arith.constant 128 : i32
      %dma_start3A_93 = arith.constant 0 : i32
      %dma_start3A_94 = tpu.memref_slice %arg16[%dma_start3A_92, %dma_start3A_93] : memref<512x16xf32, #tpu.memory_space<vmem>> -> memref<128x16xf32, #tpu.memory_space<vmem>>
      %dma_start3A_95 = arith.constant 0 : i32
      %dma_start3A_96 = tpu.memref_slice %arg12[%dma_start3A_91, %dma_start3A_95] : memref<4x128xi32, #tpu.memory_space<vmem>> -> memref<1x128xi32, #tpu.memory_space<vmem>>
      %dma_start3A_97 = tpu.memref_squeeze %dma_start3A_96 : memref<1x128xi32, #tpu.memory_space<vmem>> -> memref<128xi32, #tpu.memory_space<vmem>>
      %dma_start3A_98 = arith.constant 0 : i32
      %dma_start3A_99 = arith.constant 0 : i32
      %dma_start3A_100 = tpu.memref_slice %arg4[%dma_start3A_98, %dma_start3A_99] : memref<100000x16xf32, #tpu.memory_space<hbm>> -> memref<100000x16xf32, #tpu.memory_space<hbm>>
      tpu.enqueue_indirect_dma source(%dma_start3A_100 : memref<100000x16xf32, #tpu.memory_space<hbm>>) target(%dma_start3A_94 : memref<128x16xf32, #tpu.memory_space<vmem>>) offsets(%dma_start3A_97 : memref<128xi32, #tpu.memory_space<vmem>>) semaphore(%arg17 : memref<!tpu.dma_semaphore, #tpu.memory_space<semaphore_mem>>)
      %dma_start3A_101 = arith.constant 2 : i32
      %dma_start3A_102 = arith.constant 256 : i32
      %dma_start3A_103 = arith.constant 0 : i32
      %dma_start3A_104 = tpu.memref_slice %arg13[%dma_start3A_102, %dma_start3A_103] : memref<512x32xf32, #tpu.memory_space<vmem>> -> memref<128x32xf32, #tpu.memory_space<vmem>>
      %dma_start3A_105 = arith.constant 0 : i32
      %dma_start3A_106 = tpu.memref_slice %arg11[%dma_start3A_101, %dma_start3A_105] : memref<4x128xi32, #tpu.memory_space<vmem>> -> memref<1x128xi32, #tpu.memory_space<vmem>>
      %dma_start3A_107 = tpu.memref_squeeze %dma_start3A_106 : memref<1x128xi32, #tpu.memory_space<vmem>> -> memref<128xi32, #tpu.memory_space<vmem>>
      %dma_start3A_108 = arith.constant 0 : i32
      %dma_start3A_109 = arith.constant 0 : i32
      %dma_start3A_110 = tpu.memref_slice %arg2[%dma_start3A_108, %dma_start3A_109] : memref<100000x32xf32, #tpu.memory_space<hbm>> -> memref<100000x32xf32, #tpu.memory_space<hbm>>
      tpu.enqueue_indirect_dma source(%dma_start3A_110 : memref<100000x32xf32, #tpu.memory_space<hbm>>) target(%dma_start3A_104 : memref<128x32xf32, #tpu.memory_space<vmem>>) offsets(%dma_start3A_107 : memref<128xi32, #tpu.memory_space<vmem>>) semaphore(%arg17 : memref<!tpu.dma_semaphore, #tpu.memory_space<semaphore_mem>>)
      %dma_start3A_111 = arith.constant 2 : i32
      %dma_start3A_112 = arith.constant 256 : i32
      %dma_start3A_113 = arith.constant 0 : i32
      %dma_start3A_114 = tpu.memref_slice %arg14[%dma_start3A_112, %dma_start3A_113] : memref<512x64xf32, #tpu.memory_space<vmem>> -> memref<128x64xf32, #tpu.memory_space<vmem>>
      %dma_start3A_115 = arith.constant 0 : i32
      %dma_start3A_116 = tpu.memref_slice %arg12[%dma_start3A_111, %dma_start3A_115] : memref<4x128xi32, #tpu.memory_space<vmem>> -> memref<1x128xi32, #tpu.memory_space<vmem>>
      %dma_start3A_117 = tpu.memref_squeeze %dma_start3A_116 : memref<1x128xi32, #tpu.memory_space<vmem>> -> memref<128xi32, #tpu.memory_space<vmem>>
      %dma_start3A_118 = arith.constant 0 : i32
      %dma_start3A_119 = arith.constant 0 : i32
      %dma_start3A_120 = tpu.memref_slice %arg3[%dma_start3A_118, %dma_start3A_119] : memref<100000x64xf32, #tpu.memory_space<hbm>> -> memref<100000x64xf32, #tpu.memory_space<hbm>>
      tpu.enqueue_indirect_dma source(%dma_start3A_120 : memref<100000x64xf32, #tpu.memory_space<hbm>>) target(%dma_start3A_114 : memref<128x64xf32, #tpu.memory_space<vmem>>) offsets(%dma_start3A_117 : memref<128xi32, #tpu.memory_space<vmem>>) semaphore(%arg17 : memref<!tpu.dma_semaphore, #tpu.memory_space<semaphore_mem>>)
      %dma_start3A_121 = arith.constant 2 : i32
      %dma_start3A_122 = arith.constant 256 : i32
      %dma_start3A_123 = arith.constant 0 : i32
      %dma_start3A_124 = tpu.memref_slice %arg15[%dma_start3A_122, %dma_start3A_123] : memref<512x16xf32, #tpu.memory_space<vmem>> -> memref<128x16xf32, #tpu.memory_space<vmem>>
      %dma_start3A_125 = arith.constant 0 : i32
      %dma_start3A_126 = tpu.memref_slice %arg11[%dma_start3A_121, %dma_start3A_125] : memref<4x128xi32, #tpu.memory_space<vmem>> -> memref<1x128xi32, #tpu.memory_space<vmem>>
      %dma_start3A_127 = tpu.memref_squeeze %dma_start3A_126 : memref<1x128xi32, #tpu.memory_space<vmem>> -> memref<128xi32, #tpu.memory_space<vmem>>
      %dma_start3A_128 = arith.constant 0 : i32
      %dma_start3A_129 = arith.constant 0 : i32
      %dma_start3A_130 = tpu.memref_slice %arg4[%dma_start3A_128, %dma_start3A_129] : memref<100000x16xf32, #tpu.memory_space<hbm>> -> memref<100000x16xf32, #tpu.memory_space<hbm>>
      tpu.enqueue_indirect_dma source(%dma_start3A_130 : memref<100000x16xf32, #tpu.memory_space<hbm>>) target(%dma_start3A_124 : memref<128x16xf32, #tpu.memory_space<vmem>>) offsets(%dma_start3A_127 : memref<128xi32, #tpu.memory_space<vmem>>) semaphore(%arg17 : memref<!tpu.dma_semaphore, #tpu.memory_space<semaphore_mem>>)
      %dma_start3A_131 = arith.constant 2 : i32
      %dma_start3A_132 = arith.constant 256 : i32
      %dma_start3A_133 = arith.constant 0 : i32
      %dma_start3A_134 = tpu.memref_slice %arg16[%dma_start3A_132, %dma_start3A_133] : memref<512x16xf32, #tpu.memory_space<vmem>> -> memref<128x16xf32, #tpu.memory_space<vmem>>
      %dma_start3A_135 = arith.constant 0 : i32
      %dma_start3A_136 = tpu.memref_slice %arg12[%dma_start3A_131, %dma_start3A_135] : memref<4x128xi32, #tpu.memory_space<vmem>> -> memref<1x128xi32, #tpu.memory_space<vmem>>
      %dma_start3A_137 = tpu.memref_squeeze %dma_start3A_136 : memref<1x128xi32, #tpu.memory_space<vmem>> -> memref<128xi32, #tpu.memory_space<vmem>>
      %dma_start3A_138 = arith.constant 0 : i32
      %dma_start3A_139 = arith.constant 0 : i32
      %dma_start3A_140 = tpu.memref_slice %arg4[%dma_start3A_138, %dma_start3A_139] : memref<100000x16xf32, #tpu.memory_space<hbm>> -> memref<100000x16xf32, #tpu.memory_space<hbm>>
      tpu.enqueue_indirect_dma source(%dma_start3A_140 : memref<100000x16xf32, #tpu.memory_space<hbm>>) target(%dma_start3A_134 : memref<128x16xf32, #tpu.memory_space<vmem>>) offsets(%dma_start3A_137 : memref<128xi32, #tpu.memory_space<vmem>>) semaphore(%arg17 : memref<!tpu.dma_semaphore, #tpu.memory_space<semaphore_mem>>)
      %dma_start3A_141 = arith.constant 3 : i32
      %dma_start3A_142 = arith.constant 384 : i32
      %dma_start3A_143 = arith.constant 0 : i32
      %dma_start3A_144 = tpu.memref_slice %arg13[%dma_start3A_142, %dma_start3A_143] : memref<512x32xf32, #tpu.memory_space<vmem>> -> memref<128x32xf32, #tpu.memory_space<vmem>>
      %dma_start3A_145 = arith.constant 0 : i32
      %dma_start3A_146 = tpu.memref_slice %arg11[%dma_start3A_141, %dma_start3A_145] : memref<4x128xi32, #tpu.memory_space<vmem>> -> memref<1x128xi32, #tpu.memory_space<vmem>>
      %dma_start3A_147 = tpu.memref_squeeze %dma_start3A_146 : memref<1x128xi32, #tpu.memory_space<vmem>> -> memref<128xi32, #tpu.memory_space<vmem>>
      %dma_start3A_148 = arith.constant 0 : i32
      %dma_start3A_149 = arith.constant 0 : i32
      %dma_start3A_150 = tpu.memref_slice %arg2[%dma_start3A_148, %dma_start3A_149] : memref<100000x32xf32, #tpu.memory_space<hbm>> -> memref<100000x32xf32, #tpu.memory_space<hbm>>
      tpu.enqueue_indirect_dma source(%dma_start3A_150 : memref<100000x32xf32, #tpu.memory_space<hbm>>) target(%dma_start3A_144 : memref<128x32xf32, #tpu.memory_space<vmem>>) offsets(%dma_start3A_147 : memref<128xi32, #tpu.memory_space<vmem>>) semaphore(%arg17 : memref<!tpu.dma_semaphore, #tpu.memory_space<semaphore_mem>>)
      %dma_start3A_151 = arith.constant 3 : i32
      %dma_start3A_152 = arith.constant 384 : i32
      %dma_start3A_153 = arith.constant 0 : i32
      %dma_start3A_154 = tpu.memref_slice %arg14[%dma_start3A_152, %dma_start3A_153] : memref<512x64xf32, #tpu.memory_space<vmem>> -> memref<128x64xf32, #tpu.memory_space<vmem>>
      %dma_start3A_155 = arith.constant 0 : i32
      %dma_start3A_156 = tpu.memref_slice %arg12[%dma_start3A_151, %dma_start3A_155] : memref<4x128xi32, #tpu.memory_space<vmem>> -> memref<1x128xi32, #tpu.memory_space<vmem>>
      %dma_start3A_157 = tpu.memref_squeeze %dma_start3A_156 : memref<1x128xi32, #tpu.memory_space<vmem>> -> memref<128xi32, #tpu.memory_space<vmem>>
      %dma_start3A_158 = arith.constant 0 : i32
      %dma_start3A_159 = arith.constant 0 : i32
      %dma_start3A_160 = tpu.memref_slice %arg3[%dma_start3A_158, %dma_start3A_159] : memref<100000x64xf32, #tpu.memory_space<hbm>> -> memref<100000x64xf32, #tpu.memory_space<hbm>>
      tpu.enqueue_indirect_dma source(%dma_start3A_160 : memref<100000x64xf32, #tpu.memory_space<hbm>>) target(%dma_start3A_154 : memref<128x64xf32, #tpu.memory_space<vmem>>) offsets(%dma_start3A_157 : memref<128xi32, #tpu.memory_space<vmem>>) semaphore(%arg17 : memref<!tpu.dma_semaphore, #tpu.memory_space<semaphore_mem>>)
      %dma_start3A_161 = arith.constant 3 : i32
      %dma_start3A_162 = arith.constant 384 : i32
      %dma_start3A_163 = arith.constant 0 : i32
      %dma_start3A_164 = tpu.memref_slice %arg15[%dma_start3A_162, %dma_start3A_163] : memref<512x16xf32, #tpu.memory_space<vmem>> -> memref<128x16xf32, #tpu.memory_space<vmem>>
      %dma_start3A_165 = arith.constant 0 : i32
      %dma_start3A_166 = tpu.memref_slice %arg11[%dma_start3A_161, %dma_start3A_165] : memref<4x128xi32, #tpu.memory_space<vmem>> -> memref<1x128xi32, #tpu.memory_space<vmem>>
      %dma_start3A_167 = tpu.memref_squeeze %dma_start3A_166 : memref<1x128xi32, #tpu.memory_space<vmem>> -> memref<128xi32, #tpu.memory_space<vmem>>
      %dma_start3A_168 = arith.constant 0 : i32
      %dma_start3A_169 = arith.constant 0 : i32
      %dma_start3A_170 = tpu.memref_slice %arg4[%dma_start3A_168, %dma_start3A_169] : memref<100000x16xf32, #tpu.memory_space<hbm>> -> memref<100000x16xf32, #tpu.memory_space<hbm>>
      tpu.enqueue_indirect_dma source(%dma_start3A_170 : memref<100000x16xf32, #tpu.memory_space<hbm>>) target(%dma_start3A_164 : memref<128x16xf32, #tpu.memory_space<vmem>>) offsets(%dma_start3A_167 : memref<128xi32, #tpu.memory_space<vmem>>) semaphore(%arg17 : memref<!tpu.dma_semaphore, #tpu.memory_space<semaphore_mem>>)
      %dma_start3A_171 = arith.constant 3 : i32
      %dma_start3A_172 = arith.constant 384 : i32
      %dma_start3A_173 = arith.constant 0 : i32
      %dma_start3A_174 = tpu.memref_slice %arg16[%dma_start3A_172, %dma_start3A_173] : memref<512x16xf32, #tpu.memory_space<vmem>> -> memref<128x16xf32, #tpu.memory_space<vmem>>
      %dma_start3A_175 = arith.constant 0 : i32
      %dma_start3A_176 = tpu.memref_slice %arg12[%dma_start3A_171, %dma_start3A_175] : memref<4x128xi32, #tpu.memory_space<vmem>> -> memref<1x128xi32, #tpu.memory_space<vmem>>
      %dma_start3A_177 = tpu.memref_squeeze %dma_start3A_176 : memref<1x128xi32, #tpu.memory_space<vmem>> -> memref<128xi32, #tpu.memory_space<vmem>>
      %dma_start3A_178 = arith.constant 0 : i32
      %dma_start3A_179 = arith.constant 0 : i32
      %dma_start3A_180 = tpu.memref_slice %arg4[%dma_start3A_178, %dma_start3A_179] : memref<100000x16xf32, #tpu.memory_space<hbm>> -> memref<100000x16xf32, #tpu.memory_space<hbm>>
      tpu.enqueue_indirect_dma source(%dma_start3A_180 : memref<100000x16xf32, #tpu.memory_space<hbm>>) target(%dma_start3A_174 : memref<128x16xf32, #tpu.memory_space<vmem>>) offsets(%dma_start3A_177 : memref<128xi32, #tpu.memory_space<vmem>>) semaphore(%arg17 : memref<!tpu.dma_semaphore, #tpu.memory_space<semaphore_mem>>)
      %dma_wait3A = arith.constant 0 : i32
      %dma_wait3A_181 = arith.constant 0 : i32
      %dma_wait3A_182 = arith.constant 0 : i32
      %dma_wait3A_183 = tpu.memref_slice %arg13[%dma_wait3A_181, %dma_wait3A_182] : memref<512x32xf32, #tpu.memory_space<vmem>> -> memref<128x32xf32, #tpu.memory_space<vmem>>
      %dma_wait3A_184 = arith.constant 0 : i32
      %dma_wait3A_185 = tpu.memref_slice %arg11[%dma_wait3A, %dma_wait3A_184] : memref<4x128xi32, #tpu.memory_space<vmem>> -> memref<1x128xi32, #tpu.memory_space<vmem>>
      %dma_wait3A_186 = tpu.memref_squeeze %dma_wait3A_185 : memref<1x128xi32, #tpu.memory_space<vmem>> -> memref<128xi32, #tpu.memory_space<vmem>>
      %dma_wait3A_187 = arith.constant 0 : i32
      %dma_wait3A_188 = arith.constant 0 : i32
      %dma_wait3A_189 = tpu.memref_slice %arg2[%dma_wait3A_187, %dma_wait3A_188] : memref<100000x32xf32, #tpu.memory_space<hbm>> -> memref<100000x32xf32, #tpu.memory_space<hbm>>
      tpu.wait_indirect_dma semaphore(%arg17 : memref<!tpu.dma_semaphore, #tpu.memory_space<semaphore_mem>>) src(%dma_wait3A_189 : memref<100000x32xf32, #tpu.memory_space<hbm>>) dst(%dma_wait3A_183 : memref<128x32xf32, #tpu.memory_space<vmem>>)
      %dma_wait3A_190 = arith.constant 0 : i32
      %dma_wait3A_191 = arith.constant 0 : i32
      %dma_wait3A_192 = arith.constant 0 : i32
      %dma_wait3A_193 = tpu.memref_slice %arg14[%dma_wait3A_191, %dma_wait3A_192] : memref<512x64xf32, #tpu.memory_space<vmem>> -> memref<128x64xf32, #tpu.memory_space<vmem>>
      %dma_wait3A_194 = arith.constant 0 : i32
      %dma_wait3A_195 = tpu.memref_slice %arg12[%dma_wait3A_190, %dma_wait3A_194] : memref<4x128xi32, #tpu.memory_space<vmem>> -> memref<1x128xi32, #tpu.memory_space<vmem>>
      %dma_wait3A_196 = tpu.memref_squeeze %dma_wait3A_195 : memref<1x128xi32, #tpu.memory_space<vmem>> -> memref<128xi32, #tpu.memory_space<vmem>>
      %dma_wait3A_197 = arith.constant 0 : i32
      %dma_wait3A_198 = arith.constant 0 : i32
      %dma_wait3A_199 = tpu.memref_slice %arg3[%dma_wait3A_197, %dma_wait3A_198] : memref<100000x64xf32, #tpu.memory_space<hbm>> -> memref<100000x64xf32, #tpu.memory_space<hbm>>
      tpu.wait_indirect_dma semaphore(%arg17 : memref<!tpu.dma_semaphore, #tpu.memory_space<semaphore_mem>>) src(%dma_wait3A_199 : memref<100000x64xf32, #tpu.memory_space<hbm>>) dst(%dma_wait3A_193 : memref<128x64xf32, #tpu.memory_space<vmem>>)
      %dma_wait3A_200 = arith.constant 0 : i32
      %dma_wait3A_201 = arith.constant 0 : i32
      %dma_wait3A_202 = arith.constant 0 : i32
      %dma_wait3A_203 = tpu.memref_slice %arg15[%dma_wait3A_201, %dma_wait3A_202] : memref<512x16xf32, #tpu.memory_space<vmem>> -> memref<128x16xf32, #tpu.memory_space<vmem>>
      %dma_wait3A_204 = arith.constant 0 : i32
      %dma_wait3A_205 = tpu.memref_slice %arg11[%dma_wait3A_200, %dma_wait3A_204] : memref<4x128xi32, #tpu.memory_space<vmem>> -> memref<1x128xi32, #tpu.memory_space<vmem>>
      %dma_wait3A_206 = tpu.memref_squeeze %dma_wait3A_205 : memref<1x128xi32, #tpu.memory_space<vmem>> -> memref<128xi32, #tpu.memory_space<vmem>>
      %dma_wait3A_207 = arith.constant 0 : i32
      %dma_wait3A_208 = arith.constant 0 : i32
      %dma_wait3A_209 = tpu.memref_slice %arg4[%dma_wait3A_207, %dma_wait3A_208] : memref<100000x16xf32, #tpu.memory_space<hbm>> -> memref<100000x16xf32, #tpu.memory_space<hbm>>
      tpu.wait_indirect_dma semaphore(%arg17 : memref<!tpu.dma_semaphore, #tpu.memory_space<semaphore_mem>>) src(%dma_wait3A_209 : memref<100000x16xf32, #tpu.memory_space<hbm>>) dst(%dma_wait3A_203 : memref<128x16xf32, #tpu.memory_space<vmem>>)
      %dma_wait3A_210 = arith.constant 0 : i32
      %dma_wait3A_211 = arith.constant 0 : i32
      %dma_wait3A_212 = arith.constant 0 : i32
      %dma_wait3A_213 = tpu.memref_slice %arg16[%dma_wait3A_211, %dma_wait3A_212] : memref<512x16xf32, #tpu.memory_space<vmem>> -> memref<128x16xf32, #tpu.memory_space<vmem>>
      %dma_wait3A_214 = arith.constant 0 : i32
      %dma_wait3A_215 = tpu.memref_slice %arg12[%dma_wait3A_210, %dma_wait3A_214] : memref<4x128xi32, #tpu.memory_space<vmem>> -> memref<1x128xi32, #tpu.memory_space<vmem>>
      %dma_wait3A_216 = tpu.memref_squeeze %dma_wait3A_215 : memref<1x128xi32, #tpu.memory_space<vmem>> -> memref<128xi32, #tpu.memory_space<vmem>>
      %dma_wait3A_217 = arith.constant 0 : i32
      %dma_wait3A_218 = arith.constant 0 : i32
      %dma_wait3A_219 = tpu.memref_slice %arg4[%dma_wait3A_217, %dma_wait3A_218] : memref<100000x16xf32, #tpu.memory_space<hbm>> -> memref<100000x16xf32, #tpu.memory_space<hbm>>
      tpu.wait_indirect_dma semaphore(%arg17 : memref<!tpu.dma_semaphore, #tpu.memory_space<semaphore_mem>>) src(%dma_wait3A_219 : memref<100000x16xf32, #tpu.memory_space<hbm>>) dst(%dma_wait3A_213 : memref<128x16xf32, #tpu.memory_space<vmem>>)
      %dma_wait3A_220 = arith.constant 1 : i32
      %dma_wait3A_221 = arith.constant 128 : i32
      %dma_wait3A_222 = arith.constant 0 : i32
      %dma_wait3A_223 = tpu.memref_slice %arg13[%dma_wait3A_221, %dma_wait3A_222] : memref<512x32xf32, #tpu.memory_space<vmem>> -> memref<128x32xf32, #tpu.memory_space<vmem>>
      %dma_wait3A_224 = arith.constant 0 : i32
      %dma_wait3A_225 = tpu.memref_slice %arg11[%dma_wait3A_220, %dma_wait3A_224] : memref<4x128xi32, #tpu.memory_space<vmem>> -> memref<1x128xi32, #tpu.memory_space<vmem>>
      %dma_wait3A_226 = tpu.memref_squeeze %dma_wait3A_225 : memref<1x128xi32, #tpu.memory_space<vmem>> -> memref<128xi32, #tpu.memory_space<vmem>>
      %dma_wait3A_227 = arith.constant 0 : i32
      %dma_wait3A_228 = arith.constant 0 : i32
      %dma_wait3A_229 = tpu.memref_slice %arg2[%dma_wait3A_227, %dma_wait3A_228] : memref<100000x32xf32, #tpu.memory_space<hbm>> -> memref<100000x32xf32, #tpu.memory_space<hbm>>
      tpu.wait_indirect_dma semaphore(%arg17 : memref<!tpu.dma_semaphore, #tpu.memory_space<semaphore_mem>>) src(%dma_wait3A_229 : memref<100000x32xf32, #tpu.memory_space<hbm>>) dst(%dma_wait3A_223 : memref<128x32xf32, #tpu.memory_space<vmem>>)
      %dma_wait3A_230 = arith.constant 1 : i32
      %dma_wait3A_231 = arith.constant 128 : i32
      %dma_wait3A_232 = arith.constant 0 : i32
      %dma_wait3A_233 = tpu.memref_slice %arg14[%dma_wait3A_231, %dma_wait3A_232] : memref<512x64xf32, #tpu.memory_space<vmem>> -> memref<128x64xf32, #tpu.memory_space<vmem>>
      %dma_wait3A_234 = arith.constant 0 : i32
      %dma_wait3A_235 = tpu.memref_slice %arg12[%dma_wait3A_230, %dma_wait3A_234] : memref<4x128xi32, #tpu.memory_space<vmem>> -> memref<1x128xi32, #tpu.memory_space<vmem>>
      %dma_wait3A_236 = tpu.memref_squeeze %dma_wait3A_235 : memref<1x128xi32, #tpu.memory_space<vmem>> -> memref<128xi32, #tpu.memory_space<vmem>>
      %dma_wait3A_237 = arith.constant 0 : i32
      %dma_wait3A_238 = arith.constant 0 : i32
      %dma_wait3A_239 = tpu.memref_slice %arg3[%dma_wait3A_237, %dma_wait3A_238] : memref<100000x64xf32, #tpu.memory_space<hbm>> -> memref<100000x64xf32, #tpu.memory_space<hbm>>
      tpu.wait_indirect_dma semaphore(%arg17 : memref<!tpu.dma_semaphore, #tpu.memory_space<semaphore_mem>>) src(%dma_wait3A_239 : memref<100000x64xf32, #tpu.memory_space<hbm>>) dst(%dma_wait3A_233 : memref<128x64xf32, #tpu.memory_space<vmem>>)
      %dma_wait3A_240 = arith.constant 1 : i32
      %dma_wait3A_241 = arith.constant 128 : i32
      %dma_wait3A_242 = arith.constant 0 : i32
      %dma_wait3A_243 = tpu.memref_slice %arg15[%dma_wait3A_241, %dma_wait3A_242] : memref<512x16xf32, #tpu.memory_space<vmem>> -> memref<128x16xf32, #tpu.memory_space<vmem>>
      %dma_wait3A_244 = arith.constant 0 : i32
      %dma_wait3A_245 = tpu.memref_slice %arg11[%dma_wait3A_240, %dma_wait3A_244] : memref<4x128xi32, #tpu.memory_space<vmem>> -> memref<1x128xi32, #tpu.memory_space<vmem>>
      %dma_wait3A_246 = tpu.memref_squeeze %dma_wait3A_245 : memref<1x128xi32, #tpu.memory_space<vmem>> -> memref<128xi32, #tpu.memory_space<vmem>>
      %dma_wait3A_247 = arith.constant 0 : i32
      %dma_wait3A_248 = arith.constant 0 : i32
      %dma_wait3A_249 = tpu.memref_slice %arg4[%dma_wait3A_247, %dma_wait3A_248] : memref<100000x16xf32, #tpu.memory_space<hbm>> -> memref<100000x16xf32, #tpu.memory_space<hbm>>
      tpu.wait_indirect_dma semaphore(%arg17 : memref<!tpu.dma_semaphore, #tpu.memory_space<semaphore_mem>>) src(%dma_wait3A_249 : memref<100000x16xf32, #tpu.memory_space<hbm>>) dst(%dma_wait3A_243 : memref<128x16xf32, #tpu.memory_space<vmem>>)
      %dma_wait3A_250 = arith.constant 1 : i32
      %dma_wait3A_251 = arith.constant 128 : i32
      %dma_wait3A_252 = arith.constant 0 : i32
      %dma_wait3A_253 = tpu.memref_slice %arg16[%dma_wait3A_251, %dma_wait3A_252] : memref<512x16xf32, #tpu.memory_space<vmem>> -> memref<128x16xf32, #tpu.memory_space<vmem>>
      %dma_wait3A_254 = arith.constant 0 : i32
      %dma_wait3A_255 = tpu.memref_slice %arg12[%dma_wait3A_250, %dma_wait3A_254] : memref<4x128xi32, #tpu.memory_space<vmem>> -> memref<1x128xi32, #tpu.memory_space<vmem>>
      %dma_wait3A_256 = tpu.memref_squeeze %dma_wait3A_255 : memref<1x128xi32, #tpu.memory_space<vmem>> -> memref<128xi32, #tpu.memory_space<vmem>>
      %dma_wait3A_257 = arith.constant 0 : i32
      %dma_wait3A_258 = arith.constant 0 : i32
      %dma_wait3A_259 = tpu.memref_slice %arg4[%dma_wait3A_257, %dma_wait3A_258] : memref<100000x16xf32, #tpu.memory_space<hbm>> -> memref<100000x16xf32, #tpu.memory_space<hbm>>
      tpu.wait_indirect_dma semaphore(%arg17 : memref<!tpu.dma_semaphore, #tpu.memory_space<semaphore_mem>>) src(%dma_wait3A_259 : memref<100000x16xf32, #tpu.memory_space<hbm>>) dst(%dma_wait3A_253 : memref<128x16xf32, #tpu.memory_space<vmem>>)
      %dma_wait3A_260 = arith.constant 2 : i32
      %dma_wait3A_261 = arith.constant 256 : i32
      %dma_wait3A_262 = arith.constant 0 : i32
      %dma_wait3A_263 = tpu.memref_slice %arg13[%dma_wait3A_261, %dma_wait3A_262] : memref<512x32xf32, #tpu.memory_space<vmem>> -> memref<128x32xf32, #tpu.memory_space<vmem>>
      %dma_wait3A_264 = arith.constant 0 : i32
      %dma_wait3A_265 = tpu.memref_slice %arg11[%dma_wait3A_260, %dma_wait3A_264] : memref<4x128xi32, #tpu.memory_space<vmem>> -> memref<1x128xi32, #tpu.memory_space<vmem>>
      %dma_wait3A_266 = tpu.memref_squeeze %dma_wait3A_265 : memref<1x128xi32, #tpu.memory_space<vmem>> -> memref<128xi32, #tpu.memory_space<vmem>>
      %dma_wait3A_267 = arith.constant 0 : i32
      %dma_wait3A_268 = arith.constant 0 : i32
      %dma_wait3A_269 = tpu.memref_slice %arg2[%dma_wait3A_267, %dma_wait3A_268] : memref<100000x32xf32, #tpu.memory_space<hbm>> -> memref<100000x32xf32, #tpu.memory_space<hbm>>
      tpu.wait_indirect_dma semaphore(%arg17 : memref<!tpu.dma_semaphore, #tpu.memory_space<semaphore_mem>>) src(%dma_wait3A_269 : memref<100000x32xf32, #tpu.memory_space<hbm>>) dst(%dma_wait3A_263 : memref<128x32xf32, #tpu.memory_space<vmem>>)
      %dma_wait3A_270 = arith.constant 2 : i32
      %dma_wait3A_271 = arith.constant 256 : i32
      %dma_wait3A_272 = arith.constant 0 : i32
      %dma_wait3A_273 = tpu.memref_slice %arg14[%dma_wait3A_271, %dma_wait3A_272] : memref<512x64xf32, #tpu.memory_space<vmem>> -> memref<128x64xf32, #tpu.memory_space<vmem>>
      %dma_wait3A_274 = arith.constant 0 : i32
      %dma_wait3A_275 = tpu.memref_slice %arg12[%dma_wait3A_270, %dma_wait3A_274] : memref<4x128xi32, #tpu.memory_space<vmem>> -> memref<1x128xi32, #tpu.memory_space<vmem>>
      %dma_wait3A_276 = tpu.memref_squeeze %dma_wait3A_275 : memref<1x128xi32, #tpu.memory_space<vmem>> -> memref<128xi32, #tpu.memory_space<vmem>>
      %dma_wait3A_277 = arith.constant 0 : i32
      %dma_wait3A_278 = arith.constant 0 : i32
      %dma_wait3A_279 = tpu.memref_slice %arg3[%dma_wait3A_277, %dma_wait3A_278] : memref<100000x64xf32, #tpu.memory_space<hbm>> -> memref<100000x64xf32, #tpu.memory_space<hbm>>
      tpu.wait_indirect_dma semaphore(%arg17 : memref<!tpu.dma_semaphore, #tpu.memory_space<semaphore_mem>>) src(%dma_wait3A_279 : memref<100000x64xf32, #tpu.memory_space<hbm>>) dst(%dma_wait3A_273 : memref<128x64xf32, #tpu.memory_space<vmem>>)
      %dma_wait3A_280 = arith.constant 2 : i32
      %dma_wait3A_281 = arith.constant 256 : i32
      %dma_wait3A_282 = arith.constant 0 : i32
      %dma_wait3A_283 = tpu.memref_slice %arg15[%dma_wait3A_281, %dma_wait3A_282] : memref<512x16xf32, #tpu.memory_space<vmem>> -> memref<128x16xf32, #tpu.memory_space<vmem>>
      %dma_wait3A_284 = arith.constant 0 : i32
      %dma_wait3A_285 = tpu.memref_slice %arg11[%dma_wait3A_280, %dma_wait3A_284] : memref<4x128xi32, #tpu.memory_space<vmem>> -> memref<1x128xi32, #tpu.memory_space<vmem>>
      %dma_wait3A_286 = tpu.memref_squeeze %dma_wait3A_285 : memref<1x128xi32, #tpu.memory_space<vmem>> -> memref<128xi32, #tpu.memory_space<vmem>>
      %dma_wait3A_287 = arith.constant 0 : i32
      %dma_wait3A_288 = arith.constant 0 : i32
      %dma_wait3A_289 = tpu.memref_slice %arg4[%dma_wait3A_287, %dma_wait3A_288] : memref<100000x16xf32, #tpu.memory_space<hbm>> -> memref<100000x16xf32, #tpu.memory_space<hbm>>
      tpu.wait_indirect_dma semaphore(%arg17 : memref<!tpu.dma_semaphore, #tpu.memory_space<semaphore_mem>>) src(%dma_wait3A_289 : memref<100000x16xf32, #tpu.memory_space<hbm>>) dst(%dma_wait3A_283 : memref<128x16xf32, #tpu.memory_space<vmem>>)
      %dma_wait3A_290 = arith.constant 2 : i32
      %dma_wait3A_291 = arith.constant 256 : i32
      %dma_wait3A_292 = arith.constant 0 : i32
      %dma_wait3A_293 = tpu.memref_slice %arg16[%dma_wait3A_291, %dma_wait3A_292] : memref<512x16xf32, #tpu.memory_space<vmem>> -> memref<128x16xf32, #tpu.memory_space<vmem>>
      %dma_wait3A_294 = arith.constant 0 : i32
      %dma_wait3A_295 = tpu.memref_slice %arg12[%dma_wait3A_290, %dma_wait3A_294] : memref<4x128xi32, #tpu.memory_space<vmem>> -> memref<1x128xi32, #tpu.memory_space<vmem>>
      %dma_wait3A_296 = tpu.memref_squeeze %dma_wait3A_295 : memref<1x128xi32, #tpu.memory_space<vmem>> -> memref<128xi32, #tpu.memory_space<vmem>>
      %dma_wait3A_297 = arith.constant 0 : i32
      %dma_wait3A_298 = arith.constant 0 : i32
      %dma_wait3A_299 = tpu.memref_slice %arg4[%dma_wait3A_297, %dma_wait3A_298] : memref<100000x16xf32, #tpu.memory_space<hbm>> -> memref<100000x16xf32, #tpu.memory_space<hbm>>
      tpu.wait_indirect_dma semaphore(%arg17 : memref<!tpu.dma_semaphore, #tpu.memory_space<semaphore_mem>>) src(%dma_wait3A_299 : memref<100000x16xf32, #tpu.memory_space<hbm>>) dst(%dma_wait3A_293 : memref<128x16xf32, #tpu.memory_space<vmem>>)
      %dma_wait3A_300 = arith.constant 3 : i32
      %dma_wait3A_301 = arith.constant 384 : i32
      %dma_wait3A_302 = arith.constant 0 : i32
      %dma_wait3A_303 = tpu.memref_slice %arg13[%dma_wait3A_301, %dma_wait3A_302] : memref<512x32xf32, #tpu.memory_space<vmem>> -> memref<128x32xf32, #tpu.memory_space<vmem>>
      %dma_wait3A_304 = arith.constant 0 : i32
      %dma_wait3A_305 = tpu.memref_slice %arg11[%dma_wait3A_300, %dma_wait3A_304] : memref<4x128xi32, #tpu.memory_space<vmem>> -> memref<1x128xi32, #tpu.memory_space<vmem>>
      %dma_wait3A_306 = tpu.memref_squeeze %dma_wait3A_305 : memref<1x128xi32, #tpu.memory_space<vmem>> -> memref<128xi32, #tpu.memory_space<vmem>>
      %dma_wait3A_307 = arith.constant 0 : i32
      %dma_wait3A_308 = arith.constant 0 : i32
      %dma_wait3A_309 = tpu.memref_slice %arg2[%dma_wait3A_307, %dma_wait3A_308] : memref<100000x32xf32, #tpu.memory_space<hbm>> -> memref<100000x32xf32, #tpu.memory_space<hbm>>
      tpu.wait_indirect_dma semaphore(%arg17 : memref<!tpu.dma_semaphore, #tpu.memory_space<semaphore_mem>>) src(%dma_wait3A_309 : memref<100000x32xf32, #tpu.memory_space<hbm>>) dst(%dma_wait3A_303 : memref<128x32xf32, #tpu.memory_space<vmem>>)
      %dma_wait3A_310 = arith.constant 3 : i32
      %dma_wait3A_311 = arith.constant 384 : i32
      %dma_wait3A_312 = arith.constant 0 : i32
      %dma_wait3A_313 = tpu.memref_slice %arg14[%dma_wait3A_311, %dma_wait3A_312] : memref<512x64xf32, #tpu.memory_space<vmem>> -> memref<128x64xf32, #tpu.memory_space<vmem>>
      %dma_wait3A_314 = arith.constant 0 : i32
      %dma_wait3A_315 = tpu.memref_slice %arg12[%dma_wait3A_310, %dma_wait3A_314] : memref<4x128xi32, #tpu.memory_space<vmem>> -> memref<1x128xi32, #tpu.memory_space<vmem>>
      %dma_wait3A_316 = tpu.memref_squeeze %dma_wait3A_315 : memref<1x128xi32, #tpu.memory_space<vmem>> -> memref<128xi32, #tpu.memory_space<vmem>>
      %dma_wait3A_317 = arith.constant 0 : i32
      %dma_wait3A_318 = arith.constant 0 : i32
      %dma_wait3A_319 = tpu.memref_slice %arg3[%dma_wait3A_317, %dma_wait3A_318] : memref<100000x64xf32, #tpu.memory_space<hbm>> -> memref<100000x64xf32, #tpu.memory_space<hbm>>
      tpu.wait_indirect_dma semaphore(%arg17 : memref<!tpu.dma_semaphore, #tpu.memory_space<semaphore_mem>>) src(%dma_wait3A_319 : memref<100000x64xf32, #tpu.memory_space<hbm>>) dst(%dma_wait3A_313 : memref<128x64xf32, #tpu.memory_space<vmem>>)
      %dma_wait3A_320 = arith.constant 3 : i32
      %dma_wait3A_321 = arith.constant 384 : i32
      %dma_wait3A_322 = arith.constant 0 : i32
      %dma_wait3A_323 = tpu.memref_slice %arg15[%dma_wait3A_321, %dma_wait3A_322] : memref<512x16xf32, #tpu.memory_space<vmem>> -> memref<128x16xf32, #tpu.memory_space<vmem>>
      %dma_wait3A_324 = arith.constant 0 : i32
      %dma_wait3A_325 = tpu.memref_slice %arg11[%dma_wait3A_320, %dma_wait3A_324] : memref<4x128xi32, #tpu.memory_space<vmem>> -> memref<1x128xi32, #tpu.memory_space<vmem>>
      %dma_wait3A_326 = tpu.memref_squeeze %dma_wait3A_325 : memref<1x128xi32, #tpu.memory_space<vmem>> -> memref<128xi32, #tpu.memory_space<vmem>>
      %dma_wait3A_327 = arith.constant 0 : i32
      %dma_wait3A_328 = arith.constant 0 : i32
      %dma_wait3A_329 = tpu.memref_slice %arg4[%dma_wait3A_327, %dma_wait3A_328] : memref<100000x16xf32, #tpu.memory_space<hbm>> -> memref<100000x16xf32, #tpu.memory_space<hbm>>
      tpu.wait_indirect_dma semaphore(%arg17 : memref<!tpu.dma_semaphore, #tpu.memory_space<semaphore_mem>>) src(%dma_wait3A_329 : memref<100000x16xf32, #tpu.memory_space<hbm>>) dst(%dma_wait3A_323 : memref<128x16xf32, #tpu.memory_space<vmem>>)
      %dma_wait3A_330 = arith.constant 3 : i32
      %dma_wait3A_331 = arith.constant 384 : i32
      %dma_wait3A_332 = arith.constant 0 : i32
      %dma_wait3A_333 = tpu.memref_slice %arg16[%dma_wait3A_331, %dma_wait3A_332] : memref<512x16xf32, #tpu.memory_space<vmem>> -> memref<128x16xf32, #tpu.memory_space<vmem>>
      %dma_wait3A_334 = arith.constant 0 : i32
      %dma_wait3A_335 = tpu.memref_slice %arg12[%dma_wait3A_330, %dma_wait3A_334] : memref<4x128xi32, #tpu.memory_space<vmem>> -> memref<1x128xi32, #tpu.memory_space<vmem>>
      %dma_wait3A_336 = tpu.memref_squeeze %dma_wait3A_335 : memref<1x128xi32, #tpu.memory_space<vmem>> -> memref<128xi32, #tpu.memory_space<vmem>>
      %dma_wait3A_337 = arith.constant 0 : i32
      %dma_wait3A_338 = arith.constant 0 : i32
      %dma_wait3A_339 = tpu.memref_slice %arg4[%dma_wait3A_337, %dma_wait3A_338] : memref<100000x16xf32, #tpu.memory_space<hbm>> -> memref<100000x16xf32, #tpu.memory_space<hbm>>
      tpu.wait_indirect_dma semaphore(%arg17 : memref<!tpu.dma_semaphore, #tpu.memory_space<semaphore_mem>>) src(%dma_wait3A_339 : memref<100000x16xf32, #tpu.memory_space<hbm>>) dst(%dma_wait3A_333 : memref<128x16xf32, #tpu.memory_space<vmem>>)
      "tpu.region"() ({
        %run_scoped3A = tpu.sem_alloc : memref<!tpu.dma_semaphore, #tpu.memory_space<semaphore_mem>>
        %dma_start3A_340 = arith.constant 0 : i32
        %dma_start3A_341 = tpu.memref_slice %arg7[%mul3A_21, %dma_start3A_340] : memref<1600000x32xf32, #tpu.memory_space<hbm>> -> memref<512x32xf32, #tpu.memory_space<hbm>>
        %dma_start3A_342 = arith.constant 0 : i32
        %dma_start3A_343 = tpu.memref_slice %arg7[%mul3A_21, %dma_start3A_342] : memref<1600000x32xf32, #tpu.memory_space<hbm>> -> memref<512x32xf32, #tpu.memory_space<hbm>>
        tpu.enqueue_dma source(%arg13 : memref<512x32xf32, #tpu.memory_space<vmem>>) target(%dma_start3A_343 : memref<512x32xf32, #tpu.memory_space<hbm>>) target_semaphore(%run_scoped3A : memref<!tpu.dma_semaphore, #tpu.memory_space<semaphore_mem>>)
        %dma_wait3A_344 = arith.constant 0 : i32
        %dma_wait3A_345 = tpu.memref_slice %arg7[%mul3A_21, %dma_wait3A_344] : memref<1600000x32xf32, #tpu.memory_space<hbm>> -> memref<512x32xf32, #tpu.memory_space<hbm>>
        %dma_wait3A_346 = arith.constant 0 : i32
        %dma_wait3A_347 = tpu.memref_slice %arg7[%mul3A_21, %dma_wait3A_346] : memref<1600000x32xf32, #tpu.memory_space<hbm>> -> memref<512x32xf32, #tpu.memory_space<hbm>>
        tpu.wait_dma2 semaphore(%run_scoped3A : memref<!tpu.dma_semaphore, #tpu.memory_space<semaphore_mem>>) src(%arg13 : memref<512x32xf32, #tpu.memory_space<vmem>>) dst(%dma_wait3A_347 : memref<512x32xf32, #tpu.memory_space<hbm>>)
        tpu.yield
      }) : () -> ()
      "tpu.region"() ({
        %run_scoped3A = tpu.sem_alloc : memref<!tpu.dma_semaphore, #tpu.memory_space<semaphore_mem>>
        %dma_start3A_340 = arith.constant 0 : i32
        %dma_start3A_341 = tpu.memref_slice %arg8[%mul3A_21, %dma_start3A_340] : memref<1600000x64xf32, #tpu.memory_space<hbm>> -> memref<512x64xf32, #tpu.memory_space<hbm>>
        %dma_start3A_342 = arith.constant 0 : i32
        %dma_start3A_343 = tpu.memref_slice %arg8[%mul3A_21, %dma_start3A_342] : memref<1600000x64xf32, #tpu.memory_space<hbm>> -> memref<512x64xf32, #tpu.memory_space<hbm>>
        tpu.enqueue_dma source(%arg14 : memref<512x64xf32, #tpu.memory_space<vmem>>) target(%dma_start3A_343 : memref<512x64xf32, #tpu.memory_space<hbm>>) target_semaphore(%run_scoped3A : memref<!tpu.dma_semaphore, #tpu.memory_space<semaphore_mem>>)
        %dma_wait3A_344 = arith.constant 0 : i32
        %dma_wait3A_345 = tpu.memref_slice %arg8[%mul3A_21, %dma_wait3A_344] : memref<1600000x64xf32, #tpu.memory_space<hbm>> -> memref<512x64xf32, #tpu.memory_space<hbm>>
        %dma_wait3A_346 = arith.constant 0 : i32
        %dma_wait3A_347 = tpu.memref_slice %arg8[%mul3A_21, %dma_wait3A_346] : memref<1600000x64xf32, #tpu.memory_space<hbm>> -> memref<512x64xf32, #tpu.memory_space<hbm>>
        tpu.wait_dma2 semaphore(%run_scoped3A : memref<!tpu.dma_semaphore, #tpu.memory_space<semaphore_mem>>) src(%arg14 : memref<512x64xf32, #tpu.memory_space<vmem>>) dst(%dma_wait3A_347 : memref<512x64xf32, #tpu.memory_space<hbm>>)
        tpu.yield
      }) : () -> ()
      "tpu.region"() ({
        %run_scoped3A = tpu.sem_alloc : memref<!tpu.dma_semaphore, #tpu.memory_space<semaphore_mem>>
        %dma_start3A_340 = arith.constant 0 : i32
        %dma_start3A_341 = tpu.memref_slice %arg9[%mul3A_21, %dma_start3A_340] : memref<1600000x16xf32, #tpu.memory_space<hbm>> -> memref<512x16xf32, #tpu.memory_space<hbm>>
        %dma_start3A_342 = arith.constant 0 : i32
        %dma_start3A_343 = tpu.memref_slice %arg9[%mul3A_21, %dma_start3A_342] : memref<1600000x16xf32, #tpu.memory_space<hbm>> -> memref<512x16xf32, #tpu.memory_space<hbm>>
        tpu.enqueue_dma source(%arg15 : memref<512x16xf32, #tpu.memory_space<vmem>>) target(%dma_start3A_343 : memref<512x16xf32, #tpu.memory_space<hbm>>) target_semaphore(%run_scoped3A : memref<!tpu.dma_semaphore, #tpu.memory_space<semaphore_mem>>)
        %dma_wait3A_344 = arith.constant 0 : i32
        %dma_wait3A_345 = tpu.memref_slice %arg9[%mul3A_21, %dma_wait3A_344] : memref<1600000x16xf32, #tpu.memory_space<hbm>> -> memref<512x16xf32, #tpu.memory_space<hbm>>
        %dma_wait3A_346 = arith.constant 0 : i32
        %dma_wait3A_347 = tpu.memref_slice %arg9[%mul3A_21, %dma_wait3A_346] : memref<1600000x16xf32, #tpu.memory_space<hbm>> -> memref<512x16xf32, #tpu.memory_space<hbm>>
        tpu.wait_dma2 semaphore(%run_scoped3A : memref<!tpu.dma_semaphore, #tpu.memory_space<semaphore_mem>>) src(%arg15 : memref<512x16xf32, #tpu.memory_space<vmem>>) dst(%dma_wait3A_347 : memref<512x16xf32, #tpu.memory_space<hbm>>)
        tpu.yield
      }) : () -> ()
      "tpu.region"() ({
        %run_scoped3A = tpu.sem_alloc : memref<!tpu.dma_semaphore, #tpu.memory_space<semaphore_mem>>
        %dma_start3A_340 = arith.constant 0 : i32
        %dma_start3A_341 = tpu.memref_slice %arg10[%mul3A_21, %dma_start3A_340] : memref<1600000x16xf32, #tpu.memory_space<hbm>> -> memref<512x16xf32, #tpu.memory_space<hbm>>
        %dma_start3A_342 = arith.constant 0 : i32
        %dma_start3A_343 = tpu.memref_slice %arg10[%mul3A_21, %dma_start3A_342] : memref<1600000x16xf32, #tpu.memory_space<hbm>> -> memref<512x16xf32, #tpu.memory_space<hbm>>
        tpu.enqueue_dma source(%arg16 : memref<512x16xf32, #tpu.memory_space<vmem>>) target(%dma_start3A_343 : memref<512x16xf32, #tpu.memory_space<hbm>>) target_semaphore(%run_scoped3A : memref<!tpu.dma_semaphore, #tpu.memory_space<semaphore_mem>>)
        %dma_wait3A_344 = arith.constant 0 : i32
        %dma_wait3A_345 = tpu.memref_slice %arg10[%mul3A_21, %dma_wait3A_344] : memref<1600000x16xf32, #tpu.memory_space<hbm>> -> memref<512x16xf32, #tpu.memory_space<hbm>>
        %dma_wait3A_346 = arith.constant 0 : i32
        %dma_wait3A_347 = tpu.memref_slice %arg10[%mul3A_21, %dma_wait3A_346] : memref<1600000x16xf32, #tpu.memory_space<hbm>> -> memref<512x16xf32, #tpu.memory_space<hbm>>
        tpu.wait_dma2 semaphore(%run_scoped3A : memref<!tpu.dma_semaphore, #tpu.memory_space<semaphore_mem>>) src(%arg16 : memref<512x16xf32, #tpu.memory_space<vmem>>) dst(%dma_wait3A_347 : memref<512x16xf32, #tpu.memory_space<hbm>>)
        tpu.yield
      }) : () -> ()
    }
    %while3A_15 = arith.constant 1 : i32
    scf.for %while3A_16 = %while3A_13 to %while3A_9 step %while3A_15  : i32 {
      %add3A_17 = arith.addi %add3A_6, %while3A_16 : i32
      %mul3A_18 = arith.constant 4 : i32
      %mul3A_19 = arith.muli %add3A_17, %mul3A_18 : i32
      %mul3A_20 = arith.constant 512 : i32
      %mul3A_21 = arith.muli %add3A_17, %mul3A_20 : i32
      "tpu.region"() ({
        %run_scoped3A = tpu.sem_alloc : memref<!tpu.dma_semaphore, #tpu.memory_space<semaphore_mem>>
        %dma_start3A_340 = arith.constant 0 : i32
        %dma_start3A_341 = tpu.memref_slice %arg5[%mul3A_19, %dma_start3A_340] : memref<12500x128xi32, #tpu.memory_space<hbm>> -> memref<4x128xi32, #tpu.memory_space<hbm>>
        %dma_start3A_342 = arith.constant 0 : i32
        %dma_start3A_343 = tpu.memref_slice %arg5[%mul3A_19, %dma_start3A_342] : memref<12500x128xi32, #tpu.memory_space<hbm>> -> memref<4x128xi32, #tpu.memory_space<hbm>>
        tpu.enqueue_dma source(%dma_start3A_343 : memref<4x128xi32, #tpu.memory_space<hbm>>) target(%arg11 : memref<4x128xi32, #tpu.memory_space<vmem>>) target_semaphore(%run_scoped3A : memref<!tpu.dma_semaphore, #tpu.memory_space<semaphore_mem>>)
        %dma_wait3A_344 = arith.constant 0 : i32
        %dma_wait3A_345 = tpu.memref_slice %arg5[%mul3A_19, %dma_wait3A_344] : memref<12500x128xi32, #tpu.memory_space<hbm>> -> memref<4x128xi32, #tpu.memory_space<hbm>>
        %dma_wait3A_346 = arith.constant 0 : i32
        %dma_wait3A_347 = tpu.memref_slice %arg5[%mul3A_19, %dma_wait3A_346] : memref<12500x128xi32, #tpu.memory_space<hbm>> -> memref<4x128xi32, #tpu.memory_space<hbm>>
        tpu.wait_dma2 semaphore(%run_scoped3A : memref<!tpu.dma_semaphore, #tpu.memory_space<semaphore_mem>>) src(%dma_wait3A_347 : memref<4x128xi32, #tpu.memory_space<hbm>>) dst(%arg11 : memref<4x128xi32, #tpu.memory_space<vmem>>)
        tpu.yield
      }) : () -> ()
      "tpu.region"() ({
        %run_scoped3A = tpu.sem_alloc : memref<!tpu.dma_semaphore, #tpu.memory_space<semaphore_mem>>
        %dma_start3A_340 = arith.constant 0 : i32
        %dma_start3A_341 = tpu.memref_slice %arg6[%mul3A_19, %dma_start3A_340] : memref<12500x128xi32, #tpu.memory_space<hbm>> -> memref<4x128xi32, #tpu.memory_space<hbm>>
        %dma_start3A_342 = arith.constant 0 : i32
        %dma_start3A_343 = tpu.memref_slice %arg6[%mul3A_19, %dma_start3A_342] : memref<12500x128xi32, #tpu.memory_space<hbm>> -> memref<4x128xi32, #tpu.memory_space<hbm>>
        tpu.enqueue_dma source(%dma_start3A_343 : memref<4x128xi32, #tpu.memory_space<hbm>>) target(%arg12 : memref<4x128xi32, #tpu.memory_space<vmem>>) target_semaphore(%run_scoped3A : memref<!tpu.dma_semaphore, #tpu.memory_space<semaphore_mem>>)
        %dma_wait3A_344 = arith.constant 0 : i32
        %dma_wait3A_345 = tpu.memref_slice %arg6[%mul3A_19, %dma_wait3A_344] : memref<12500x128xi32, #tpu.memory_space<hbm>> -> memref<4x128xi32, #tpu.memory_space<hbm>>
        %dma_wait3A_346 = arith.constant 0 : i32
        %dma_wait3A_347 = tpu.memref_slice %arg6[%mul3A_19, %dma_wait3A_346] : memref<12500x128xi32, #tpu.memory_space<hbm>> -> memref<4x128xi32, #tpu.memory_space<hbm>>
        tpu.wait_dma2 semaphore(%run_scoped3A : memref<!tpu.dma_semaphore, #tpu.memory_space<semaphore_mem>>) src(%dma_wait3A_347 : memref<4x128xi32, #tpu.memory_space<hbm>>) dst(%arg12 : memref<4x128xi32, #tpu.memory_space<vmem>>)
        tpu.yield
      }) : () -> ()
      %dma_start3A = arith.constant 0 : i32
      %dma_start3A_22 = arith.constant 0 : i32
      %dma_start3A_23 = arith.constant 0 : i32
      %dma_start3A_24 = tpu.memref_slice %arg13[%dma_start3A_22, %dma_start3A_23] : memref<512x32xf32, #tpu.memory_space<vmem>> -> memref<128x32xf32, #tpu.memory_space<vmem>>
      %dma_start3A_25 = arith.constant 0 : i32
      %dma_start3A_26 = tpu.memref_slice %arg11[%dma_start3A, %dma_start3A_25] : memref<4x128xi32, #tpu.memory_space<vmem>> -> memref<1x128xi32, #tpu.memory_space<vmem>>
      %dma_start3A_27 = tpu.memref_squeeze %dma_start3A_26 : memref<1x128xi32, #tpu.memory_space<vmem>> -> memref<128xi32, #tpu.memory_space<vmem>>
      %dma_start3A_28 = arith.constant 0 : i32
      %dma_start3A_29 = arith.constant 0 : i32
      %dma_start3A_30 = tpu.memref_slice %arg2[%dma_start3A_28, %dma_start3A_29] : memref<100000x32xf32, #tpu.memory_space<hbm>> -> memref<100000x32xf32, #tpu.memory_space<hbm>>
      tpu.enqueue_indirect_dma source(%dma_start3A_30 : memref<100000x32xf32, #tpu.memory_space<hbm>>) target(%dma_start3A_24 : memref<128x32xf32, #tpu.memory_space<vmem>>) offsets(%dma_start3A_27 : memref<128xi32, #tpu.memory_space<vmem>>) semaphore(%arg17 : memref<!tpu.dma_semaphore, #tpu.memory_space<semaphore_mem>>)
      %dma_start3A_31 = arith.constant 0 : i32
      %dma_start3A_32 = arith.constant 0 : i32
      %dma_start3A_33 = arith.constant 0 : i32
      %dma_start3A_34 = tpu.memref_slice %arg14[%dma_start3A_32, %dma_start3A_33] : memref<512x64xf32, #tpu.memory_space<vmem>> -> memref<128x64xf32, #tpu.memory_space<vmem>>
      %dma_start3A_35 = arith.constant 0 : i32
      %dma_start3A_36 = tpu.memref_slice %arg12[%dma_start3A_31, %dma_start3A_35] : memref<4x128xi32, #tpu.memory_space<vmem>> -> memref<1x128xi32, #tpu.memory_space<vmem>>
      %dma_start3A_37 = tpu.memref_squeeze %dma_start3A_36 : memref<1x128xi32, #tpu.memory_space<vmem>> -> memref<128xi32, #tpu.memory_space<vmem>>
      %dma_start3A_38 = arith.constant 0 : i32
      %dma_start3A_39 = arith.constant 0 : i32
      %dma_start3A_40 = tpu.memref_slice %arg3[%dma_start3A_38, %dma_start3A_39] : memref<100000x64xf32, #tpu.memory_space<hbm>> -> memref<100000x64xf32, #tpu.memory_space<hbm>>
      tpu.enqueue_indirect_dma source(%dma_start3A_40 : memref<100000x64xf32, #tpu.memory_space<hbm>>) target(%dma_start3A_34 : memref<128x64xf32, #tpu.memory_space<vmem>>) offsets(%dma_start3A_37 : memref<128xi32, #tpu.memory_space<vmem>>) semaphore(%arg17 : memref<!tpu.dma_semaphore, #tpu.memory_space<semaphore_mem>>)
      %dma_start3A_41 = arith.constant 0 : i32
      %dma_start3A_42 = arith.constant 0 : i32
      %dma_start3A_43 = arith.constant 0 : i32
      %dma_start3A_44 = tpu.memref_slice %arg15[%dma_start3A_42, %dma_start3A_43] : memref<512x16xf32, #tpu.memory_space<vmem>> -> memref<128x16xf32, #tpu.memory_space<vmem>>
      %dma_start3A_45 = arith.constant 0 : i32
      %dma_start3A_46 = tpu.memref_slice %arg11[%dma_start3A_41, %dma_start3A_45] : memref<4x128xi32, #tpu.memory_space<vmem>> -> memref<1x128xi32, #tpu.memory_space<vmem>>
      %dma_start3A_47 = tpu.memref_squeeze %dma_start3A_46 : memref<1x128xi32, #tpu.memory_space<vmem>> -> memref<128xi32, #tpu.memory_space<vmem>>
      %dma_start3A_48 = arith.constant 0 : i32
      %dma_start3A_49 = arith.constant 0 : i32
      %dma_start3A_50 = tpu.memref_slice %arg4[%dma_start3A_48, %dma_start3A_49] : memref<100000x16xf32, #tpu.memory_space<hbm>> -> memref<100000x16xf32, #tpu.memory_space<hbm>>
      tpu.enqueue_indirect_dma source(%dma_start3A_50 : memref<100000x16xf32, #tpu.memory_space<hbm>>) target(%dma_start3A_44 : memref<128x16xf32, #tpu.memory_space<vmem>>) offsets(%dma_start3A_47 : memref<128xi32, #tpu.memory_space<vmem>>) semaphore(%arg17 : memref<!tpu.dma_semaphore, #tpu.memory_space<semaphore_mem>>)
      %dma_start3A_51 = arith.constant 0 : i32
      %dma_start3A_52 = arith.constant 0 : i32
      %dma_start3A_53 = arith.constant 0 : i32
      %dma_start3A_54 = tpu.memref_slice %arg16[%dma_start3A_52, %dma_start3A_53] : memref<512x16xf32, #tpu.memory_space<vmem>> -> memref<128x16xf32, #tpu.memory_space<vmem>>
      %dma_start3A_55 = arith.constant 0 : i32
      %dma_start3A_56 = tpu.memref_slice %arg12[%dma_start3A_51, %dma_start3A_55] : memref<4x128xi32, #tpu.memory_space<vmem>> -> memref<1x128xi32, #tpu.memory_space<vmem>>
      %dma_start3A_57 = tpu.memref_squeeze %dma_start3A_56 : memref<1x128xi32, #tpu.memory_space<vmem>> -> memref<128xi32, #tpu.memory_space<vmem>>
      %dma_start3A_58 = arith.constant 0 : i32
      %dma_start3A_59 = arith.constant 0 : i32
      %dma_start3A_60 = tpu.memref_slice %arg4[%dma_start3A_58, %dma_start3A_59] : memref<100000x16xf32, #tpu.memory_space<hbm>> -> memref<100000x16xf32, #tpu.memory_space<hbm>>
      tpu.enqueue_indirect_dma source(%dma_start3A_60 : memref<100000x16xf32, #tpu.memory_space<hbm>>) target(%dma_start3A_54 : memref<128x16xf32, #tpu.memory_space<vmem>>) offsets(%dma_start3A_57 : memref<128xi32, #tpu.memory_space<vmem>>) semaphore(%arg17 : memref<!tpu.dma_semaphore, #tpu.memory_space<semaphore_mem>>)
      %dma_start3A_61 = arith.constant 1 : i32
      %dma_start3A_62 = arith.constant 128 : i32
      %dma_start3A_63 = arith.constant 0 : i32
      %dma_start3A_64 = tpu.memref_slice %arg13[%dma_start3A_62, %dma_start3A_63] : memref<512x32xf32, #tpu.memory_space<vmem>> -> memref<128x32xf32, #tpu.memory_space<vmem>>
      %dma_start3A_65 = arith.constant 0 : i32
      %dma_start3A_66 = tpu.memref_slice %arg11[%dma_start3A_61, %dma_start3A_65] : memref<4x128xi32, #tpu.memory_space<vmem>> -> memref<1x128xi32, #tpu.memory_space<vmem>>
      %dma_start3A_67 = tpu.memref_squeeze %dma_start3A_66 : memref<1x128xi32, #tpu.memory_space<vmem>> -> memref<128xi32, #tpu.memory_space<vmem>>
      %dma_start3A_68 = arith.constant 0 : i32
      %dma_start3A_69 = arith.constant 0 : i32
      %dma_start3A_70 = tpu.memref_slice %arg2[%dma_start3A_68, %dma_start3A_69] : memref<100000x32xf32, #tpu.memory_space<hbm>> -> memref<100000x32xf32, #tpu.memory_space<hbm>>
      tpu.enqueue_indirect_dma source(%dma_start3A_70 : memref<100000x32xf32, #tpu.memory_space<hbm>>) target(%dma_start3A_64 : memref<128x32xf32, #tpu.memory_space<vmem>>) offsets(%dma_start3A_67 : memref<128xi32, #tpu.memory_space<vmem>>) semaphore(%arg17 : memref<!tpu.dma_semaphore, #tpu.memory_space<semaphore_mem>>)
      %dma_start3A_71 = arith.constant 1 : i32
      %dma_start3A_72 = arith.constant 128 : i32
      %dma_start3A_73 = arith.constant 0 : i32
      %dma_start3A_74 = tpu.memref_slice %arg14[%dma_start3A_72, %dma_start3A_73] : memref<512x64xf32, #tpu.memory_space<vmem>> -> memref<128x64xf32, #tpu.memory_space<vmem>>
      %dma_start3A_75 = arith.constant 0 : i32
      %dma_start3A_76 = tpu.memref_slice %arg12[%dma_start3A_71, %dma_start3A_75] : memref<4x128xi32, #tpu.memory_space<vmem>> -> memref<1x128xi32, #tpu.memory_space<vmem>>
      %dma_start3A_77 = tpu.memref_squeeze %dma_start3A_76 : memref<1x128xi32, #tpu.memory_space<vmem>> -> memref<128xi32, #tpu.memory_space<vmem>>
      %dma_start3A_78 = arith.constant 0 : i32
      %dma_start3A_79 = arith.constant 0 : i32
      %dma_start3A_80 = tpu.memref_slice %arg3[%dma_start3A_78, %dma_start3A_79] : memref<100000x64xf32, #tpu.memory_space<hbm>> -> memref<100000x64xf32, #tpu.memory_space<hbm>>
      tpu.enqueue_indirect_dma source(%dma_start3A_80 : memref<100000x64xf32, #tpu.memory_space<hbm>>) target(%dma_start3A_74 : memref<128x64xf32, #tpu.memory_space<vmem>>) offsets(%dma_start3A_77 : memref<128xi32, #tpu.memory_space<vmem>>) semaphore(%arg17 : memref<!tpu.dma_semaphore, #tpu.memory_space<semaphore_mem>>)
      %dma_start3A_81 = arith.constant 1 : i32
      %dma_start3A_82 = arith.constant 128 : i32
      %dma_start3A_83 = arith.constant 0 : i32
      %dma_start3A_84 = tpu.memref_slice %arg15[%dma_start3A_82, %dma_start3A_83] : memref<512x16xf32, #tpu.memory_space<vmem>> -> memref<128x16xf32, #tpu.memory_space<vmem>>
      %dma_start3A_85 = arith.constant 0 : i32
      %dma_start3A_86 = tpu.memref_slice %arg11[%dma_start3A_81, %dma_start3A_85] : memref<4x128xi32, #tpu.memory_space<vmem>> -> memref<1x128xi32, #tpu.memory_space<vmem>>
      %dma_start3A_87 = tpu.memref_squeeze %dma_start3A_86 : memref<1x128xi32, #tpu.memory_space<vmem>> -> memref<128xi32, #tpu.memory_space<vmem>>
      %dma_start3A_88 = arith.constant 0 : i32
      %dma_start3A_89 = arith.constant 0 : i32
      %dma_start3A_90 = tpu.memref_slice %arg4[%dma_start3A_88, %dma_start3A_89] : memref<100000x16xf32, #tpu.memory_space<hbm>> -> memref<100000x16xf32, #tpu.memory_space<hbm>>
      tpu.enqueue_indirect_dma source(%dma_start3A_90 : memref<100000x16xf32, #tpu.memory_space<hbm>>) target(%dma_start3A_84 : memref<128x16xf32, #tpu.memory_space<vmem>>) offsets(%dma_start3A_87 : memref<128xi32, #tpu.memory_space<vmem>>) semaphore(%arg17 : memref<!tpu.dma_semaphore, #tpu.memory_space<semaphore_mem>>)
      %dma_start3A_91 = arith.constant 1 : i32
      %dma_start3A_92 = arith.constant 128 : i32
      %dma_start3A_93 = arith.constant 0 : i32
      %dma_start3A_94 = tpu.memref_slice %arg16[%dma_start3A_92, %dma_start3A_93] : memref<512x16xf32, #tpu.memory_space<vmem>> -> memref<128x16xf32, #tpu.memory_space<vmem>>
      %dma_start3A_95 = arith.constant 0 : i32
      %dma_start3A_96 = tpu.memref_slice %arg12[%dma_start3A_91, %dma_start3A_95] : memref<4x128xi32, #tpu.memory_space<vmem>> -> memref<1x128xi32, #tpu.memory_space<vmem>>
      %dma_start3A_97 = tpu.memref_squeeze %dma_start3A_96 : memref<1x128xi32, #tpu.memory_space<vmem>> -> memref<128xi32, #tpu.memory_space<vmem>>
      %dma_start3A_98 = arith.constant 0 : i32
      %dma_start3A_99 = arith.constant 0 : i32
      %dma_start3A_100 = tpu.memref_slice %arg4[%dma_start3A_98, %dma_start3A_99] : memref<100000x16xf32, #tpu.memory_space<hbm>> -> memref<100000x16xf32, #tpu.memory_space<hbm>>
      tpu.enqueue_indirect_dma source(%dma_start3A_100 : memref<100000x16xf32, #tpu.memory_space<hbm>>) target(%dma_start3A_94 : memref<128x16xf32, #tpu.memory_space<vmem>>) offsets(%dma_start3A_97 : memref<128xi32, #tpu.memory_space<vmem>>) semaphore(%arg17 : memref<!tpu.dma_semaphore, #tpu.memory_space<semaphore_mem>>)
      %dma_start3A_101 = arith.constant 2 : i32
      %dma_start3A_102 = arith.constant 256 : i32
      %dma_start3A_103 = arith.constant 0 : i32
      %dma_start3A_104 = tpu.memref_slice %arg13[%dma_start3A_102, %dma_start3A_103] : memref<512x32xf32, #tpu.memory_space<vmem>> -> memref<128x32xf32, #tpu.memory_space<vmem>>
      %dma_start3A_105 = arith.constant 0 : i32
      %dma_start3A_106 = tpu.memref_slice %arg11[%dma_start3A_101, %dma_start3A_105] : memref<4x128xi32, #tpu.memory_space<vmem>> -> memref<1x128xi32, #tpu.memory_space<vmem>>
      %dma_start3A_107 = tpu.memref_squeeze %dma_start3A_106 : memref<1x128xi32, #tpu.memory_space<vmem>> -> memref<128xi32, #tpu.memory_space<vmem>>
      %dma_start3A_108 = arith.constant 0 : i32
      %dma_start3A_109 = arith.constant 0 : i32
      %dma_start3A_110 = tpu.memref_slice %arg2[%dma_start3A_108, %dma_start3A_109] : memref<100000x32xf32, #tpu.memory_space<hbm>> -> memref<100000x32xf32, #tpu.memory_space<hbm>>
      tpu.enqueue_indirect_dma source(%dma_start3A_110 : memref<100000x32xf32, #tpu.memory_space<hbm>>) target(%dma_start3A_104 : memref<128x32xf32, #tpu.memory_space<vmem>>) offsets(%dma_start3A_107 : memref<128xi32, #tpu.memory_space<vmem>>) semaphore(%arg17 : memref<!tpu.dma_semaphore, #tpu.memory_space<semaphore_mem>>)
      %dma_start3A_111 = arith.constant 2 : i32
      %dma_start3A_112 = arith.constant 256 : i32
      %dma_start3A_113 = arith.constant 0 : i32
      %dma_start3A_114 = tpu.memref_slice %arg14[%dma_start3A_112, %dma_start3A_113] : memref<512x64xf32, #tpu.memory_space<vmem>> -> memref<128x64xf32, #tpu.memory_space<vmem>>
      %dma_start3A_115 = arith.constant 0 : i32
      %dma_start3A_116 = tpu.memref_slice %arg12[%dma_start3A_111, %dma_start3A_115] : memref<4x128xi32, #tpu.memory_space<vmem>> -> memref<1x128xi32, #tpu.memory_space<vmem>>
      %dma_start3A_117 = tpu.memref_squeeze %dma_start3A_116 : memref<1x128xi32, #tpu.memory_space<vmem>> -> memref<128xi32, #tpu.memory_space<vmem>>
      %dma_start3A_118 = arith.constant 0 : i32
      %dma_start3A_119 = arith.constant 0 : i32
      %dma_start3A_120 = tpu.memref_slice %arg3[%dma_start3A_118, %dma_start3A_119] : memref<100000x64xf32, #tpu.memory_space<hbm>> -> memref<100000x64xf32, #tpu.memory_space<hbm>>
      tpu.enqueue_indirect_dma source(%dma_start3A_120 : memref<100000x64xf32, #tpu.memory_space<hbm>>) target(%dma_start3A_114 : memref<128x64xf32, #tpu.memory_space<vmem>>) offsets(%dma_start3A_117 : memref<128xi32, #tpu.memory_space<vmem>>) semaphore(%arg17 : memref<!tpu.dma_semaphore, #tpu.memory_space<semaphore_mem>>)
      %dma_start3A_121 = arith.constant 2 : i32
      %dma_start3A_122 = arith.constant 256 : i32
      %dma_start3A_123 = arith.constant 0 : i32
      %dma_start3A_124 = tpu.memref_slice %arg15[%dma_start3A_122, %dma_start3A_123] : memref<512x16xf32, #tpu.memory_space<vmem>> -> memref<128x16xf32, #tpu.memory_space<vmem>>
      %dma_start3A_125 = arith.constant 0 : i32
      %dma_start3A_126 = tpu.memref_slice %arg11[%dma_start3A_121, %dma_start3A_125] : memref<4x128xi32, #tpu.memory_space<vmem>> -> memref<1x128xi32, #tpu.memory_space<vmem>>
      %dma_start3A_127 = tpu.memref_squeeze %dma_start3A_126 : memref<1x128xi32, #tpu.memory_space<vmem>> -> memref<128xi32, #tpu.memory_space<vmem>>
      %dma_start3A_128 = arith.constant 0 : i32
      %dma_start3A_129 = arith.constant 0 : i32
      %dma_start3A_130 = tpu.memref_slice %arg4[%dma_start3A_128, %dma_start3A_129] : memref<100000x16xf32, #tpu.memory_space<hbm>> -> memref<100000x16xf32, #tpu.memory_space<hbm>>
      tpu.enqueue_indirect_dma source(%dma_start3A_130 : memref<100000x16xf32, #tpu.memory_space<hbm>>) target(%dma_start3A_124 : memref<128x16xf32, #tpu.memory_space<vmem>>) offsets(%dma_start3A_127 : memref<128xi32, #tpu.memory_space<vmem>>) semaphore(%arg17 : memref<!tpu.dma_semaphore, #tpu.memory_space<semaphore_mem>>)
      %dma_start3A_131 = arith.constant 2 : i32
      %dma_start3A_132 = arith.constant 256 : i32
      %dma_start3A_133 = arith.constant 0 : i32
      %dma_start3A_134 = tpu.memref_slice %arg16[%dma_start3A_132, %dma_start3A_133] : memref<512x16xf32, #tpu.memory_space<vmem>> -> memref<128x16xf32, #tpu.memory_space<vmem>>
      %dma_start3A_135 = arith.constant 0 : i32
      %dma_start3A_136 = tpu.memref_slice %arg12[%dma_start3A_131, %dma_start3A_135] : memref<4x128xi32, #tpu.memory_space<vmem>> -> memref<1x128xi32, #tpu.memory_space<vmem>>
      %dma_start3A_137 = tpu.memref_squeeze %dma_start3A_136 : memref<1x128xi32, #tpu.memory_space<vmem>> -> memref<128xi32, #tpu.memory_space<vmem>>
      %dma_start3A_138 = arith.constant 0 : i32
      %dma_start3A_139 = arith.constant 0 : i32
      %dma_start3A_140 = tpu.memref_slice %arg4[%dma_start3A_138, %dma_start3A_139] : memref<100000x16xf32, #tpu.memory_space<hbm>> -> memref<100000x16xf32, #tpu.memory_space<hbm>>
      tpu.enqueue_indirect_dma source(%dma_start3A_140 : memref<100000x16xf32, #tpu.memory_space<hbm>>) target(%dma_start3A_134 : memref<128x16xf32, #tpu.memory_space<vmem>>) offsets(%dma_start3A_137 : memref<128xi32, #tpu.memory_space<vmem>>) semaphore(%arg17 : memref<!tpu.dma_semaphore, #tpu.memory_space<semaphore_mem>>)
      %dma_start3A_141 = arith.constant 3 : i32
      %dma_start3A_142 = arith.constant 384 : i32
      %dma_start3A_143 = arith.constant 0 : i32
      %dma_start3A_144 = tpu.memref_slice %arg13[%dma_start3A_142, %dma_start3A_143] : memref<512x32xf32, #tpu.memory_space<vmem>> -> memref<128x32xf32, #tpu.memory_space<vmem>>
      %dma_start3A_145 = arith.constant 0 : i32
      %dma_start3A_146 = tpu.memref_slice %arg11[%dma_start3A_141, %dma_start3A_145] : memref<4x128xi32, #tpu.memory_space<vmem>> -> memref<1x128xi32, #tpu.memory_space<vmem>>
      %dma_start3A_147 = tpu.memref_squeeze %dma_start3A_146 : memref<1x128xi32, #tpu.memory_space<vmem>> -> memref<128xi32, #tpu.memory_space<vmem>>
      %dma_start3A_148 = arith.constant 0 : i32
      %dma_start3A_149 = arith.constant 0 : i32
      %dma_start3A_150 = tpu.memref_slice %arg2[%dma_start3A_148, %dma_start3A_149] : memref<100000x32xf32, #tpu.memory_space<hbm>> -> memref<100000x32xf32, #tpu.memory_space<hbm>>
      tpu.enqueue_indirect_dma source(%dma_start3A_150 : memref<100000x32xf32, #tpu.memory_space<hbm>>) target(%dma_start3A_144 : memref<128x32xf32, #tpu.memory_space<vmem>>) offsets(%dma_start3A_147 : memref<128xi32, #tpu.memory_space<vmem>>) semaphore(%arg17 : memref<!tpu.dma_semaphore, #tpu.memory_space<semaphore_mem>>)
      %dma_start3A_151 = arith.constant 3 : i32
      %dma_start3A_152 = arith.constant 384 : i32
      %dma_start3A_153 = arith.constant 0 : i32
      %dma_start3A_154 = tpu.memref_slice %arg14[%dma_start3A_152, %dma_start3A_153] : memref<512x64xf32, #tpu.memory_space<vmem>> -> memref<128x64xf32, #tpu.memory_space<vmem>>
      %dma_start3A_155 = arith.constant 0 : i32
      %dma_start3A_156 = tpu.memref_slice %arg12[%dma_start3A_151, %dma_start3A_155] : memref<4x128xi32, #tpu.memory_space<vmem>> -> memref<1x128xi32, #tpu.memory_space<vmem>>
      %dma_start3A_157 = tpu.memref_squeeze %dma_start3A_156 : memref<1x128xi32, #tpu.memory_space<vmem>> -> memref<128xi32, #tpu.memory_space<vmem>>
      %dma_start3A_158 = arith.constant 0 : i32
      %dma_start3A_159 = arith.constant 0 : i32
      %dma_start3A_160 = tpu.memref_slice %arg3[%dma_start3A_158, %dma_start3A_159] : memref<100000x64xf32, #tpu.memory_space<hbm>> -> memref<100000x64xf32, #tpu.memory_space<hbm>>
      tpu.enqueue_indirect_dma source(%dma_start3A_160 : memref<100000x64xf32, #tpu.memory_space<hbm>>) target(%dma_start3A_154 : memref<128x64xf32, #tpu.memory_space<vmem>>) offsets(%dma_start3A_157 : memref<128xi32, #tpu.memory_space<vmem>>) semaphore(%arg17 : memref<!tpu.dma_semaphore, #tpu.memory_space<semaphore_mem>>)
      %dma_start3A_161 = arith.constant 3 : i32
      %dma_start3A_162 = arith.constant 384 : i32
      %dma_start3A_163 = arith.constant 0 : i32
      %dma_start3A_164 = tpu.memref_slice %arg15[%dma_start3A_162, %dma_start3A_163] : memref<512x16xf32, #tpu.memory_space<vmem>> -> memref<128x16xf32, #tpu.memory_space<vmem>>
      %dma_start3A_165 = arith.constant 0 : i32
      %dma_start3A_166 = tpu.memref_slice %arg11[%dma_start3A_161, %dma_start3A_165] : memref<4x128xi32, #tpu.memory_space<vmem>> -> memref<1x128xi32, #tpu.memory_space<vmem>>
      %dma_start3A_167 = tpu.memref_squeeze %dma_start3A_166 : memref<1x128xi32, #tpu.memory_space<vmem>> -> memref<128xi32, #tpu.memory_space<vmem>>
      %dma_start3A_168 = arith.constant 0 : i32
      %dma_start3A_169 = arith.constant 0 : i32
      %dma_start3A_170 = tpu.memref_slice %arg4[%dma_start3A_168, %dma_start3A_169] : memref<100000x16xf32, #tpu.memory_space<hbm>> -> memref<100000x16xf32, #tpu.memory_space<hbm>>
      tpu.enqueue_indirect_dma source(%dma_start3A_170 : memref<100000x16xf32, #tpu.memory_space<hbm>>) target(%dma_start3A_164 : memref<128x16xf32, #tpu.memory_space<vmem>>) offsets(%dma_start3A_167 : memref<128xi32, #tpu.memory_space<vmem>>) semaphore(%arg17 : memref<!tpu.dma_semaphore, #tpu.memory_space<semaphore_mem>>)
      %dma_start3A_171 = arith.constant 3 : i32
      %dma_start3A_172 = arith.constant 384 : i32
      %dma_start3A_173 = arith.constant 0 : i32
      %dma_start3A_174 = tpu.memref_slice %arg16[%dma_start3A_172, %dma_start3A_173] : memref<512x16xf32, #tpu.memory_space<vmem>> -> memref<128x16xf32, #tpu.memory_space<vmem>>
      %dma_start3A_175 = arith.constant 0 : i32
      %dma_start3A_176 = tpu.memref_slice %arg12[%dma_start3A_171, %dma_start3A_175] : memref<4x128xi32, #tpu.memory_space<vmem>> -> memref<1x128xi32, #tpu.memory_space<vmem>>
      %dma_start3A_177 = tpu.memref_squeeze %dma_start3A_176 : memref<1x128xi32, #tpu.memory_space<vmem>> -> memref<128xi32, #tpu.memory_space<vmem>>
      %dma_start3A_178 = arith.constant 0 : i32
      %dma_start3A_179 = arith.constant 0 : i32
      %dma_start3A_180 = tpu.memref_slice %arg4[%dma_start3A_178, %dma_start3A_179] : memref<100000x16xf32, #tpu.memory_space<hbm>> -> memref<100000x16xf32, #tpu.memory_space<hbm>>
      tpu.enqueue_indirect_dma source(%dma_start3A_180 : memref<100000x16xf32, #tpu.memory_space<hbm>>) target(%dma_start3A_174 : memref<128x16xf32, #tpu.memory_space<vmem>>) offsets(%dma_start3A_177 : memref<128xi32, #tpu.memory_space<vmem>>) semaphore(%arg17 : memref<!tpu.dma_semaphore, #tpu.memory_space<semaphore_mem>>)
      %dma_wait3A = arith.constant 0 : i32
      %dma_wait3A_181 = arith.constant 0 : i32
      %dma_wait3A_182 = arith.constant 0 : i32
      %dma_wait3A_183 = tpu.memref_slice %arg13[%dma_wait3A_181, %dma_wait3A_182] : memref<512x32xf32, #tpu.memory_space<vmem>> -> memref<128x32xf32, #tpu.memory_space<vmem>>
      %dma_wait3A_184 = arith.constant 0 : i32
      %dma_wait3A_185 = tpu.memref_slice %arg11[%dma_wait3A, %dma_wait3A_184] : memref<4x128xi32, #tpu.memory_space<vmem>> -> memref<1x128xi32, #tpu.memory_space<vmem>>
      %dma_wait3A_186 = tpu.memref_squeeze %dma_wait3A_185 : memref<1x128xi32, #tpu.memory_space<vmem>> -> memref<128xi32, #tpu.memory_space<vmem>>
      %dma_wait3A_187 = arith.constant 0 : i32
      %dma_wait3A_188 = arith.constant 0 : i32
      %dma_wait3A_189 = tpu.memref_slice %arg2[%dma_wait3A_187, %dma_wait3A_188] : memref<100000x32xf32, #tpu.memory_space<hbm>> -> memref<100000x32xf32, #tpu.memory_space<hbm>>
      tpu.wait_indirect_dma semaphore(%arg17 : memref<!tpu.dma_semaphore, #tpu.memory_space<semaphore_mem>>) src(%dma_wait3A_189 : memref<100000x32xf32, #tpu.memory_space<hbm>>) dst(%dma_wait3A_183 : memref<128x32xf32, #tpu.memory_space<vmem>>)
      %dma_wait3A_190 = arith.constant 0 : i32
      %dma_wait3A_191 = arith.constant 0 : i32
      %dma_wait3A_192 = arith.constant 0 : i32
      %dma_wait3A_193 = tpu.memref_slice %arg14[%dma_wait3A_191, %dma_wait3A_192] : memref<512x64xf32, #tpu.memory_space<vmem>> -> memref<128x64xf32, #tpu.memory_space<vmem>>
      %dma_wait3A_194 = arith.constant 0 : i32
      %dma_wait3A_195 = tpu.memref_slice %arg12[%dma_wait3A_190, %dma_wait3A_194] : memref<4x128xi32, #tpu.memory_space<vmem>> -> memref<1x128xi32, #tpu.memory_space<vmem>>
      %dma_wait3A_196 = tpu.memref_squeeze %dma_wait3A_195 : memref<1x128xi32, #tpu.memory_space<vmem>> -> memref<128xi32, #tpu.memory_space<vmem>>
      %dma_wait3A_197 = arith.constant 0 : i32
      %dma_wait3A_198 = arith.constant 0 : i32
      %dma_wait3A_199 = tpu.memref_slice %arg3[%dma_wait3A_197, %dma_wait3A_198] : memref<100000x64xf32, #tpu.memory_space<hbm>> -> memref<100000x64xf32, #tpu.memory_space<hbm>>
      tpu.wait_indirect_dma semaphore(%arg17 : memref<!tpu.dma_semaphore, #tpu.memory_space<semaphore_mem>>) src(%dma_wait3A_199 : memref<100000x64xf32, #tpu.memory_space<hbm>>) dst(%dma_wait3A_193 : memref<128x64xf32, #tpu.memory_space<vmem>>)
      %dma_wait3A_200 = arith.constant 0 : i32
      %dma_wait3A_201 = arith.constant 0 : i32
      %dma_wait3A_202 = arith.constant 0 : i32
      %dma_wait3A_203 = tpu.memref_slice %arg15[%dma_wait3A_201, %dma_wait3A_202] : memref<512x16xf32, #tpu.memory_space<vmem>> -> memref<128x16xf32, #tpu.memory_space<vmem>>
      %dma_wait3A_204 = arith.constant 0 : i32
      %dma_wait3A_205 = tpu.memref_slice %arg11[%dma_wait3A_200, %dma_wait3A_204] : memref<4x128xi32, #tpu.memory_space<vmem>> -> memref<1x128xi32, #tpu.memory_space<vmem>>
      %dma_wait3A_206 = tpu.memref_squeeze %dma_wait3A_205 : memref<1x128xi32, #tpu.memory_space<vmem>> -> memref<128xi32, #tpu.memory_space<vmem>>
      %dma_wait3A_207 = arith.constant 0 : i32
      %dma_wait3A_208 = arith.constant 0 : i32
      %dma_wait3A_209 = tpu.memref_slice %arg4[%dma_wait3A_207, %dma_wait3A_208] : memref<100000x16xf32, #tpu.memory_space<hbm>> -> memref<100000x16xf32, #tpu.memory_space<hbm>>
      tpu.wait_indirect_dma semaphore(%arg17 : memref<!tpu.dma_semaphore, #tpu.memory_space<semaphore_mem>>) src(%dma_wait3A_209 : memref<100000x16xf32, #tpu.memory_space<hbm>>) dst(%dma_wait3A_203 : memref<128x16xf32, #tpu.memory_space<vmem>>)
      %dma_wait3A_210 = arith.constant 0 : i32
      %dma_wait3A_211 = arith.constant 0 : i32
      %dma_wait3A_212 = arith.constant 0 : i32
      %dma_wait3A_213 = tpu.memref_slice %arg16[%dma_wait3A_211, %dma_wait3A_212] : memref<512x16xf32, #tpu.memory_space<vmem>> -> memref<128x16xf32, #tpu.memory_space<vmem>>
      %dma_wait3A_214 = arith.constant 0 : i32
      %dma_wait3A_215 = tpu.memref_slice %arg12[%dma_wait3A_210, %dma_wait3A_214] : memref<4x128xi32, #tpu.memory_space<vmem>> -> memref<1x128xi32, #tpu.memory_space<vmem>>
      %dma_wait3A_216 = tpu.memref_squeeze %dma_wait3A_215 : memref<1x128xi32, #tpu.memory_space<vmem>> -> memref<128xi32, #tpu.memory_space<vmem>>
      %dma_wait3A_217 = arith.constant 0 : i32
      %dma_wait3A_218 = arith.constant 0 : i32
      %dma_wait3A_219 = tpu.memref_slice %arg4[%dma_wait3A_217, %dma_wait3A_218] : memref<100000x16xf32, #tpu.memory_space<hbm>> -> memref<100000x16xf32, #tpu.memory_space<hbm>>
      tpu.wait_indirect_dma semaphore(%arg17 : memref<!tpu.dma_semaphore, #tpu.memory_space<semaphore_mem>>) src(%dma_wait3A_219 : memref<100000x16xf32, #tpu.memory_space<hbm>>) dst(%dma_wait3A_213 : memref<128x16xf32, #tpu.memory_space<vmem>>)
      %dma_wait3A_220 = arith.constant 1 : i32
      %dma_wait3A_221 = arith.constant 128 : i32
      %dma_wait3A_222 = arith.constant 0 : i32
      %dma_wait3A_223 = tpu.memref_slice %arg13[%dma_wait3A_221, %dma_wait3A_222] : memref<512x32xf32, #tpu.memory_space<vmem>> -> memref<128x32xf32, #tpu.memory_space<vmem>>
      %dma_wait3A_224 = arith.constant 0 : i32
      %dma_wait3A_225 = tpu.memref_slice %arg11[%dma_wait3A_220, %dma_wait3A_224] : memref<4x128xi32, #tpu.memory_space<vmem>> -> memref<1x128xi32, #tpu.memory_space<vmem>>
      %dma_wait3A_226 = tpu.memref_squeeze %dma_wait3A_225 : memref<1x128xi32, #tpu.memory_space<vmem>> -> memref<128xi32, #tpu.memory_space<vmem>>
      %dma_wait3A_227 = arith.constant 0 : i32
      %dma_wait3A_228 = arith.constant 0 : i32
      %dma_wait3A_229 = tpu.memref_slice %arg2[%dma_wait3A_227, %dma_wait3A_228] : memref<100000x32xf32, #tpu.memory_space<hbm>> -> memref<100000x32xf32, #tpu.memory_space<hbm>>
      tpu.wait_indirect_dma semaphore(%arg17 : memref<!tpu.dma_semaphore, #tpu.memory_space<semaphore_mem>>) src(%dma_wait3A_229 : memref<100000x32xf32, #tpu.memory_space<hbm>>) dst(%dma_wait3A_223 : memref<128x32xf32, #tpu.memory_space<vmem>>)
      %dma_wait3A_230 = arith.constant 1 : i32
      %dma_wait3A_231 = arith.constant 128 : i32
      %dma_wait3A_232 = arith.constant 0 : i32
      %dma_wait3A_233 = tpu.memref_slice %arg14[%dma_wait3A_231, %dma_wait3A_232] : memref<512x64xf32, #tpu.memory_space<vmem>> -> memref<128x64xf32, #tpu.memory_space<vmem>>
      %dma_wait3A_234 = arith.constant 0 : i32
      %dma_wait3A_235 = tpu.memref_slice %arg12[%dma_wait3A_230, %dma_wait3A_234] : memref<4x128xi32, #tpu.memory_space<vmem>> -> memref<1x128xi32, #tpu.memory_space<vmem>>
      %dma_wait3A_236 = tpu.memref_squeeze %dma_wait3A_235 : memref<1x128xi32, #tpu.memory_space<vmem>> -> memref<128xi32, #tpu.memory_space<vmem>>
      %dma_wait3A_237 = arith.constant 0 : i32
      %dma_wait3A_238 = arith.constant 0 : i32
      %dma_wait3A_239 = tpu.memref_slice %arg3[%dma_wait3A_237, %dma_wait3A_238] : memref<100000x64xf32, #tpu.memory_space<hbm>> -> memref<100000x64xf32, #tpu.memory_space<hbm>>
      tpu.wait_indirect_dma semaphore(%arg17 : memref<!tpu.dma_semaphore, #tpu.memory_space<semaphore_mem>>) src(%dma_wait3A_239 : memref<100000x64xf32, #tpu.memory_space<hbm>>) dst(%dma_wait3A_233 : memref<128x64xf32, #tpu.memory_space<vmem>>)
      %dma_wait3A_240 = arith.constant 1 : i32
      %dma_wait3A_241 = arith.constant 128 : i32
      %dma_wait3A_242 = arith.constant 0 : i32
      %dma_wait3A_243 = tpu.memref_slice %arg15[%dma_wait3A_241, %dma_wait3A_242] : memref<512x16xf32, #tpu.memory_space<vmem>> -> memref<128x16xf32, #tpu.memory_space<vmem>>
      %dma_wait3A_244 = arith.constant 0 : i32
      %dma_wait3A_245 = tpu.memref_slice %arg11[%dma_wait3A_240, %dma_wait3A_244] : memref<4x128xi32, #tpu.memory_space<vmem>> -> memref<1x128xi32, #tpu.memory_space<vmem>>
      %dma_wait3A_246 = tpu.memref_squeeze %dma_wait3A_245 : memref<1x128xi32, #tpu.memory_space<vmem>> -> memref<128xi32, #tpu.memory_space<vmem>>
      %dma_wait3A_247 = arith.constant 0 : i32
      %dma_wait3A_248 = arith.constant 0 : i32
      %dma_wait3A_249 = tpu.memref_slice %arg4[%dma_wait3A_247, %dma_wait3A_248] : memref<100000x16xf32, #tpu.memory_space<hbm>> -> memref<100000x16xf32, #tpu.memory_space<hbm>>
      tpu.wait_indirect_dma semaphore(%arg17 : memref<!tpu.dma_semaphore, #tpu.memory_space<semaphore_mem>>) src(%dma_wait3A_249 : memref<100000x16xf32, #tpu.memory_space<hbm>>) dst(%dma_wait3A_243 : memref<128x16xf32, #tpu.memory_space<vmem>>)
      %dma_wait3A_250 = arith.constant 1 : i32
      %dma_wait3A_251 = arith.constant 128 : i32
      %dma_wait3A_252 = arith.constant 0 : i32
      %dma_wait3A_253 = tpu.memref_slice %arg16[%dma_wait3A_251, %dma_wait3A_252] : memref<512x16xf32, #tpu.memory_space<vmem>> -> memref<128x16xf32, #tpu.memory_space<vmem>>
      %dma_wait3A_254 = arith.constant 0 : i32
      %dma_wait3A_255 = tpu.memref_slice %arg12[%dma_wait3A_250, %dma_wait3A_254] : memref<4x128xi32, #tpu.memory_space<vmem>> -> memref<1x128xi32, #tpu.memory_space<vmem>>
      %dma_wait3A_256 = tpu.memref_squeeze %dma_wait3A_255 : memref<1x128xi32, #tpu.memory_space<vmem>> -> memref<128xi32, #tpu.memory_space<vmem>>
      %dma_wait3A_257 = arith.constant 0 : i32
      %dma_wait3A_258 = arith.constant 0 : i32
      %dma_wait3A_259 = tpu.memref_slice %arg4[%dma_wait3A_257, %dma_wait3A_258] : memref<100000x16xf32, #tpu.memory_space<hbm>> -> memref<100000x16xf32, #tpu.memory_space<hbm>>
      tpu.wait_indirect_dma semaphore(%arg17 : memref<!tpu.dma_semaphore, #tpu.memory_space<semaphore_mem>>) src(%dma_wait3A_259 : memref<100000x16xf32, #tpu.memory_space<hbm>>) dst(%dma_wait3A_253 : memref<128x16xf32, #tpu.memory_space<vmem>>)
      %dma_wait3A_260 = arith.constant 2 : i32
      %dma_wait3A_261 = arith.constant 256 : i32
      %dma_wait3A_262 = arith.constant 0 : i32
      %dma_wait3A_263 = tpu.memref_slice %arg13[%dma_wait3A_261, %dma_wait3A_262] : memref<512x32xf32, #tpu.memory_space<vmem>> -> memref<128x32xf32, #tpu.memory_space<vmem>>
      %dma_wait3A_264 = arith.constant 0 : i32
      %dma_wait3A_265 = tpu.memref_slice %arg11[%dma_wait3A_260, %dma_wait3A_264] : memref<4x128xi32, #tpu.memory_space<vmem>> -> memref<1x128xi32, #tpu.memory_space<vmem>>
      %dma_wait3A_266 = tpu.memref_squeeze %dma_wait3A_265 : memref<1x128xi32, #tpu.memory_space<vmem>> -> memref<128xi32, #tpu.memory_space<vmem>>
      %dma_wait3A_267 = arith.constant 0 : i32
      %dma_wait3A_268 = arith.constant 0 : i32
      %dma_wait3A_269 = tpu.memref_slice %arg2[%dma_wait3A_267, %dma_wait3A_268] : memref<100000x32xf32, #tpu.memory_space<hbm>> -> memref<100000x32xf32, #tpu.memory_space<hbm>>
      tpu.wait_indirect_dma semaphore(%arg17 : memref<!tpu.dma_semaphore, #tpu.memory_space<semaphore_mem>>) src(%dma_wait3A_269 : memref<100000x32xf32, #tpu.memory_space<hbm>>) dst(%dma_wait3A_263 : memref<128x32xf32, #tpu.memory_space<vmem>>)
      %dma_wait3A_270 = arith.constant 2 : i32
      %dma_wait3A_271 = arith.constant 256 : i32
      %dma_wait3A_272 = arith.constant 0 : i32
      %dma_wait3A_273 = tpu.memref_slice %arg14[%dma_wait3A_271, %dma_wait3A_272] : memref<512x64xf32, #tpu.memory_space<vmem>> -> memref<128x64xf32, #tpu.memory_space<vmem>>
      %dma_wait3A_274 = arith.constant 0 : i32
      %dma_wait3A_275 = tpu.memref_slice %arg12[%dma_wait3A_270, %dma_wait3A_274] : memref<4x128xi32, #tpu.memory_space<vmem>> -> memref<1x128xi32, #tpu.memory_space<vmem>>
      %dma_wait3A_276 = tpu.memref_squeeze %dma_wait3A_275 : memref<1x128xi32, #tpu.memory_space<vmem>> -> memref<128xi32, #tpu.memory_space<vmem>>
      %dma_wait3A_277 = arith.constant 0 : i32
      %dma_wait3A_278 = arith.constant 0 : i32
      %dma_wait3A_279 = tpu.memref_slice %arg3[%dma_wait3A_277, %dma_wait3A_278] : memref<100000x64xf32, #tpu.memory_space<hbm>> -> memref<100000x64xf32, #tpu.memory_space<hbm>>
      tpu.wait_indirect_dma semaphore(%arg17 : memref<!tpu.dma_semaphore, #tpu.memory_space<semaphore_mem>>) src(%dma_wait3A_279 : memref<100000x64xf32, #tpu.memory_space<hbm>>) dst(%dma_wait3A_273 : memref<128x64xf32, #tpu.memory_space<vmem>>)
      %dma_wait3A_280 = arith.constant 2 : i32
      %dma_wait3A_281 = arith.constant 256 : i32
      %dma_wait3A_282 = arith.constant 0 : i32
      %dma_wait3A_283 = tpu.memref_slice %arg15[%dma_wait3A_281, %dma_wait3A_282] : memref<512x16xf32, #tpu.memory_space<vmem>> -> memref<128x16xf32, #tpu.memory_space<vmem>>
      %dma_wait3A_284 = arith.constant 0 : i32
      %dma_wait3A_285 = tpu.memref_slice %arg11[%dma_wait3A_280, %dma_wait3A_284] : memref<4x128xi32, #tpu.memory_space<vmem>> -> memref<1x128xi32, #tpu.memory_space<vmem>>
      %dma_wait3A_286 = tpu.memref_squeeze %dma_wait3A_285 : memref<1x128xi32, #tpu.memory_space<vmem>> -> memref<128xi32, #tpu.memory_space<vmem>>
      %dma_wait3A_287 = arith.constant 0 : i32
      %dma_wait3A_288 = arith.constant 0 : i32
      %dma_wait3A_289 = tpu.memref_slice %arg4[%dma_wait3A_287, %dma_wait3A_288] : memref<100000x16xf32, #tpu.memory_space<hbm>> -> memref<100000x16xf32, #tpu.memory_space<hbm>>
      tpu.wait_indirect_dma semaphore(%arg17 : memref<!tpu.dma_semaphore, #tpu.memory_space<semaphore_mem>>) src(%dma_wait3A_289 : memref<100000x16xf32, #tpu.memory_space<hbm>>) dst(%dma_wait3A_283 : memref<128x16xf32, #tpu.memory_space<vmem>>)
      %dma_wait3A_290 = arith.constant 2 : i32
      %dma_wait3A_291 = arith.constant 256 : i32
      %dma_wait3A_292 = arith.constant 0 : i32
      %dma_wait3A_293 = tpu.memref_slice %arg16[%dma_wait3A_291, %dma_wait3A_292] : memref<512x16xf32, #tpu.memory_space<vmem>> -> memref<128x16xf32, #tpu.memory_space<vmem>>
      %dma_wait3A_294 = arith.constant 0 : i32
      %dma_wait3A_295 = tpu.memref_slice %arg12[%dma_wait3A_290, %dma_wait3A_294] : memref<4x128xi32, #tpu.memory_space<vmem>> -> memref<1x128xi32, #tpu.memory_space<vmem>>
      %dma_wait3A_296 = tpu.memref_squeeze %dma_wait3A_295 : memref<1x128xi32, #tpu.memory_space<vmem>> -> memref<128xi32, #tpu.memory_space<vmem>>
      %dma_wait3A_297 = arith.constant 0 : i32
      %dma_wait3A_298 = arith.constant 0 : i32
      %dma_wait3A_299 = tpu.memref_slice %arg4[%dma_wait3A_297, %dma_wait3A_298] : memref<100000x16xf32, #tpu.memory_space<hbm>> -> memref<100000x16xf32, #tpu.memory_space<hbm>>
      tpu.wait_indirect_dma semaphore(%arg17 : memref<!tpu.dma_semaphore, #tpu.memory_space<semaphore_mem>>) src(%dma_wait3A_299 : memref<100000x16xf32, #tpu.memory_space<hbm>>) dst(%dma_wait3A_293 : memref<128x16xf32, #tpu.memory_space<vmem>>)
      %dma_wait3A_300 = arith.constant 3 : i32
      %dma_wait3A_301 = arith.constant 384 : i32
      %dma_wait3A_302 = arith.constant 0 : i32
      %dma_wait3A_303 = tpu.memref_slice %arg13[%dma_wait3A_301, %dma_wait3A_302] : memref<512x32xf32, #tpu.memory_space<vmem>> -> memref<128x32xf32, #tpu.memory_space<vmem>>
      %dma_wait3A_304 = arith.constant 0 : i32
      %dma_wait3A_305 = tpu.memref_slice %arg11[%dma_wait3A_300, %dma_wait3A_304] : memref<4x128xi32, #tpu.memory_space<vmem>> -> memref<1x128xi32, #tpu.memory_space<vmem>>
      %dma_wait3A_306 = tpu.memref_squeeze %dma_wait3A_305 : memref<1x128xi32, #tpu.memory_space<vmem>> -> memref<128xi32, #tpu.memory_space<vmem>>
      %dma_wait3A_307 = arith.constant 0 : i32
      %dma_wait3A_308 = arith.constant 0 : i32
      %dma_wait3A_309 = tpu.memref_slice %arg2[%dma_wait3A_307, %dma_wait3A_308] : memref<100000x32xf32, #tpu.memory_space<hbm>> -> memref<100000x32xf32, #tpu.memory_space<hbm>>
      tpu.wait_indirect_dma semaphore(%arg17 : memref<!tpu.dma_semaphore, #tpu.memory_space<semaphore_mem>>) src(%dma_wait3A_309 : memref<100000x32xf32, #tpu.memory_space<hbm>>) dst(%dma_wait3A_303 : memref<128x32xf32, #tpu.memory_space<vmem>>)
      %dma_wait3A_310 = arith.constant 3 : i32
      %dma_wait3A_311 = arith.constant 384 : i32
      %dma_wait3A_312 = arith.constant 0 : i32
      %dma_wait3A_313 = tpu.memref_slice %arg14[%dma_wait3A_311, %dma_wait3A_312] : memref<512x64xf32, #tpu.memory_space<vmem>> -> memref<128x64xf32, #tpu.memory_space<vmem>>
      %dma_wait3A_314 = arith.constant 0 : i32
      %dma_wait3A_315 = tpu.memref_slice %arg12[%dma_wait3A_310, %dma_wait3A_314] : memref<4x128xi32, #tpu.memory_space<vmem>> -> memref<1x128xi32, #tpu.memory_space<vmem>>
      %dma_wait3A_316 = tpu.memref_squeeze %dma_wait3A_315 : memref<1x128xi32, #tpu.memory_space<vmem>> -> memref<128xi32, #tpu.memory_space<vmem>>
      %dma_wait3A_317 = arith.constant 0 : i32
      %dma_wait3A_318 = arith.constant 0 : i32
      %dma_wait3A_319 = tpu.memref_slice %arg3[%dma_wait3A_317, %dma_wait3A_318] : memref<100000x64xf32, #tpu.memory_space<hbm>> -> memref<100000x64xf32, #tpu.memory_space<hbm>>
      tpu.wait_indirect_dma semaphore(%arg17 : memref<!tpu.dma_semaphore, #tpu.memory_space<semaphore_mem>>) src(%dma_wait3A_319 : memref<100000x64xf32, #tpu.memory_space<hbm>>) dst(%dma_wait3A_313 : memref<128x64xf32, #tpu.memory_space<vmem>>)
      %dma_wait3A_320 = arith.constant 3 : i32
      %dma_wait3A_321 = arith.constant 384 : i32
      %dma_wait3A_322 = arith.constant 0 : i32
      %dma_wait3A_323 = tpu.memref_slice %arg15[%dma_wait3A_321, %dma_wait3A_322] : memref<512x16xf32, #tpu.memory_space<vmem>> -> memref<128x16xf32, #tpu.memory_space<vmem>>
      %dma_wait3A_324 = arith.constant 0 : i32
      %dma_wait3A_325 = tpu.memref_slice %arg11[%dma_wait3A_320, %dma_wait3A_324] : memref<4x128xi32, #tpu.memory_space<vmem>> -> memref<1x128xi32, #tpu.memory_space<vmem>>
      %dma_wait3A_326 = tpu.memref_squeeze %dma_wait3A_325 : memref<1x128xi32, #tpu.memory_space<vmem>> -> memref<128xi32, #tpu.memory_space<vmem>>
      %dma_wait3A_327 = arith.constant 0 : i32
      %dma_wait3A_328 = arith.constant 0 : i32
      %dma_wait3A_329 = tpu.memref_slice %arg4[%dma_wait3A_327, %dma_wait3A_328] : memref<100000x16xf32, #tpu.memory_space<hbm>> -> memref<100000x16xf32, #tpu.memory_space<hbm>>
      tpu.wait_indirect_dma semaphore(%arg17 : memref<!tpu.dma_semaphore, #tpu.memory_space<semaphore_mem>>) src(%dma_wait3A_329 : memref<100000x16xf32, #tpu.memory_space<hbm>>) dst(%dma_wait3A_323 : memref<128x16xf32, #tpu.memory_space<vmem>>)
      %dma_wait3A_330 = arith.constant 3 : i32
      %dma_wait3A_331 = arith.constant 384 : i32
      %dma_wait3A_332 = arith.constant 0 : i32
      %dma_wait3A_333 = tpu.memref_slice %arg16[%dma_wait3A_331, %dma_wait3A_332] : memref<512x16xf32, #tpu.memory_space<vmem>> -> memref<128x16xf32, #tpu.memory_space<vmem>>
      %dma_wait3A_334 = arith.constant 0 : i32
      %dma_wait3A_335 = tpu.memref_slice %arg12[%dma_wait3A_330, %dma_wait3A_334] : memref<4x128xi32, #tpu.memory_space<vmem>> -> memref<1x128xi32, #tpu.memory_space<vmem>>
      %dma_wait3A_336 = tpu.memref_squeeze %dma_wait3A_335 : memref<1x128xi32, #tpu.memory_space<vmem>> -> memref<128xi32, #tpu.memory_space<vmem>>
      %dma_wait3A_337 = arith.constant 0 : i32
      %dma_wait3A_338 = arith.constant 0 : i32
      %dma_wait3A_339 = tpu.memref_slice %arg4[%dma_wait3A_337, %dma_wait3A_338] : memref<100000x16xf32, #tpu.memory_space<hbm>> -> memref<100000x16xf32, #tpu.memory_space<hbm>>
      tpu.wait_indirect_dma semaphore(%arg17 : memref<!tpu.dma_semaphore, #tpu.memory_space<semaphore_mem>>) src(%dma_wait3A_339 : memref<100000x16xf32, #tpu.memory_space<hbm>>) dst(%dma_wait3A_333 : memref<128x16xf32, #tpu.memory_space<vmem>>)
      "tpu.region"() ({
        %run_scoped3A = tpu.sem_alloc : memref<!tpu.dma_semaphore, #tpu.memory_space<semaphore_mem>>
        %dma_start3A_340 = arith.constant 0 : i32
        %dma_start3A_341 = tpu.memref_slice %arg7[%mul3A_21, %dma_start3A_340] : memref<1600000x32xf32, #tpu.memory_space<hbm>> -> memref<512x32xf32, #tpu.memory_space<hbm>>
        %dma_start3A_342 = arith.constant 0 : i32
        %dma_start3A_343 = tpu.memref_slice %arg7[%mul3A_21, %dma_start3A_342] : memref<1600000x32xf32, #tpu.memory_space<hbm>> -> memref<512x32xf32, #tpu.memory_space<hbm>>
        tpu.enqueue_dma source(%arg13 : memref<512x32xf32, #tpu.memory_space<vmem>>) target(%dma_start3A_343 : memref<512x32xf32, #tpu.memory_space<hbm>>) target_semaphore(%run_scoped3A : memref<!tpu.dma_semaphore, #tpu.memory_space<semaphore_mem>>)
        %dma_wait3A_344 = arith.constant 0 : i32
        %dma_wait3A_345 = tpu.memref_slice %arg7[%mul3A_21, %dma_wait3A_344] : memref<1600000x32xf32, #tpu.memory_space<hbm>> -> memref<512x32xf32, #tpu.memory_space<hbm>>
        %dma_wait3A_346 = arith.constant 0 : i32
        %dma_wait3A_347 = tpu.memref_slice %arg7[%mul3A_21, %dma_wait3A_346] : memref<1600000x32xf32, #tpu.memory_space<hbm>> -> memref<512x32xf32, #tpu.memory_space<hbm>>
        tpu.wait_dma2 semaphore(%run_scoped3A : memref<!tpu.dma_semaphore, #tpu.memory_space<semaphore_mem>>) src(%arg13 : memref<512x32xf32, #tpu.memory_space<vmem>>) dst(%dma_wait3A_347 : memref<512x32xf32, #tpu.memory_space<hbm>>)
        tpu.yield
      }) : () -> ()
      "tpu.region"() ({
        %run_scoped3A = tpu.sem_alloc : memref<!tpu.dma_semaphore, #tpu.memory_space<semaphore_mem>>
        %dma_start3A_340 = arith.constant 0 : i32
        %dma_start3A_341 = tpu.memref_slice %arg8[%mul3A_21, %dma_start3A_340] : memref<1600000x64xf32, #tpu.memory_space<hbm>> -> memref<512x64xf32, #tpu.memory_space<hbm>>
        %dma_start3A_342 = arith.constant 0 : i32
        %dma_start3A_343 = tpu.memref_slice %arg8[%mul3A_21, %dma_start3A_342] : memref<1600000x64xf32, #tpu.memory_space<hbm>> -> memref<512x64xf32, #tpu.memory_space<hbm>>
        tpu.enqueue_dma source(%arg14 : memref<512x64xf32, #tpu.memory_space<vmem>>) target(%dma_start3A_343 : memref<512x64xf32, #tpu.memory_space<hbm>>) target_semaphore(%run_scoped3A : memref<!tpu.dma_semaphore, #tpu.memory_space<semaphore_mem>>)
        %dma_wait3A_344 = arith.constant 0 : i32
        %dma_wait3A_345 = tpu.memref_slice %arg8[%mul3A_21, %dma_wait3A_344] : memref<1600000x64xf32, #tpu.memory_space<hbm>> -> memref<512x64xf32, #tpu.memory_space<hbm>>
        %dma_wait3A_346 = arith.constant 0 : i32
        %dma_wait3A_347 = tpu.memref_slice %arg8[%mul3A_21, %dma_wait3A_346] : memref<1600000x64xf32, #tpu.memory_space<hbm>> -> memref<512x64xf32, #tpu.memory_space<hbm>>
        tpu.wait_dma2 semaphore(%run_scoped3A : memref<!tpu.dma_semaphore, #tpu.memory_space<semaphore_mem>>) src(%arg14 : memref<512x64xf32, #tpu.memory_space<vmem>>) dst(%dma_wait3A_347 : memref<512x64xf32, #tpu.memory_space<hbm>>)
        tpu.yield
      }) : () -> ()
      "tpu.region"() ({
        %run_scoped3A = tpu.sem_alloc : memref<!tpu.dma_semaphore, #tpu.memory_space<semaphore_mem>>
        %dma_start3A_340 = arith.constant 0 : i32
        %dma_start3A_341 = tpu.memref_slice %arg9[%mul3A_21, %dma_start3A_340] : memref<1600000x16xf32, #tpu.memory_space<hbm>> -> memref<512x16xf32, #tpu.memory_space<hbm>>
        %dma_start3A_342 = arith.constant 0 : i32
        %dma_start3A_343 = tpu.memref_slice %arg9[%mul3A_21, %dma_start3A_342] : memref<1600000x16xf32, #tpu.memory_space<hbm>> -> memref<512x16xf32, #tpu.memory_space<hbm>>
        tpu.enqueue_dma source(%arg15 : memref<512x16xf32, #tpu.memory_space<vmem>>) target(%dma_start3A_343 : memref<512x16xf32, #tpu.memory_space<hbm>>) target_semaphore(%run_scoped3A : memref<!tpu.dma_semaphore, #tpu.memory_space<semaphore_mem>>)
        %dma_wait3A_344 = arith.constant 0 : i32
        %dma_wait3A_345 = tpu.memref_slice %arg9[%mul3A_21, %dma_wait3A_344] : memref<1600000x16xf32, #tpu.memory_space<hbm>> -> memref<512x16xf32, #tpu.memory_space<hbm>>
        %dma_wait3A_346 = arith.constant 0 : i32
        %dma_wait3A_347 = tpu.memref_slice %arg9[%mul3A_21, %dma_wait3A_346] : memref<1600000x16xf32, #tpu.memory_space<hbm>> -> memref<512x16xf32, #tpu.memory_space<hbm>>
        tpu.wait_dma2 semaphore(%run_scoped3A : memref<!tpu.dma_semaphore, #tpu.memory_space<semaphore_mem>>) src(%arg15 : memref<512x16xf32, #tpu.memory_space<vmem>>) dst(%dma_wait3A_347 : memref<512x16xf32, #tpu.memory_space<hbm>>)
        tpu.yield
      }) : () -> ()
      "tpu.region"() ({
        %run_scoped3A = tpu.sem_alloc : memref<!tpu.dma_semaphore, #tpu.memory_space<semaphore_mem>>
        %dma_start3A_340 = arith.constant 0 : i32
        %dma_start3A_341 = tpu.memref_slice %arg10[%mul3A_21, %dma_start3A_340] : memref<1600000x16xf32, #tpu.memory_space<hbm>> -> memref<512x16xf32, #tpu.memory_space<hbm>>
        %dma_start3A_342 = arith.constant 0 : i32
        %dma_start3A_343 = tpu.memref_slice %arg10[%mul3A_21, %dma_start3A_342] : memref<1600000x16xf32, #tpu.memory_space<hbm>> -> memref<512x16xf32, #tpu.memory_space<hbm>>
        tpu.enqueue_dma source(%arg16 : memref<512x16xf32, #tpu.memory_space<vmem>>) target(%dma_start3A_343 : memref<512x16xf32, #tpu.memory_space<hbm>>) target_semaphore(%run_scoped3A : memref<!tpu.dma_semaphore, #tpu.memory_space<semaphore_mem>>)
        %dma_wait3A_344 = arith.constant 0 : i32
        %dma_wait3A_345 = tpu.memref_slice %arg10[%mul3A_21, %dma_wait3A_344] : memref<1600000x16xf32, #tpu.memory_space<hbm>> -> memref<512x16xf32, #tpu.memory_space<hbm>>
        %dma_wait3A_346 = arith.constant 0 : i32
        %dma_wait3A_347 = tpu.memref_slice %arg10[%mul3A_21, %dma_wait3A_346] : memref<1600000x16xf32, #tpu.memory_space<hbm>> -> memref<512x16xf32, #tpu.memory_space<hbm>>
        tpu.wait_dma2 semaphore(%run_scoped3A : memref<!tpu.dma_semaphore, #tpu.memory_space<semaphore_mem>>) src(%arg16 : memref<512x16xf32, #tpu.memory_space<vmem>>) dst(%dma_wait3A_347 : memref<512x16xf32, #tpu.memory_space<hbm>>)
        tpu.yield
      }) : () -> ()
    }
    return
  }
}

#map = affine_map<(d0, d1) -> (0, 0)>
module attributes {stable_mosaic.version = 14 : i64} {
  func.func @_scatter_body(%arg0: i32, %arg1: i32, %arg2: memref<25000x128xi32, #tpu.memory_space<hbm>>, %arg3: memref<1600000x40xf32, #tpu.memory_space<hbm>>, %arg4: memref<128x40xf32, #tpu.memory_space<hbm>>, %arg5: memref<391x128xi32, #tpu.memory_space<hbm>>, %arg6: memref<100000x40xf32, #tpu.memory_space<hbm>>, %arg7: memref<1x128xi32, #tpu.memory_space<vmem>>, %arg8: memref<1x128xi32, #tpu.memory_space<vmem>>, %arg9: memref<128x40xf32, #tpu.memory_space<vmem>>, %arg10: memref<50048x40xf32, #tpu.memory_space<vmem_shared>>) attributes {dimension_semantics = [#tpu.dimension_semantics<core_parallel>, #tpu.dimension_semantics<subcore_parallel>], iteration_bounds = array<i64: 2, 16>, scalar_prefetch = 0 : i64, scratch_operands = 4 : i64, tpu.core_type = #tpu.core_type<sc_vector_subcore>, window_params = [{transform_indices = #map}, {transform_indices = #map}, {transform_indices = #map}, {transform_indices = #map}, {transform_indices = #map}]} {
    "tpu.region"() ({
      %run_scoped3A_58 = tpu.sem_alloc : memref<!tpu.dma_semaphore, #tpu.memory_space<semaphore_mem>>
      tpu.enqueue_dma source(%arg4 : memref<128x40xf32, #tpu.memory_space<hbm>>) target(%arg9 : memref<128x40xf32, #tpu.memory_space<vmem>>) target_semaphore(%run_scoped3A_58 : memref<!tpu.dma_semaphore, #tpu.memory_space<semaphore_mem>>)
      tpu.wait_dma2 semaphore(%run_scoped3A_58 : memref<!tpu.dma_semaphore, #tpu.memory_space<semaphore_mem>>) src(%arg4 : memref<128x40xf32, #tpu.memory_space<hbm>>) dst(%arg9 : memref<128x40xf32, #tpu.memory_space<vmem>>)
      tpu.yield
    }) : () -> ()
    %lt3A = arith.constant 7 : i32
    %lt3A_0 = arith.cmpi slt, %arg1, %lt3A : i32
    %jit3A = arith.constant 25 : i32
    %jit3A_1 = arith.constant 24 : i32
    %select_n3A = arith.select %lt3A_0, %jit3A, %jit3A_1 : i32
    %mul3A = arith.constant 24 : i32
    %mul3A_2 = arith.muli %arg1, %mul3A : i32
    %min3A = arith.constant 7 : i32
    %min3A_3 = arith.minsi %arg1, %min3A : i32
    %add3A = arith.addi %mul3A_2, %min3A_3 : i32
    %while3A = arith.constant 0 : i32
    %while3A_4 = arith.constant 0 : i32
    %while3A_5 = arith.subi %select_n3A, %while3A_4 : i32
    %while3A_6 = arith.addi %while3A_4, %while3A_5 : i32
    %while3A_7 = arith.constant 1 : i32
    %while3A_8 = arith.divsi %while3A_5, %while3A_7 : i32
    %while3A_9 = arith.muli %while3A_8, %while3A_7 : i32
    %while3A_10 = arith.addi %while3A_4, %while3A_9 : i32
    %while3A_11 = arith.constant 1 : i32
    scf.for %while3A_58 = %while3A_4 to %while3A_10 step %while3A_11  : i32 {
      %add3A_59 = arith.addi %add3A, %while3A_58 : i32
      "tpu.region"() ({
        %run_scoped3A_61 = tpu.sem_alloc : memref<!tpu.dma_semaphore, #tpu.memory_space<semaphore_mem>>
        %dma_start3A = arith.constant 0 : i32
        %dma_start3A_62 = tpu.memref_slice %arg5[%add3A_59, %dma_start3A] : memref<391x128xi32, #tpu.memory_space<hbm>> -> memref<1x128xi32, #tpu.memory_space<hbm>>
        %dma_start3A_63 = arith.constant 0 : i32
        %dma_start3A_64 = tpu.memref_slice %arg5[%add3A_59, %dma_start3A_63] : memref<391x128xi32, #tpu.memory_space<hbm>> -> memref<1x128xi32, #tpu.memory_space<hbm>>
        tpu.enqueue_dma source(%dma_start3A_64 : memref<1x128xi32, #tpu.memory_space<hbm>>) target(%arg8 : memref<1x128xi32, #tpu.memory_space<vmem>>) target_semaphore(%run_scoped3A_61 : memref<!tpu.dma_semaphore, #tpu.memory_space<semaphore_mem>>)
        %dma_wait3A = arith.constant 0 : i32
        %dma_wait3A_65 = tpu.memref_slice %arg5[%add3A_59, %dma_wait3A] : memref<391x128xi32, #tpu.memory_space<hbm>> -> memref<1x128xi32, #tpu.memory_space<hbm>>
        %dma_wait3A_66 = arith.constant 0 : i32
        %dma_wait3A_67 = tpu.memref_slice %arg5[%add3A_59, %dma_wait3A_66] : memref<391x128xi32, #tpu.memory_space<hbm>> -> memref<1x128xi32, #tpu.memory_space<hbm>>
        tpu.wait_dma2 semaphore(%run_scoped3A_61 : memref<!tpu.dma_semaphore, #tpu.memory_space<semaphore_mem>>) src(%dma_wait3A_67 : memref<1x128xi32, #tpu.memory_space<hbm>>) dst(%arg8 : memref<1x128xi32, #tpu.memory_space<vmem>>)
        tpu.yield
      }) : () -> ()
      %run_scoped3A_60 = arith.constant 0 : i32
      "tpu.region"() ({
        %run_scoped3A_61 = tpu.sem_alloc : memref<!tpu.dma_semaphore, #tpu.memory_space<semaphore_mem>>
        %dma_start3A = arith.constant 0 : i32
        %dma_start3A_62 = tpu.memref_slice %arg8[%run_scoped3A_60, %dma_start3A] : memref<1x128xi32, #tpu.memory_space<vmem>> -> memref<1x128xi32, #tpu.memory_space<vmem>>
        %dma_start3A_63 = tpu.memref_squeeze %dma_start3A_62 : memref<1x128xi32, #tpu.memory_space<vmem>> -> memref<128xi32, #tpu.memory_space<vmem>>
        %dma_start3A_64 = arith.constant 0 : i32
        %dma_start3A_65 = arith.constant 0 : i32
        %dma_start3A_66 = tpu.memref_slice %arg10[%dma_start3A_64, %dma_start3A_65] : memref<50048x40xf32, #tpu.memory_space<vmem_shared>> -> memref<50048x40xf32, #tpu.memory_space<vmem_shared>>
        tpu.enqueue_indirect_dma source(%arg9 : memref<128x40xf32, #tpu.memory_space<vmem>>) target(%dma_start3A_66 : memref<50048x40xf32, #tpu.memory_space<vmem_shared>>) offsets(%dma_start3A_63 : memref<128xi32, #tpu.memory_space<vmem>>) semaphore(%run_scoped3A_61 : memref<!tpu.dma_semaphore, #tpu.memory_space<semaphore_mem>>)
        %dma_wait3A = arith.constant 0 : i32
        %dma_wait3A_67 = tpu.memref_slice %arg8[%run_scoped3A_60, %dma_wait3A] : memref<1x128xi32, #tpu.memory_space<vmem>> -> memref<1x128xi32, #tpu.memory_space<vmem>>
        %dma_wait3A_68 = tpu.memref_squeeze %dma_wait3A_67 : memref<1x128xi32, #tpu.memory_space<vmem>> -> memref<128xi32, #tpu.memory_space<vmem>>
        %dma_wait3A_69 = arith.constant 0 : i32
        %dma_wait3A_70 = arith.constant 0 : i32
        %dma_wait3A_71 = tpu.memref_slice %arg10[%dma_wait3A_69, %dma_wait3A_70] : memref<50048x40xf32, #tpu.memory_space<vmem_shared>> -> memref<50048x40xf32, #tpu.memory_space<vmem_shared>>
        tpu.wait_indirect_dma semaphore(%run_scoped3A_61 : memref<!tpu.dma_semaphore, #tpu.memory_space<semaphore_mem>>) src(%arg9 : memref<128x40xf32, #tpu.memory_space<vmem>>) dst(%dma_wait3A_71 : memref<50048x40xf32, #tpu.memory_space<vmem_shared>>)
        tpu.yield
      }) : () -> ()
    }
    %while3A_12 = arith.constant 1 : i32
    scf.for %while3A_58 = %while3A_10 to %while3A_6 step %while3A_12  : i32 {
      %add3A_59 = arith.addi %add3A, %while3A_58 : i32
      "tpu.region"() ({
        %run_scoped3A_61 = tpu.sem_alloc : memref<!tpu.dma_semaphore, #tpu.memory_space<semaphore_mem>>
        %dma_start3A = arith.constant 0 : i32
        %dma_start3A_62 = tpu.memref_slice %arg5[%add3A_59, %dma_start3A] : memref<391x128xi32, #tpu.memory_space<hbm>> -> memref<1x128xi32, #tpu.memory_space<hbm>>
        %dma_start3A_63 = arith.constant 0 : i32
        %dma_start3A_64 = tpu.memref_slice %arg5[%add3A_59, %dma_start3A_63] : memref<391x128xi32, #tpu.memory_space<hbm>> -> memref<1x128xi32, #tpu.memory_space<hbm>>
        tpu.enqueue_dma source(%dma_start3A_64 : memref<1x128xi32, #tpu.memory_space<hbm>>) target(%arg8 : memref<1x128xi32, #tpu.memory_space<vmem>>) target_semaphore(%run_scoped3A_61 : memref<!tpu.dma_semaphore, #tpu.memory_space<semaphore_mem>>)
        %dma_wait3A = arith.constant 0 : i32
        %dma_wait3A_65 = tpu.memref_slice %arg5[%add3A_59, %dma_wait3A] : memref<391x128xi32, #tpu.memory_space<hbm>> -> memref<1x128xi32, #tpu.memory_space<hbm>>
        %dma_wait3A_66 = arith.constant 0 : i32
        %dma_wait3A_67 = tpu.memref_slice %arg5[%add3A_59, %dma_wait3A_66] : memref<391x128xi32, #tpu.memory_space<hbm>> -> memref<1x128xi32, #tpu.memory_space<hbm>>
        tpu.wait_dma2 semaphore(%run_scoped3A_61 : memref<!tpu.dma_semaphore, #tpu.memory_space<semaphore_mem>>) src(%dma_wait3A_67 : memref<1x128xi32, #tpu.memory_space<hbm>>) dst(%arg8 : memref<1x128xi32, #tpu.memory_space<vmem>>)
        tpu.yield
      }) : () -> ()
      %run_scoped3A_60 = arith.constant 0 : i32
      "tpu.region"() ({
        %run_scoped3A_61 = tpu.sem_alloc : memref<!tpu.dma_semaphore, #tpu.memory_space<semaphore_mem>>
        %dma_start3A = arith.constant 0 : i32
        %dma_start3A_62 = tpu.memref_slice %arg8[%run_scoped3A_60, %dma_start3A] : memref<1x128xi32, #tpu.memory_space<vmem>> -> memref<1x128xi32, #tpu.memory_space<vmem>>
        %dma_start3A_63 = tpu.memref_squeeze %dma_start3A_62 : memref<1x128xi32, #tpu.memory_space<vmem>> -> memref<128xi32, #tpu.memory_space<vmem>>
        %dma_start3A_64 = arith.constant 0 : i32
        %dma_start3A_65 = arith.constant 0 : i32
        %dma_start3A_66 = tpu.memref_slice %arg10[%dma_start3A_64, %dma_start3A_65] : memref<50048x40xf32, #tpu.memory_space<vmem_shared>> -> memref<50048x40xf32, #tpu.memory_space<vmem_shared>>
        tpu.enqueue_indirect_dma source(%arg9 : memref<128x40xf32, #tpu.memory_space<vmem>>) target(%dma_start3A_66 : memref<50048x40xf32, #tpu.memory_space<vmem_shared>>) offsets(%dma_start3A_63 : memref<128xi32, #tpu.memory_space<vmem>>) semaphore(%run_scoped3A_61 : memref<!tpu.dma_semaphore, #tpu.memory_space<semaphore_mem>>)
        %dma_wait3A = arith.constant 0 : i32
        %dma_wait3A_67 = tpu.memref_slice %arg8[%run_scoped3A_60, %dma_wait3A] : memref<1x128xi32, #tpu.memory_space<vmem>> -> memref<1x128xi32, #tpu.memory_space<vmem>>
        %dma_wait3A_68 = tpu.memref_squeeze %dma_wait3A_67 : memref<1x128xi32, #tpu.memory_space<vmem>> -> memref<128xi32, #tpu.memory_space<vmem>>
        %dma_wait3A_69 = arith.constant 0 : i32
        %dma_wait3A_70 = arith.constant 0 : i32
        %dma_wait3A_71 = tpu.memref_slice %arg10[%dma_wait3A_69, %dma_wait3A_70] : memref<50048x40xf32, #tpu.memory_space<vmem_shared>> -> memref<50048x40xf32, #tpu.memory_space<vmem_shared>>
        tpu.wait_indirect_dma semaphore(%run_scoped3A_61 : memref<!tpu.dma_semaphore, #tpu.memory_space<semaphore_mem>>) src(%arg9 : memref<128x40xf32, #tpu.memory_space<vmem>>) dst(%dma_wait3A_71 : memref<50048x40xf32, #tpu.memory_space<vmem_shared>>)
        tpu.yield
      }) : () -> ()
    }
    %barrier3A = arith.constant 0 : index
    tpu.barrier barrier_id(%barrier3A)
    %lt3A_13 = arith.constant 4 : i32
    %lt3A_14 = arith.cmpi slt, %arg1, %lt3A_13 : i32
    %jit3A_15 = arith.constant 782 : i32
    %jit3A_16 = arith.constant 781 : i32
    %select_n3A_17 = arith.select %lt3A_14, %jit3A_15, %jit3A_16 : i32
    %mul3A_18 = arith.constant 781 : i32
    %mul3A_19 = arith.muli %arg1, %mul3A_18 : i32
    %min3A_20 = arith.constant 4 : i32
    %min3A_21 = arith.minsi %arg1, %min3A_20 : i32
    %add3A_22 = arith.addi %mul3A_19, %min3A_21 : i32
    %while3A_23 = arith.constant 0 : i32
    %while3A_24 = arith.constant 0 : i32
    %while3A_25 = arith.subi %select_n3A_17, %while3A_24 : i32
    %while3A_26 = arith.addi %while3A_24, %while3A_25 : i32
    %while3A_27 = arith.constant 1 : i32
    %while3A_28 = arith.divsi %while3A_25, %while3A_27 : i32
    %while3A_29 = arith.muli %while3A_28, %while3A_27 : i32
    %while3A_30 = arith.addi %while3A_24, %while3A_29 : i32
    %while3A_31 = arith.constant 1 : i32
    scf.for %while3A_58 = %while3A_24 to %while3A_30 step %while3A_31  : i32 {
      %add3A_59 = arith.addi %add3A_22, %while3A_58 : i32
      %mul3A_60 = arith.constant 12500 : i32
      %mul3A_61 = arith.muli %arg0, %mul3A_60 : i32
      %add3A_62 = arith.addi %mul3A_61, %add3A_59 : i32
      "tpu.region"() ({
        %run_scoped3A_66 = tpu.sem_alloc : memref<!tpu.dma_semaphore, #tpu.memory_space<semaphore_mem>>
        %dma_start3A = arith.constant 0 : i32
        %dma_start3A_67 = tpu.memref_slice %arg2[%add3A_62, %dma_start3A] : memref<25000x128xi32, #tpu.memory_space<hbm>> -> memref<1x128xi32, #tpu.memory_space<hbm>>
        %dma_start3A_68 = arith.constant 0 : i32
        %dma_start3A_69 = tpu.memref_slice %arg2[%add3A_62, %dma_start3A_68] : memref<25000x128xi32, #tpu.memory_space<hbm>> -> memref<1x128xi32, #tpu.memory_space<hbm>>
        tpu.enqueue_dma source(%dma_start3A_69 : memref<1x128xi32, #tpu.memory_space<hbm>>) target(%arg7 : memref<1x128xi32, #tpu.memory_space<vmem>>) target_semaphore(%run_scoped3A_66 : memref<!tpu.dma_semaphore, #tpu.memory_space<semaphore_mem>>)
        %dma_wait3A = arith.constant 0 : i32
        %dma_wait3A_70 = tpu.memref_slice %arg2[%add3A_62, %dma_wait3A] : memref<25000x128xi32, #tpu.memory_space<hbm>> -> memref<1x128xi32, #tpu.memory_space<hbm>>
        %dma_wait3A_71 = arith.constant 0 : i32
        %dma_wait3A_72 = tpu.memref_slice %arg2[%add3A_62, %dma_wait3A_71] : memref<25000x128xi32, #tpu.memory_space<hbm>> -> memref<1x128xi32, #tpu.memory_space<hbm>>
        tpu.wait_dma2 semaphore(%run_scoped3A_66 : memref<!tpu.dma_semaphore, #tpu.memory_space<semaphore_mem>>) src(%dma_wait3A_72 : memref<1x128xi32, #tpu.memory_space<hbm>>) dst(%arg7 : memref<1x128xi32, #tpu.memory_space<vmem>>)
        tpu.yield
      }) : () -> ()
      %mul3A_63 = arith.constant 128 : i32
      %mul3A_64 = arith.muli %add3A_59, %mul3A_63 : i32
      "tpu.region"() ({
        %run_scoped3A_66 = tpu.sem_alloc : memref<!tpu.dma_semaphore, #tpu.memory_space<semaphore_mem>>
        %dma_start3A = arith.constant 0 : i32
        %dma_start3A_67 = tpu.memref_slice %arg3[%mul3A_64, %dma_start3A] : memref<1600000x40xf32, #tpu.memory_space<hbm>> -> memref<128x40xf32, #tpu.memory_space<hbm>>
        %dma_start3A_68 = arith.constant 0 : i32
        %dma_start3A_69 = tpu.memref_slice %arg3[%mul3A_64, %dma_start3A_68] : memref<1600000x40xf32, #tpu.memory_space<hbm>> -> memref<128x40xf32, #tpu.memory_space<hbm>>
        tpu.enqueue_dma source(%dma_start3A_69 : memref<128x40xf32, #tpu.memory_space<hbm>>) target(%arg9 : memref<128x40xf32, #tpu.memory_space<vmem>>) target_semaphore(%run_scoped3A_66 : memref<!tpu.dma_semaphore, #tpu.memory_space<semaphore_mem>>)
        %dma_wait3A = arith.constant 0 : i32
        %dma_wait3A_70 = tpu.memref_slice %arg3[%mul3A_64, %dma_wait3A] : memref<1600000x40xf32, #tpu.memory_space<hbm>> -> memref<128x40xf32, #tpu.memory_space<hbm>>
        %dma_wait3A_71 = arith.constant 0 : i32
        %dma_wait3A_72 = tpu.memref_slice %arg3[%mul3A_64, %dma_wait3A_71] : memref<1600000x40xf32, #tpu.memory_space<hbm>> -> memref<128x40xf32, #tpu.memory_space<hbm>>
        tpu.wait_dma2 semaphore(%run_scoped3A_66 : memref<!tpu.dma_semaphore, #tpu.memory_space<semaphore_mem>>) src(%dma_wait3A_72 : memref<128x40xf32, #tpu.memory_space<hbm>>) dst(%arg9 : memref<128x40xf32, #tpu.memory_space<vmem>>)
        tpu.yield
      }) : () -> ()
      %run_scoped3A_65 = arith.constant 0 : i32
      "tpu.region"() ({
        %run_scoped3A_66 = tpu.sem_alloc : memref<!tpu.dma_semaphore, #tpu.memory_space<semaphore_mem>>
        %dma_start3A = arith.constant 0 : i32
        %dma_start3A_67 = tpu.memref_slice %arg7[%run_scoped3A_65, %dma_start3A] : memref<1x128xi32, #tpu.memory_space<vmem>> -> memref<1x128xi32, #tpu.memory_space<vmem>>
        %dma_start3A_68 = tpu.memref_squeeze %dma_start3A_67 : memref<1x128xi32, #tpu.memory_space<vmem>> -> memref<128xi32, #tpu.memory_space<vmem>>
        %dma_start3A_69 = arith.constant 0 : i32
        %dma_start3A_70 = arith.constant 0 : i32
        %dma_start3A_71 = tpu.memref_slice %arg10[%dma_start3A_69, %dma_start3A_70] : memref<50048x40xf32, #tpu.memory_space<vmem_shared>> -> memref<50048x40xf32, #tpu.memory_space<vmem_shared>>
        tpu.enqueue_indirect_dma source(%arg9 : memref<128x40xf32, #tpu.memory_space<vmem>>) target(%dma_start3A_71 : memref<50048x40xf32, #tpu.memory_space<vmem_shared>>) offsets(%dma_start3A_68 : memref<128xi32, #tpu.memory_space<vmem>>) semaphore(%run_scoped3A_66 : memref<!tpu.dma_semaphore, #tpu.memory_space<semaphore_mem>>) {add = true}
        %dma_wait3A = arith.constant 0 : i32
        %dma_wait3A_72 = tpu.memref_slice %arg7[%run_scoped3A_65, %dma_wait3A] : memref<1x128xi32, #tpu.memory_space<vmem>> -> memref<1x128xi32, #tpu.memory_space<vmem>>
        %dma_wait3A_73 = tpu.memref_squeeze %dma_wait3A_72 : memref<1x128xi32, #tpu.memory_space<vmem>> -> memref<128xi32, #tpu.memory_space<vmem>>
        %dma_wait3A_74 = arith.constant 0 : i32
        %dma_wait3A_75 = arith.constant 0 : i32
        %dma_wait3A_76 = tpu.memref_slice %arg10[%dma_wait3A_74, %dma_wait3A_75] : memref<50048x40xf32, #tpu.memory_space<vmem_shared>> -> memref<50048x40xf32, #tpu.memory_space<vmem_shared>>
        tpu.wait_indirect_dma semaphore(%run_scoped3A_66 : memref<!tpu.dma_semaphore, #tpu.memory_space<semaphore_mem>>) src(%arg9 : memref<128x40xf32, #tpu.memory_space<vmem>>) dst(%dma_wait3A_76 : memref<50048x40xf32, #tpu.memory_space<vmem_shared>>)
        tpu.yield
      }) : () -> ()
    }
    %while3A_32 = arith.constant 1 : i32
    scf.for %while3A_58 = %while3A_30 to %while3A_26 step %while3A_32  : i32 {
      %add3A_59 = arith.addi %add3A_22, %while3A_58 : i32
      %mul3A_60 = arith.constant 12500 : i32
      %mul3A_61 = arith.muli %arg0, %mul3A_60 : i32
      %add3A_62 = arith.addi %mul3A_61, %add3A_59 : i32
      "tpu.region"() ({
        %run_scoped3A_66 = tpu.sem_alloc : memref<!tpu.dma_semaphore, #tpu.memory_space<semaphore_mem>>
        %dma_start3A = arith.constant 0 : i32
        %dma_start3A_67 = tpu.memref_slice %arg2[%add3A_62, %dma_start3A] : memref<25000x128xi32, #tpu.memory_space<hbm>> -> memref<1x128xi32, #tpu.memory_space<hbm>>
        %dma_start3A_68 = arith.constant 0 : i32
        %dma_start3A_69 = tpu.memref_slice %arg2[%add3A_62, %dma_start3A_68] : memref<25000x128xi32, #tpu.memory_space<hbm>> -> memref<1x128xi32, #tpu.memory_space<hbm>>
        tpu.enqueue_dma source(%dma_start3A_69 : memref<1x128xi32, #tpu.memory_space<hbm>>) target(%arg7 : memref<1x128xi32, #tpu.memory_space<vmem>>) target_semaphore(%run_scoped3A_66 : memref<!tpu.dma_semaphore, #tpu.memory_space<semaphore_mem>>)
        %dma_wait3A = arith.constant 0 : i32
        %dma_wait3A_70 = tpu.memref_slice %arg2[%add3A_62, %dma_wait3A] : memref<25000x128xi32, #tpu.memory_space<hbm>> -> memref<1x128xi32, #tpu.memory_space<hbm>>
        %dma_wait3A_71 = arith.constant 0 : i32
        %dma_wait3A_72 = tpu.memref_slice %arg2[%add3A_62, %dma_wait3A_71] : memref<25000x128xi32, #tpu.memory_space<hbm>> -> memref<1x128xi32, #tpu.memory_space<hbm>>
        tpu.wait_dma2 semaphore(%run_scoped3A_66 : memref<!tpu.dma_semaphore, #tpu.memory_space<semaphore_mem>>) src(%dma_wait3A_72 : memref<1x128xi32, #tpu.memory_space<hbm>>) dst(%arg7 : memref<1x128xi32, #tpu.memory_space<vmem>>)
        tpu.yield
      }) : () -> ()
      %mul3A_63 = arith.constant 128 : i32
      %mul3A_64 = arith.muli %add3A_59, %mul3A_63 : i32
      "tpu.region"() ({
        %run_scoped3A_66 = tpu.sem_alloc : memref<!tpu.dma_semaphore, #tpu.memory_space<semaphore_mem>>
        %dma_start3A = arith.constant 0 : i32
        %dma_start3A_67 = tpu.memref_slice %arg3[%mul3A_64, %dma_start3A] : memref<1600000x40xf32, #tpu.memory_space<hbm>> -> memref<128x40xf32, #tpu.memory_space<hbm>>
        %dma_start3A_68 = arith.constant 0 : i32
        %dma_start3A_69 = tpu.memref_slice %arg3[%mul3A_64, %dma_start3A_68] : memref<1600000x40xf32, #tpu.memory_space<hbm>> -> memref<128x40xf32, #tpu.memory_space<hbm>>
        tpu.enqueue_dma source(%dma_start3A_69 : memref<128x40xf32, #tpu.memory_space<hbm>>) target(%arg9 : memref<128x40xf32, #tpu.memory_space<vmem>>) target_semaphore(%run_scoped3A_66 : memref<!tpu.dma_semaphore, #tpu.memory_space<semaphore_mem>>)
        %dma_wait3A = arith.constant 0 : i32
        %dma_wait3A_70 = tpu.memref_slice %arg3[%mul3A_64, %dma_wait3A] : memref<1600000x40xf32, #tpu.memory_space<hbm>> -> memref<128x40xf32, #tpu.memory_space<hbm>>
        %dma_wait3A_71 = arith.constant 0 : i32
        %dma_wait3A_72 = tpu.memref_slice %arg3[%mul3A_64, %dma_wait3A_71] : memref<1600000x40xf32, #tpu.memory_space<hbm>> -> memref<128x40xf32, #tpu.memory_space<hbm>>
        tpu.wait_dma2 semaphore(%run_scoped3A_66 : memref<!tpu.dma_semaphore, #tpu.memory_space<semaphore_mem>>) src(%dma_wait3A_72 : memref<128x40xf32, #tpu.memory_space<hbm>>) dst(%arg9 : memref<128x40xf32, #tpu.memory_space<vmem>>)
        tpu.yield
      }) : () -> ()
      %run_scoped3A_65 = arith.constant 0 : i32
      "tpu.region"() ({
        %run_scoped3A_66 = tpu.sem_alloc : memref<!tpu.dma_semaphore, #tpu.memory_space<semaphore_mem>>
        %dma_start3A = arith.constant 0 : i32
        %dma_start3A_67 = tpu.memref_slice %arg7[%run_scoped3A_65, %dma_start3A] : memref<1x128xi32, #tpu.memory_space<vmem>> -> memref<1x128xi32, #tpu.memory_space<vmem>>
        %dma_start3A_68 = tpu.memref_squeeze %dma_start3A_67 : memref<1x128xi32, #tpu.memory_space<vmem>> -> memref<128xi32, #tpu.memory_space<vmem>>
        %dma_start3A_69 = arith.constant 0 : i32
        %dma_start3A_70 = arith.constant 0 : i32
        %dma_start3A_71 = tpu.memref_slice %arg10[%dma_start3A_69, %dma_start3A_70] : memref<50048x40xf32, #tpu.memory_space<vmem_shared>> -> memref<50048x40xf32, #tpu.memory_space<vmem_shared>>
        tpu.enqueue_indirect_dma source(%arg9 : memref<128x40xf32, #tpu.memory_space<vmem>>) target(%dma_start3A_71 : memref<50048x40xf32, #tpu.memory_space<vmem_shared>>) offsets(%dma_start3A_68 : memref<128xi32, #tpu.memory_space<vmem>>) semaphore(%run_scoped3A_66 : memref<!tpu.dma_semaphore, #tpu.memory_space<semaphore_mem>>) {add = true}
        %dma_wait3A = arith.constant 0 : i32
        %dma_wait3A_72 = tpu.memref_slice %arg7[%run_scoped3A_65, %dma_wait3A] : memref<1x128xi32, #tpu.memory_space<vmem>> -> memref<1x128xi32, #tpu.memory_space<vmem>>
        %dma_wait3A_73 = tpu.memref_squeeze %dma_wait3A_72 : memref<1x128xi32, #tpu.memory_space<vmem>> -> memref<128xi32, #tpu.memory_space<vmem>>
        %dma_wait3A_74 = arith.constant 0 : i32
        %dma_wait3A_75 = arith.constant 0 : i32
        %dma_wait3A_76 = tpu.memref_slice %arg10[%dma_wait3A_74, %dma_wait3A_75] : memref<50048x40xf32, #tpu.memory_space<vmem_shared>> -> memref<50048x40xf32, #tpu.memory_space<vmem_shared>>
        tpu.wait_indirect_dma semaphore(%run_scoped3A_66 : memref<!tpu.dma_semaphore, #tpu.memory_space<semaphore_mem>>) src(%arg9 : memref<128x40xf32, #tpu.memory_space<vmem>>) dst(%dma_wait3A_76 : memref<50048x40xf32, #tpu.memory_space<vmem_shared>>)
        tpu.yield
      }) : () -> ()
    }
    %barrier3A_33 = arith.constant 0 : index
    tpu.barrier barrier_id(%barrier3A_33)
    %lt3A_34 = arith.constant 6 : i32
    %lt3A_35 = arith.cmpi slt, %arg1, %lt3A_34 : i32
    %jit3A_36 = arith.constant 25 : i32
    %jit3A_37 = arith.constant 24 : i32
    %select_n3A_38 = arith.select %lt3A_35, %jit3A_36, %jit3A_37 : i32
    %mul3A_39 = arith.constant 24 : i32
    %mul3A_40 = arith.muli %arg1, %mul3A_39 : i32
    %min3A_41 = arith.constant 6 : i32
    %min3A_42 = arith.minsi %arg1, %min3A_41 : i32
    %add3A_43 = arith.addi %mul3A_40, %min3A_42 : i32
    %while3A_44 = arith.constant 0 : i32
    %while3A_45 = arith.constant 0 : i32
    %while3A_46 = arith.subi %select_n3A_38, %while3A_45 : i32
    %while3A_47 = arith.addi %while3A_45, %while3A_46 : i32
    %while3A_48 = arith.constant 1 : i32
    %while3A_49 = arith.divsi %while3A_46, %while3A_48 : i32
    %while3A_50 = arith.muli %while3A_49, %while3A_48 : i32
    %while3A_51 = arith.addi %while3A_45, %while3A_50 : i32
    %while3A_52 = arith.constant 1 : i32
    scf.for %while3A_58 = %while3A_45 to %while3A_51 step %while3A_52  : i32 {
      %add3A_59 = arith.addi %add3A_43, %while3A_58 : i32
      "tpu.region"() ({
        %run_scoped3A_66 = tpu.sem_alloc : memref<!tpu.dma_semaphore, #tpu.memory_space<semaphore_mem>>
        %dma_start3A = arith.constant 0 : i32
        %dma_start3A_67 = tpu.memref_slice %arg5[%add3A_59, %dma_start3A] : memref<391x128xi32, #tpu.memory_space<hbm>> -> memref<1x128xi32, #tpu.memory_space<hbm>>
        %dma_start3A_68 = arith.constant 0 : i32
        %dma_start3A_69 = tpu.memref_slice %arg5[%add3A_59, %dma_start3A_68] : memref<391x128xi32, #tpu.memory_space<hbm>> -> memref<1x128xi32, #tpu.memory_space<hbm>>
        tpu.enqueue_dma source(%dma_start3A_69 : memref<1x128xi32, #tpu.memory_space<hbm>>) target(%arg8 : memref<1x128xi32, #tpu.memory_space<vmem>>) target_semaphore(%run_scoped3A_66 : memref<!tpu.dma_semaphore, #tpu.memory_space<semaphore_mem>>)
        %dma_wait3A = arith.constant 0 : i32
        %dma_wait3A_70 = tpu.memref_slice %arg5[%add3A_59, %dma_wait3A] : memref<391x128xi32, #tpu.memory_space<hbm>> -> memref<1x128xi32, #tpu.memory_space<hbm>>
        %dma_wait3A_71 = arith.constant 0 : i32
        %dma_wait3A_72 = tpu.memref_slice %arg5[%add3A_59, %dma_wait3A_71] : memref<391x128xi32, #tpu.memory_space<hbm>> -> memref<1x128xi32, #tpu.memory_space<hbm>>
        tpu.wait_dma2 semaphore(%run_scoped3A_66 : memref<!tpu.dma_semaphore, #tpu.memory_space<semaphore_mem>>) src(%dma_wait3A_72 : memref<1x128xi32, #tpu.memory_space<hbm>>) dst(%arg8 : memref<1x128xi32, #tpu.memory_space<vmem>>)
        tpu.yield
      }) : () -> ()
      %run_scoped3A_60 = arith.constant 0 : i32
      "tpu.region"() ({
        %run_scoped3A_66 = tpu.sem_alloc : memref<!tpu.dma_semaphore, #tpu.memory_space<semaphore_mem>>
        %dma_start3A = arith.constant 0 : i32
        %dma_start3A_67 = tpu.memref_slice %arg8[%run_scoped3A_60, %dma_start3A] : memref<1x128xi32, #tpu.memory_space<vmem>> -> memref<1x128xi32, #tpu.memory_space<vmem>>
        %dma_start3A_68 = tpu.memref_squeeze %dma_start3A_67 : memref<1x128xi32, #tpu.memory_space<vmem>> -> memref<128xi32, #tpu.memory_space<vmem>>
        %dma_start3A_69 = arith.constant 0 : i32
        %dma_start3A_70 = arith.constant 0 : i32
        %dma_start3A_71 = tpu.memref_slice %arg10[%dma_start3A_69, %dma_start3A_70] : memref<50048x40xf32, #tpu.memory_space<vmem_shared>> -> memref<50048x40xf32, #tpu.memory_space<vmem_shared>>
        tpu.enqueue_indirect_dma source(%dma_start3A_71 : memref<50048x40xf32, #tpu.memory_space<vmem_shared>>) target(%arg9 : memref<128x40xf32, #tpu.memory_space<vmem>>) offsets(%dma_start3A_68 : memref<128xi32, #tpu.memory_space<vmem>>) semaphore(%run_scoped3A_66 : memref<!tpu.dma_semaphore, #tpu.memory_space<semaphore_mem>>)
        %dma_wait3A = arith.constant 0 : i32
        %dma_wait3A_72 = tpu.memref_slice %arg8[%run_scoped3A_60, %dma_wait3A] : memref<1x128xi32, #tpu.memory_space<vmem>> -> memref<1x128xi32, #tpu.memory_space<vmem>>
        %dma_wait3A_73 = tpu.memref_squeeze %dma_wait3A_72 : memref<1x128xi32, #tpu.memory_space<vmem>> -> memref<128xi32, #tpu.memory_space<vmem>>
        %dma_wait3A_74 = arith.constant 0 : i32
        %dma_wait3A_75 = arith.constant 0 : i32
        %dma_wait3A_76 = tpu.memref_slice %arg10[%dma_wait3A_74, %dma_wait3A_75] : memref<50048x40xf32, #tpu.memory_space<vmem_shared>> -> memref<50048x40xf32, #tpu.memory_space<vmem_shared>>
        tpu.wait_indirect_dma semaphore(%run_scoped3A_66 : memref<!tpu.dma_semaphore, #tpu.memory_space<semaphore_mem>>) src(%dma_wait3A_76 : memref<50048x40xf32, #tpu.memory_space<vmem_shared>>) dst(%arg9 : memref<128x40xf32, #tpu.memory_space<vmem>>)
        tpu.yield
      }) : () -> ()
      %mul3A_61 = arith.constant 50000 : i32
      %mul3A_62 = arith.muli %arg0, %mul3A_61 : i32
      %mul3A_63 = arith.constant 128 : i32
      %mul3A_64 = arith.muli %add3A_59, %mul3A_63 : i32
      %add3A_65 = arith.addi %mul3A_62, %mul3A_64 : i32
      "tpu.region"() ({
        %run_scoped3A_66 = tpu.sem_alloc : memref<!tpu.dma_semaphore, #tpu.memory_space<semaphore_mem>>
        %dma_start3A = arith.constant 0 : i32
        %dma_start3A_67 = tpu.memref_slice %arg6[%add3A_65, %dma_start3A] : memref<100000x40xf32, #tpu.memory_space<hbm>> -> memref<128x40xf32, #tpu.memory_space<hbm>>
        %dma_start3A_68 = arith.constant 0 : i32
        %dma_start3A_69 = tpu.memref_slice %arg6[%add3A_65, %dma_start3A_68] : memref<100000x40xf32, #tpu.memory_space<hbm>> -> memref<128x40xf32, #tpu.memory_space<hbm>>
        tpu.enqueue_dma source(%arg9 : memref<128x40xf32, #tpu.memory_space<vmem>>) target(%dma_start3A_69 : memref<128x40xf32, #tpu.memory_space<hbm>>) target_semaphore(%run_scoped3A_66 : memref<!tpu.dma_semaphore, #tpu.memory_space<semaphore_mem>>)
        %dma_wait3A = arith.constant 0 : i32
        %dma_wait3A_70 = tpu.memref_slice %arg6[%add3A_65, %dma_wait3A] : memref<100000x40xf32, #tpu.memory_space<hbm>> -> memref<128x40xf32, #tpu.memory_space<hbm>>
        %dma_wait3A_71 = arith.constant 0 : i32
        %dma_wait3A_72 = tpu.memref_slice %arg6[%add3A_65, %dma_wait3A_71] : memref<100000x40xf32, #tpu.memory_space<hbm>> -> memref<128x40xf32, #tpu.memory_space<hbm>>
        tpu.wait_dma2 semaphore(%run_scoped3A_66 : memref<!tpu.dma_semaphore, #tpu.memory_space<semaphore_mem>>) src(%arg9 : memref<128x40xf32, #tpu.memory_space<vmem>>) dst(%dma_wait3A_72 : memref<128x40xf32, #tpu.memory_space<hbm>>)
        tpu.yield
      }) : () -> ()
    }
    %while3A_53 = arith.constant 1 : i32
    scf.for %while3A_58 = %while3A_51 to %while3A_47 step %while3A_53  : i32 {
      %add3A_59 = arith.addi %add3A_43, %while3A_58 : i32
      "tpu.region"() ({
        %run_scoped3A_66 = tpu.sem_alloc : memref<!tpu.dma_semaphore, #tpu.memory_space<semaphore_mem>>
        %dma_start3A = arith.constant 0 : i32
        %dma_start3A_67 = tpu.memref_slice %arg5[%add3A_59, %dma_start3A] : memref<391x128xi32, #tpu.memory_space<hbm>> -> memref<1x128xi32, #tpu.memory_space<hbm>>
        %dma_start3A_68 = arith.constant 0 : i32
        %dma_start3A_69 = tpu.memref_slice %arg5[%add3A_59, %dma_start3A_68] : memref<391x128xi32, #tpu.memory_space<hbm>> -> memref<1x128xi32, #tpu.memory_space<hbm>>
        tpu.enqueue_dma source(%dma_start3A_69 : memref<1x128xi32, #tpu.memory_space<hbm>>) target(%arg8 : memref<1x128xi32, #tpu.memory_space<vmem>>) target_semaphore(%run_scoped3A_66 : memref<!tpu.dma_semaphore, #tpu.memory_space<semaphore_mem>>)
        %dma_wait3A = arith.constant 0 : i32
        %dma_wait3A_70 = tpu.memref_slice %arg5[%add3A_59, %dma_wait3A] : memref<391x128xi32, #tpu.memory_space<hbm>> -> memref<1x128xi32, #tpu.memory_space<hbm>>
        %dma_wait3A_71 = arith.constant 0 : i32
        %dma_wait3A_72 = tpu.memref_slice %arg5[%add3A_59, %dma_wait3A_71] : memref<391x128xi32, #tpu.memory_space<hbm>> -> memref<1x128xi32, #tpu.memory_space<hbm>>
        tpu.wait_dma2 semaphore(%run_scoped3A_66 : memref<!tpu.dma_semaphore, #tpu.memory_space<semaphore_mem>>) src(%dma_wait3A_72 : memref<1x128xi32, #tpu.memory_space<hbm>>) dst(%arg8 : memref<1x128xi32, #tpu.memory_space<vmem>>)
        tpu.yield
      }) : () -> ()
      %run_scoped3A_60 = arith.constant 0 : i32
      "tpu.region"() ({
        %run_scoped3A_66 = tpu.sem_alloc : memref<!tpu.dma_semaphore, #tpu.memory_space<semaphore_mem>>
        %dma_start3A = arith.constant 0 : i32
        %dma_start3A_67 = tpu.memref_slice %arg8[%run_scoped3A_60, %dma_start3A] : memref<1x128xi32, #tpu.memory_space<vmem>> -> memref<1x128xi32, #tpu.memory_space<vmem>>
        %dma_start3A_68 = tpu.memref_squeeze %dma_start3A_67 : memref<1x128xi32, #tpu.memory_space<vmem>> -> memref<128xi32, #tpu.memory_space<vmem>>
        %dma_start3A_69 = arith.constant 0 : i32
        %dma_start3A_70 = arith.constant 0 : i32
        %dma_start3A_71 = tpu.memref_slice %arg10[%dma_start3A_69, %dma_start3A_70] : memref<50048x40xf32, #tpu.memory_space<vmem_shared>> -> memref<50048x40xf32, #tpu.memory_space<vmem_shared>>
        tpu.enqueue_indirect_dma source(%dma_start3A_71 : memref<50048x40xf32, #tpu.memory_space<vmem_shared>>) target(%arg9 : memref<128x40xf32, #tpu.memory_space<vmem>>) offsets(%dma_start3A_68 : memref<128xi32, #tpu.memory_space<vmem>>) semaphore(%run_scoped3A_66 : memref<!tpu.dma_semaphore, #tpu.memory_space<semaphore_mem>>)
        %dma_wait3A = arith.constant 0 : i32
        %dma_wait3A_72 = tpu.memref_slice %arg8[%run_scoped3A_60, %dma_wait3A] : memref<1x128xi32, #tpu.memory_space<vmem>> -> memref<1x128xi32, #tpu.memory_space<vmem>>
        %dma_wait3A_73 = tpu.memref_squeeze %dma_wait3A_72 : memref<1x128xi32, #tpu.memory_space<vmem>> -> memref<128xi32, #tpu.memory_space<vmem>>
        %dma_wait3A_74 = arith.constant 0 : i32
        %dma_wait3A_75 = arith.constant 0 : i32
        %dma_wait3A_76 = tpu.memref_slice %arg10[%dma_wait3A_74, %dma_wait3A_75] : memref<50048x40xf32, #tpu.memory_space<vmem_shared>> -> memref<50048x40xf32, #tpu.memory_space<vmem_shared>>
        tpu.wait_indirect_dma semaphore(%run_scoped3A_66 : memref<!tpu.dma_semaphore, #tpu.memory_space<semaphore_mem>>) src(%dma_wait3A_76 : memref<50048x40xf32, #tpu.memory_space<vmem_shared>>) dst(%arg9 : memref<128x40xf32, #tpu.memory_space<vmem>>)
        tpu.yield
      }) : () -> ()
      %mul3A_61 = arith.constant 50000 : i32
      %mul3A_62 = arith.muli %arg0, %mul3A_61 : i32
      %mul3A_63 = arith.constant 128 : i32
      %mul3A_64 = arith.muli %add3A_59, %mul3A_63 : i32
      %add3A_65 = arith.addi %mul3A_62, %mul3A_64 : i32
      "tpu.region"() ({
        %run_scoped3A_66 = tpu.sem_alloc : memref<!tpu.dma_semaphore, #tpu.memory_space<semaphore_mem>>
        %dma_start3A = arith.constant 0 : i32
        %dma_start3A_67 = tpu.memref_slice %arg6[%add3A_65, %dma_start3A] : memref<100000x40xf32, #tpu.memory_space<hbm>> -> memref<128x40xf32, #tpu.memory_space<hbm>>
        %dma_start3A_68 = arith.constant 0 : i32
        %dma_start3A_69 = tpu.memref_slice %arg6[%add3A_65, %dma_start3A_68] : memref<100000x40xf32, #tpu.memory_space<hbm>> -> memref<128x40xf32, #tpu.memory_space<hbm>>
        tpu.enqueue_dma source(%arg9 : memref<128x40xf32, #tpu.memory_space<vmem>>) target(%dma_start3A_69 : memref<128x40xf32, #tpu.memory_space<hbm>>) target_semaphore(%run_scoped3A_66 : memref<!tpu.dma_semaphore, #tpu.memory_space<semaphore_mem>>)
        %dma_wait3A = arith.constant 0 : i32
        %dma_wait3A_70 = tpu.memref_slice %arg6[%add3A_65, %dma_wait3A] : memref<100000x40xf32, #tpu.memory_space<hbm>> -> memref<128x40xf32, #tpu.memory_space<hbm>>
        %dma_wait3A_71 = arith.constant 0 : i32
        %dma_wait3A_72 = tpu.memref_slice %arg6[%add3A_65, %dma_wait3A_71] : memref<100000x40xf32, #tpu.memory_space<hbm>> -> memref<128x40xf32, #tpu.memory_space<hbm>>
        tpu.wait_dma2 semaphore(%run_scoped3A_66 : memref<!tpu.dma_semaphore, #tpu.memory_space<semaphore_mem>>) src(%arg9 : memref<128x40xf32, #tpu.memory_space<vmem>>) dst(%dma_wait3A_72 : memref<128x40xf32, #tpu.memory_space<hbm>>)
        tpu.yield
      }) : () -> ()
    }
    "tpu.region"() ({
      %run_scoped3A_58 = tpu.sem_alloc : memref<!tpu.dma_semaphore, #tpu.memory_space<semaphore_mem>>
      %dma_start3A = arith.constant 390 : i32
      %dma_start3A_59 = arith.constant 0 : i32
      %dma_start3A_60 = tpu.memref_slice %arg5[%dma_start3A, %dma_start3A_59] : memref<391x128xi32, #tpu.memory_space<hbm>> -> memref<1x128xi32, #tpu.memory_space<hbm>>
      %dma_start3A_61 = arith.constant 390 : i32
      %dma_start3A_62 = arith.constant 0 : i32
      %dma_start3A_63 = tpu.memref_slice %arg5[%dma_start3A_61, %dma_start3A_62] : memref<391x128xi32, #tpu.memory_space<hbm>> -> memref<1x128xi32, #tpu.memory_space<hbm>>
      tpu.enqueue_dma source(%dma_start3A_63 : memref<1x128xi32, #tpu.memory_space<hbm>>) target(%arg8 : memref<1x128xi32, #tpu.memory_space<vmem>>) target_semaphore(%run_scoped3A_58 : memref<!tpu.dma_semaphore, #tpu.memory_space<semaphore_mem>>)
      %dma_wait3A = arith.constant 390 : i32
      %dma_wait3A_64 = arith.constant 0 : i32
      %dma_wait3A_65 = tpu.memref_slice %arg5[%dma_wait3A, %dma_wait3A_64] : memref<391x128xi32, #tpu.memory_space<hbm>> -> memref<1x128xi32, #tpu.memory_space<hbm>>
      %dma_wait3A_66 = arith.constant 390 : i32
      %dma_wait3A_67 = arith.constant 0 : i32
      %dma_wait3A_68 = tpu.memref_slice %arg5[%dma_wait3A_66, %dma_wait3A_67] : memref<391x128xi32, #tpu.memory_space<hbm>> -> memref<1x128xi32, #tpu.memory_space<hbm>>
      tpu.wait_dma2 semaphore(%run_scoped3A_58 : memref<!tpu.dma_semaphore, #tpu.memory_space<semaphore_mem>>) src(%dma_wait3A_68 : memref<1x128xi32, #tpu.memory_space<hbm>>) dst(%arg8 : memref<1x128xi32, #tpu.memory_space<vmem>>)
      tpu.yield
    }) : () -> ()
    %run_scoped3A = arith.constant 0 : i32
    "tpu.region"() ({
      %run_scoped3A_58 = tpu.sem_alloc : memref<!tpu.dma_semaphore, #tpu.memory_space<semaphore_mem>>
      %dma_start3A = arith.constant 0 : i32
      %dma_start3A_59 = arith.constant 0 : i32
      %dma_start3A_60 = tpu.memref_slice %arg9[%dma_start3A, %dma_start3A_59] : memref<128x40xf32, #tpu.memory_space<vmem>> -> memref<80x40xf32, #tpu.memory_space<vmem>>
      %dma_start3A_61 = arith.constant 0 : i32
      %dma_start3A_62 = tpu.memref_slice %arg8[%run_scoped3A, %dma_start3A_61] : memref<1x128xi32, #tpu.memory_space<vmem>> -> memref<1x80xi32, #tpu.memory_space<vmem>>
      %dma_start3A_63 = tpu.memref_squeeze %dma_start3A_62 : memref<1x80xi32, #tpu.memory_space<vmem>> -> memref<80xi32, #tpu.memory_space<vmem>>
      %dma_start3A_64 = arith.constant 0 : i32
      %dma_start3A_65 = arith.constant 0 : i32
      %dma_start3A_66 = tpu.memref_slice %arg10[%dma_start3A_64, %dma_start3A_65] : memref<50048x40xf32, #tpu.memory_space<vmem_shared>> -> memref<50048x40xf32, #tpu.memory_space<vmem_shared>>
      tpu.enqueue_indirect_dma source(%dma_start3A_66 : memref<50048x40xf32, #tpu.memory_space<vmem_shared>>) target(%dma_start3A_60 : memref<80x40xf32, #tpu.memory_space<vmem>>) offsets(%dma_start3A_63 : memref<80xi32, #tpu.memory_space<vmem>>) semaphore(%run_scoped3A_58 : memref<!tpu.dma_semaphore, #tpu.memory_space<semaphore_mem>>)
      %dma_wait3A = arith.constant 0 : i32
      %dma_wait3A_67 = arith.constant 0 : i32
      %dma_wait3A_68 = tpu.memref_slice %arg9[%dma_wait3A, %dma_wait3A_67] : memref<128x40xf32, #tpu.memory_space<vmem>> -> memref<80x40xf32, #tpu.memory_space<vmem>>
      %dma_wait3A_69 = arith.constant 0 : i32
      %dma_wait3A_70 = tpu.memref_slice %arg8[%run_scoped3A, %dma_wait3A_69] : memref<1x128xi32, #tpu.memory_space<vmem>> -> memref<1x80xi32, #tpu.memory_space<vmem>>
      %dma_wait3A_71 = tpu.memref_squeeze %dma_wait3A_70 : memref<1x80xi32, #tpu.memory_space<vmem>> -> memref<80xi32, #tpu.memory_space<vmem>>
      %dma_wait3A_72 = arith.constant 0 : i32
      %dma_wait3A_73 = arith.constant 0 : i32
      %dma_wait3A_74 = tpu.memref_slice %arg10[%dma_wait3A_72, %dma_wait3A_73] : memref<50048x40xf32, #tpu.memory_space<vmem_shared>> -> memref<50048x40xf32, #tpu.memory_space<vmem_shared>>
      tpu.wait_indirect_dma semaphore(%run_scoped3A_58 : memref<!tpu.dma_semaphore, #tpu.memory_space<semaphore_mem>>) src(%dma_wait3A_74 : memref<50048x40xf32, #tpu.memory_space<vmem_shared>>) dst(%dma_wait3A_68 : memref<80x40xf32, #tpu.memory_space<vmem>>)
      tpu.yield
    }) : () -> ()
    %mul3A_54 = arith.constant 50000 : i32
    %mul3A_55 = arith.muli %arg0, %mul3A_54 : i32
    %add3A_56 = arith.constant 49920 : i32
    %add3A_57 = arith.addi %mul3A_55, %add3A_56 : i32
    "tpu.region"() ({
      %run_scoped3A_58 = tpu.sem_alloc : memref<!tpu.dma_semaphore, #tpu.memory_space<semaphore_mem>>
      %dma_start3A = arith.constant 0 : i32
      %dma_start3A_59 = arith.constant 0 : i32
      %dma_start3A_60 = tpu.memref_slice %arg9[%dma_start3A, %dma_start3A_59] : memref<128x40xf32, #tpu.memory_space<vmem>> -> memref<80x40xf32, #tpu.memory_space<vmem>>
      %dma_start3A_61 = arith.constant 0 : i32
      %dma_start3A_62 = tpu.memref_slice %arg6[%add3A_57, %dma_start3A_61] : memref<100000x40xf32, #tpu.memory_space<hbm>> -> memref<80x40xf32, #tpu.memory_space<hbm>>
      %dma_start3A_63 = arith.constant 0 : i32
      %dma_start3A_64 = tpu.memref_slice %arg6[%add3A_57, %dma_start3A_63] : memref<100000x40xf32, #tpu.memory_space<hbm>> -> memref<80x40xf32, #tpu.memory_space<hbm>>
      %dma_start3A_65 = arith.constant 0 : i32
      %dma_start3A_66 = arith.constant 0 : i32
      %dma_start3A_67 = tpu.memref_slice %arg9[%dma_start3A_65, %dma_start3A_66] : memref<128x40xf32, #tpu.memory_space<vmem>> -> memref<80x40xf32, #tpu.memory_space<vmem>>
      tpu.enqueue_dma source(%dma_start3A_67 : memref<80x40xf32, #tpu.memory_space<vmem>>) target(%dma_start3A_64 : memref<80x40xf32, #tpu.memory_space<hbm>>) target_semaphore(%run_scoped3A_58 : memref<!tpu.dma_semaphore, #tpu.memory_space<semaphore_mem>>)
      %dma_wait3A = arith.constant 0 : i32
      %dma_wait3A_68 = arith.constant 0 : i32
      %dma_wait3A_69 = tpu.memref_slice %arg9[%dma_wait3A, %dma_wait3A_68] : memref<128x40xf32, #tpu.memory_space<vmem>> -> memref<80x40xf32, #tpu.memory_space<vmem>>
      %dma_wait3A_70 = arith.constant 0 : i32
      %dma_wait3A_71 = tpu.memref_slice %arg6[%add3A_57, %dma_wait3A_70] : memref<100000x40xf32, #tpu.memory_space<hbm>> -> memref<80x40xf32, #tpu.memory_space<hbm>>
      %dma_wait3A_72 = arith.constant 0 : i32
      %dma_wait3A_73 = tpu.memref_slice %arg6[%add3A_57, %dma_wait3A_72] : memref<100000x40xf32, #tpu.memory_space<hbm>> -> memref<80x40xf32, #tpu.memory_space<hbm>>
      %dma_wait3A_74 = arith.constant 0 : i32
      %dma_wait3A_75 = arith.constant 0 : i32
      %dma_wait3A_76 = tpu.memref_slice %arg9[%dma_wait3A_74, %dma_wait3A_75] : memref<128x40xf32, #tpu.memory_space<vmem>> -> memref<80x40xf32, #tpu.memory_space<vmem>>
      tpu.wait_dma2 semaphore(%run_scoped3A_58 : memref<!tpu.dma_semaphore, #tpu.memory_space<semaphore_mem>>) src(%dma_wait3A_76 : memref<80x40xf32, #tpu.memory_space<vmem>>) dst(%dma_wait3A_73 : memref<80x40xf32, #tpu.memory_space<hbm>>)
      tpu.yield
    }) : () -> ()
    return
  }
}

module attributes {stable_mosaic.version = 14 : i64} {
  func.func @_stage_a_body(%arg0: i32, %arg1: memref<2000x32xf32, #tpu.memory_space<vmem>>, %arg2: memref<2000x1xf32, #tpu.memory_space<vmem>>, %arg3: memref<64x128xf32, #tpu.memory_space<vmem>>, %arg4: memref<128x64xf32, #tpu.memory_space<vmem>>, %arg5: memref<1x64xf32, #tpu.memory_space<vmem>>, %arg6: memref<64x64xf32, #tpu.memory_space<vmem>>, %arg7: memref<1x64xf32, #tpu.memory_space<vmem>>, %arg8: memref<32x32xf32, #tpu.memory_space<vmem>>, %arg9: memref<32x32xf32, #tpu.memory_space<vmem>>, %arg10: memref<1x32xf32, #tpu.memory_space<vmem>>, %arg11: memref<32x32xf32, #tpu.memory_space<vmem>>, %arg12: memref<1x32xf32, #tpu.memory_space<vmem>>, %arg13: memref<2000x32xf32, #tpu.memory_space<vmem>>, %arg14: memref<2000x32xf32, #tpu.memory_space<vmem>>, %arg15: memref<2000x64xf32, #tpu.memory_space<vmem>>) attributes {dimension_semantics = [#tpu.dimension_semantics<arbitrary>], iteration_bounds = array<i64: 50>, scalar_prefetch = 0 : i64, scratch_operands = 0 : i64, tpu.core_type = #tpu.core_type<tc>, window_params = [{transform_indices = @transform_0, window_bounds = array<i64: 2000, 32>}, {transform_indices = @transform_1, window_bounds = array<i64: 2000, 1>}, {pipeline_mode = #tpu.pipeline_mode<synchronous>, transform_indices = @transform_2, window_bounds = array<i64: 64, 128>}, {pipeline_mode = #tpu.pipeline_mode<synchronous>, transform_indices = @transform_3, window_bounds = array<i64: 128, 64>}, {pipeline_mode = #tpu.pipeline_mode<synchronous>, transform_indices = @transform_4, window_bounds = array<i64: 1, 64>}, {pipeline_mode = #tpu.pipeline_mode<synchronous>, transform_indices = @transform_5, window_bounds = array<i64: 64, 64>}, {pipeline_mode = #tpu.pipeline_mode<synchronous>, transform_indices = @transform_6, window_bounds = array<i64: 1, 64>}, {pipeline_mode = #tpu.pipeline_mode<synchronous>, transform_indices = @transform_7, window_bounds = array<i64: 32, 32>}, {pipeline_mode = #tpu.pipeline_mode<synchronous>, transform_indices = @transform_8, window_bounds = array<i64: 32, 32>}, {pipeline_mode = #tpu.pipeline_mode<synchronous>, transform_indices = @transform_9, window_bounds = array<i64: 1, 32>}, {pipeline_mode = #tpu.pipeline_mode<synchronous>, transform_indices = @transform_10, window_bounds = array<i64: 32, 32>}, {pipeline_mode = #tpu.pipeline_mode<synchronous>, transform_indices = @transform_11, window_bounds = array<i64: 1, 32>}, {transform_indices = @transform_12, window_bounds = array<i64: 2000, 32>}, {transform_indices = @transform_13, window_bounds = array<i64: 2000, 32>}, {transform_indices = @transform_14, window_bounds = array<i64: 2000, 64>}]} {
    %get3A = arith.constant 0 : index
    %get3A_0 = arith.constant 0 : index
    %get3A_1 = vector.load %arg3[%get3A, %get3A_0] : memref<64x128xf32, #tpu.memory_space<vmem>>, vector<64x128xf32>
    %get3A_2 = arith.constant 0 : index
    %get3A_3 = arith.constant 0 : index
    %get3A_4 = vector.load %arg4[%get3A_2, %get3A_3] : memref<128x64xf32, #tpu.memory_space<vmem>>, vector<128x64xf32>
    %dot_general3A = arith.constant dense<0.000000e+00> : vector<64x64xf32>
    %dot_general3A_5 = tpu.matmul %get3A_1, %get3A_4, %dot_general3A {dimension_numbers = #tpu.dot_dimension_numbers<[1], [0], [0], [1], [0, 0, 1, 1], [], []>, transpose_lhs_hint = false} : vector<64x128xf32>, vector<128x64xf32>, vector<64x64xf32> -> vector<64x64xf32>
    %get3A_6 = arith.constant 0 : index
    %get3A_7 = arith.constant 0 : index
    %get3A_8 = vector.load %arg5[%get3A_6, %get3A_7] : memref<1x64xf32, #tpu.memory_space<vmem>>, vector<1x64xf32>
    %add3A = vector.broadcast %get3A_8 : vector<1x64xf32> to vector<64x64xf32>
    %add3A_9 = arith.addf %dot_general3A_5, %add3A : vector<64x64xf32>
    %logistic3A = arith.negf %add3A_9 : vector<64x64xf32>
    %logistic3A_10 = math.exp %logistic3A : vector<64x64xf32>
    %logistic3A_11 = arith.constant 1.000000e+00 : f32
    %logistic3A_12 = vector.broadcast %logistic3A_11 : f32 to vector<64x64xf32>
    %logistic3A_13 = arith.addf %logistic3A_12, %logistic3A_10 : vector<64x64xf32>
    %logistic3A_14 = arith.divf %logistic3A_12, %logistic3A_13 : vector<64x64xf32>
    %mul3A = arith.mulf %add3A_9, %logistic3A_14 : vector<64x64xf32>
    %get3A_15 = arith.constant 0 : index
    %get3A_16 = arith.constant 0 : index
    %get3A_17 = vector.load %arg6[%get3A_15, %get3A_16] : memref<64x64xf32, #tpu.memory_space<vmem>>, vector<64x64xf32>
    %dot_general3A_18 = arith.constant dense<0.000000e+00> : vector<64x64xf32>
    %dot_general3A_19 = tpu.matmul %mul3A, %get3A_17, %dot_general3A_18 {dimension_numbers = #tpu.dot_dimension_numbers<[1], [0], [0], [1], [0, 0, 1, 1], [], []>, transpose_lhs_hint = false} : vector<64x64xf32>, vector<64x64xf32>, vector<64x64xf32> -> vector<64x64xf32>
    %get3A_20 = arith.constant 0 : index
    %get3A_21 = arith.constant 0 : index
    %get3A_22 = vector.load %arg7[%get3A_20, %get3A_21] : memref<1x64xf32, #tpu.memory_space<vmem>>, vector<1x64xf32>
    %add3A_23 = vector.broadcast %get3A_22 : vector<1x64xf32> to vector<64x64xf32>
    %add3A_24 = arith.addf %dot_general3A_19, %add3A_23 : vector<64x64xf32>
    %get3A_25 = arith.constant 0 : index
    %get3A_26 = arith.constant 0 : index
    %get3A_27 = vector.load %arg2[%get3A_25, %get3A_26] : memref<2000x1xf32, #tpu.memory_space<vmem>>, vector<2000x1xf32>
    %iota3A = tpu.iota {dimensions = array<i32: 1>} : vector<2000x64xi32>
    %convert_element_type3A = arith.sitofp %iota3A : vector<2000x64xi32> to vector<2000x64xf32>
    %eq3A = vector.broadcast %get3A_27 : vector<2000x1xf32> to vector<2000x64xf32>
    %eq3A_28 = arith.cmpf oeq, %eq3A, %convert_element_type3A : vector<2000x64xf32>
    %convert_element_type3A_29 = arith.extui %eq3A_28 : vector<2000x64xi1> to vector<2000x64xi32>
    %convert_element_type3A_30 = arith.sitofp %convert_element_type3A_29 : vector<2000x64xi32> to vector<2000x64xf32>
    %dot_general3A_31 = arith.constant dense<0.000000e+00> : vector<2000x64xf32>
    %dot_general3A_32 = tpu.matmul %convert_element_type3A_30, %add3A_24, %dot_general3A_31 {dimension_numbers = #tpu.dot_dimension_numbers<[1], [0], [0], [1], [0, 0, 1, 1], [], []>, transpose_lhs_hint = false} : vector<2000x64xf32>, vector<64x64xf32>, vector<2000x64xf32> -> vector<2000x64xf32>
    %get3A_33 = arith.constant 0 : index
    %get3A_34 = arith.constant 0 : index
    %get3A_35 = vector.load %arg1[%get3A_33, %get3A_34] : memref<2000x32xf32, #tpu.memory_space<vmem>>, vector<2000x32xf32>
    %slice3A = vector.extract_strided_slice %dot_general3A_32 {offsets = [0, 0], sizes = [2000, 32], strides = [1, 1]} : vector<2000x64xf32> to vector<2000x32xf32>
    %add3A_36 = arith.constant 1.000000e+00 : f32
    %add3A_37 = vector.broadcast %add3A_36 : f32 to vector<2000x32xf32>
    %add3A_38 = arith.addf %add3A_37, %slice3A : vector<2000x32xf32>
    %mul3A_39 = arith.mulf %get3A_35, %add3A_38 : vector<2000x32xf32>
    %slice3A_40 = vector.extract_strided_slice %dot_general3A_32 {offsets = [0, 32], sizes = [2000, 32], strides = [1, 1]} : vector<2000x64xf32> to vector<2000x32xf32>
    %add3A_41 = arith.addf %mul3A_39, %slice3A_40 : vector<2000x32xf32>
    %logistic3A_42 = arith.negf %add3A_41 : vector<2000x32xf32>
    %logistic3A_43 = math.exp %logistic3A_42 : vector<2000x32xf32>
    %logistic3A_44 = arith.constant 1.000000e+00 : f32
    %logistic3A_45 = vector.broadcast %logistic3A_44 : f32 to vector<2000x32xf32>
    %logistic3A_46 = arith.addf %logistic3A_45, %logistic3A_43 : vector<2000x32xf32>
    %logistic3A_47 = arith.divf %logistic3A_45, %logistic3A_46 : vector<2000x32xf32>
    %mul3A_48 = arith.mulf %add3A_41, %logistic3A_47 : vector<2000x32xf32>
    %swap3A = arith.constant 0 : index
    %swap3A_49 = arith.constant 0 : index
    %swap3A_50 = vector.load %arg13[%swap3A, %swap3A_49] : memref<2000x32xf32, #tpu.memory_space<vmem>>, vector<2000x32xf32>
    tpu.vector_store %arg13[%swap3A, %swap3A_49], %mul3A_48 {strides = array<i32>} : memref<2000x32xf32, #tpu.memory_space<vmem>>, vector<2000x32xf32>,
    %get3A_51 = arith.constant 0 : index
    %get3A_52 = arith.constant 0 : index
    %get3A_53 = vector.load %arg8[%get3A_51, %get3A_52] : memref<32x32xf32, #tpu.memory_space<vmem>>, vector<32x32xf32>
    %dot_general3A_54 = arith.constant dense<0.000000e+00> : vector<2000x32xf32>
    %dot_general3A_55 = tpu.matmul %mul3A_48, %get3A_53, %dot_general3A_54 {dimension_numbers = #tpu.dot_dimension_numbers<[1], [0], [0], [1], [0, 0, 1, 1], [], []>, transpose_lhs_hint = false} : vector<2000x32xf32>, vector<32x32xf32>, vector<2000x32xf32> -> vector<2000x32xf32>
    %swap3A_56 = arith.constant 0 : index
    %swap3A_57 = arith.constant 0 : index
    %swap3A_58 = vector.load %arg14[%swap3A_56, %swap3A_57] : memref<2000x32xf32, #tpu.memory_space<vmem>>, vector<2000x32xf32>
    tpu.vector_store %arg14[%swap3A_56, %swap3A_57], %dot_general3A_55 {strides = array<i32>} : memref<2000x32xf32, #tpu.memory_space<vmem>>, vector<2000x32xf32>,
    %get3A_59 = arith.constant 0 : index
    %get3A_60 = arith.constant 0 : index
    %get3A_61 = vector.load %arg9[%get3A_59, %get3A_60] : memref<32x32xf32, #tpu.memory_space<vmem>>, vector<32x32xf32>
    %dot_general3A_62 = arith.constant dense<0.000000e+00> : vector<2000x32xf32>
    %dot_general3A_63 = tpu.matmul %mul3A_48, %get3A_61, %dot_general3A_62 {dimension_numbers = #tpu.dot_dimension_numbers<[1], [0], [0], [1], [0, 0, 1, 1], [], []>, transpose_lhs_hint = false} : vector<2000x32xf32>, vector<32x32xf32>, vector<2000x32xf32> -> vector<2000x32xf32>
    %get3A_64 = arith.constant 0 : index
    %get3A_65 = arith.constant 0 : index
    %get3A_66 = vector.load %arg10[%get3A_64, %get3A_65] : memref<1x32xf32, #tpu.memory_space<vmem>>, vector<1x32xf32>
    %add3A_67 = vector.broadcast %get3A_66 : vector<1x32xf32> to vector<2000x32xf32>
    %add3A_68 = arith.addf %dot_general3A_63, %add3A_67 : vector<2000x32xf32>
    %get3A_69 = arith.constant 0 : index
    %get3A_70 = arith.constant 0 : index
    %get3A_71 = vector.load %arg11[%get3A_69, %get3A_70] : memref<32x32xf32, #tpu.memory_space<vmem>>, vector<32x32xf32>
    %dot_general3A_72 = arith.constant dense<0.000000e+00> : vector<2000x32xf32>
    %dot_general3A_73 = tpu.matmul %mul3A_48, %get3A_71, %dot_general3A_72 {dimension_numbers = #tpu.dot_dimension_numbers<[1], [0], [0], [1], [0, 0, 1, 1], [], []>, transpose_lhs_hint = false} : vector<2000x32xf32>, vector<32x32xf32>, vector<2000x32xf32> -> vector<2000x32xf32>
    %get3A_74 = arith.constant 0 : index
    %get3A_75 = arith.constant 0 : index
    %get3A_76 = vector.load %arg12[%get3A_74, %get3A_75] : memref<1x32xf32, #tpu.memory_space<vmem>>, vector<1x32xf32>
    %add3A_77 = vector.broadcast %get3A_76 : vector<1x32xf32> to vector<2000x32xf32>
    %add3A_78 = arith.addf %dot_general3A_73, %add3A_77 : vector<2000x32xf32>
    %logistic3A_79 = arith.negf %add3A_78 : vector<2000x32xf32>
    %logistic3A_80 = math.exp %logistic3A_79 : vector<2000x32xf32>
    %logistic3A_81 = arith.constant 1.000000e+00 : f32
    %logistic3A_82 = vector.broadcast %logistic3A_81 : f32 to vector<2000x32xf32>
    %logistic3A_83 = arith.addf %logistic3A_82, %logistic3A_80 : vector<2000x32xf32>
    %logistic3A_84 = arith.divf %logistic3A_82, %logistic3A_83 : vector<2000x32xf32>
    %concatenate3A = tpu.concatenate %add3A_68, %logistic3A_84 in 1 : vector<2000x32xf32>, vector<2000x32xf32> -> vector<2000x64xf32>
    %swap3A_85 = arith.constant 0 : index
    %swap3A_86 = arith.constant 0 : index
    %swap3A_87 = vector.load %arg15[%swap3A_85, %swap3A_86] : memref<2000x64xf32, #tpu.memory_space<vmem>>, vector<2000x64xf32>
    tpu.vector_store %arg15[%swap3A_85, %swap3A_86], %concatenate3A {strides = array<i32>} : memref<2000x64xf32, #tpu.memory_space<vmem>>, vector<2000x64xf32>,
    return
  }
  func.func @transform_0(%arg0: i32) -> (i32, i32) {
    %c0_i32 = arith.constant 0 : i32
    %c0_i32_0 = arith.constant 0 : i32
    return %arg0, %c0_i32 : i32, i32
  }
  func.func @transform_1(%arg0: i32) -> (i32, i32) {
    %c0_i32 = arith.constant 0 : i32
    %c0_i32_0 = arith.constant 0 : i32
    return %arg0, %c0_i32 : i32, i32
  }
  func.func @transform_2(%arg0: i32) -> (i32, i32) {
    %c0_i32 = arith.constant 0 : i32
    %c0_i32_0 = arith.constant 0 : i32
    %c0_i32_1 = arith.constant 0 : i32
    return %c0_i32, %c0_i32_0 : i32, i32
  }
  func.func @transform_3(%arg0: i32) -> (i32, i32) {
    %c0_i32 = arith.constant 0 : i32
    %c0_i32_0 = arith.constant 0 : i32
    %c0_i32_1 = arith.constant 0 : i32
    return %c0_i32, %c0_i32_0 : i32, i32
  }
  func.func @transform_4(%arg0: i32) -> (i32, i32) {
    %c0_i32 = arith.constant 0 : i32
    %c0_i32_0 = arith.constant 0 : i32
    %c0_i32_1 = arith.constant 0 : i32
    return %c0_i32, %c0_i32_0 : i32, i32
  }
  func.func @transform_5(%arg0: i32) -> (i32, i32) {
    %c0_i32 = arith.constant 0 : i32
    %c0_i32_0 = arith.constant 0 : i32
    %c0_i32_1 = arith.constant 0 : i32
    return %c0_i32, %c0_i32_0 : i32, i32
  }
  func.func @transform_6(%arg0: i32) -> (i32, i32) {
    %c0_i32 = arith.constant 0 : i32
    %c0_i32_0 = arith.constant 0 : i32
    %c0_i32_1 = arith.constant 0 : i32
    return %c0_i32, %c0_i32_0 : i32, i32
  }
  func.func @transform_7(%arg0: i32) -> (i32, i32) {
    %c0_i32 = arith.constant 0 : i32
    %c0_i32_0 = arith.constant 0 : i32
    %c0_i32_1 = arith.constant 0 : i32
    return %c0_i32, %c0_i32_0 : i32, i32
  }
  func.func @transform_8(%arg0: i32) -> (i32, i32) {
    %c0_i32 = arith.constant 0 : i32
    %c0_i32_0 = arith.constant 0 : i32
    %c0_i32_1 = arith.constant 0 : i32
    return %c0_i32, %c0_i32_0 : i32, i32
  }
  func.func @transform_9(%arg0: i32) -> (i32, i32) {
    %c0_i32 = arith.constant 0 : i32
    %c0_i32_0 = arith.constant 0 : i32
    %c0_i32_1 = arith.constant 0 : i32
    return %c0_i32, %c0_i32_0 : i32, i32
  }
  func.func @transform_10(%arg0: i32) -> (i32, i32) {
    %c0_i32 = arith.constant 0 : i32
    %c0_i32_0 = arith.constant 0 : i32
    %c0_i32_1 = arith.constant 0 : i32
    return %c0_i32, %c0_i32_0 : i32, i32
  }
  func.func @transform_11(%arg0: i32) -> (i32, i32) {
    %c0_i32 = arith.constant 0 : i32
    %c0_i32_0 = arith.constant 0 : i32
    %c0_i32_1 = arith.constant 0 : i32
    return %c0_i32, %c0_i32_0 : i32, i32
  }
  func.func @transform_12(%arg0: i32) -> (i32, i32) {
    %c0_i32 = arith.constant 0 : i32
    %c0_i32_0 = arith.constant 0 : i32
    return %arg0, %c0_i32 : i32, i32
  }
  func.func @transform_13(%arg0: i32) -> (i32, i32) {
    %c0_i32 = arith.constant 0 : i32
    %c0_i32_0 = arith.constant 0 : i32
    return %arg0, %c0_i32 : i32, i32
  }
  func.func @transform_14(%arg0: i32) -> (i32, i32) {
    %c0_i32 = arith.constant 0 : i32
    %c0_i32_0 = arith.constant 0 : i32
    return %arg0, %c0_i32 : i32, i32
  }
}

module attributes {stable_mosaic.version = 14 : i64} {
  func.func @_stage_c_body(%arg0: i32, %arg1: memref<3200x32xf32, #tpu.memory_space<vmem>>, %arg2: memref<3200x64xf32, #tpu.memory_space<vmem>>, %arg3: memref<3200x16xf32, #tpu.memory_space<vmem>>, %arg4: memref<3200x16xf32, #tpu.memory_space<vmem>>, %arg5: memref<3200x1xf32, #tpu.memory_space<vmem>>, %arg6: memref<32x32xf32, #tpu.memory_space<vmem>>, %arg7: memref<1x32xf32, #tpu.memory_space<vmem>>, %arg8: memref<32x32xf32, #tpu.memory_space<vmem>>, %arg9: memref<32x32xf32, #tpu.memory_space<vmem>>, %arg10: memref<1x32xf32, #tpu.memory_space<vmem>>, %arg11: memref<1x32xf32, #tpu.memory_space<vmem>>, %arg12: memref<1x1xf32, #tpu.memory_space<vmem>>, %arg13: memref<1x32xf32, #tpu.memory_space<vmem>>, %arg14: memref<1x32xf32, #tpu.memory_space<vmem>>, %arg15: memref<3200x40xf32, #tpu.memory_space<vmem>>, %arg16: memref<3200x1xi32, #tpu.memory_space<vmem>>, %arg17: memref<3200x1xi32, #tpu.memory_space<vmem>>) attributes {dimension_semantics = [#tpu.dimension_semantics<arbitrary>], iteration_bounds = array<i64: 500>, scalar_prefetch = 0 : i64, scratch_operands = 0 : i64, tpu.core_type = #tpu.core_type<tc>, window_params = [{transform_indices = @transform_0, window_bounds = array<i64: 3200, 32>}, {transform_indices = @transform_1, window_bounds = array<i64: 3200, 64>}, {transform_indices = @transform_2, window_bounds = array<i64: 3200, 16>}, {transform_indices = @transform_3, window_bounds = array<i64: 3200, 16>}, {transform_indices = @transform_4, window_bounds = array<i64: 3200, 1>}, {pipeline_mode = #tpu.pipeline_mode<synchronous>, transform_indices = @transform_5, window_bounds = array<i64: 32, 32>}, {pipeline_mode = #tpu.pipeline_mode<synchronous>, transform_indices = @transform_6, window_bounds = array<i64: 1, 32>}, {pipeline_mode = #tpu.pipeline_mode<synchronous>, transform_indices = @transform_7, window_bounds = array<i64: 32, 32>}, {pipeline_mode = #tpu.pipeline_mode<synchronous>, transform_indices = @transform_8, window_bounds = array<i64: 32, 32>}, {pipeline_mode = #tpu.pipeline_mode<synchronous>, transform_indices = @transform_9, window_bounds = array<i64: 1, 32>}, {pipeline_mode = #tpu.pipeline_mode<synchronous>, transform_indices = @transform_10, window_bounds = array<i64: 1, 32>}, {pipeline_mode = #tpu.pipeline_mode<synchronous>, transform_indices = @transform_11, window_bounds = array<i64: 1, 1>}, {pipeline_mode = #tpu.pipeline_mode<synchronous>, transform_indices = @transform_12, window_bounds = array<i64: 1, 32>}, {pipeline_mode = #tpu.pipeline_mode<synchronous>, transform_indices = @transform_13, window_bounds = array<i64: 1, 32>}, {transform_indices = @transform_14, window_bounds = array<i64: 3200, 40>}, {transform_indices = @transform_15, window_bounds = array<i64: 3200, 1>}, {transform_indices = @transform_16, window_bounds = array<i64: 3200, 1>}]} {
    %get3A = arith.constant 0 : index
    %get3A_0 = arith.constant 0 : index
    %get3A_1 = vector.load %arg5[%get3A, %get3A_0] : memref<3200x1xf32, #tpu.memory_space<vmem>>, vector<3200x1xf32>
    %lt3A = arith.constant 5.000000e+04 : f32
    %lt3A_2 = vector.broadcast %lt3A : f32 to vector<3200x1xf32>
    %lt3A_3 = arith.cmpf olt, %get3A_1, %lt3A_2 : vector<3200x1xf32>
    %jit3A = arith.constant 5.000800e+04 : f32
    %broadcast_in_dim3A = vector.broadcast %jit3A : f32 to vector<3200x1xf32>
    %select_n3A = arith.select %lt3A_3, %get3A_1, %broadcast_in_dim3A : vector<3200x1xi1>, vector<3200x1xf32>
    %convert_element_type3A = arith.fptosi %select_n3A : vector<3200x1xf32> to vector<3200x1xi32>
    %swap3A = arith.constant 0 : index
    %swap3A_4 = arith.constant 0 : index
    %swap3A_5 = vector.load %arg16[%swap3A, %swap3A_4] : memref<3200x1xi32, #tpu.memory_space<vmem>>, vector<3200x1xi32>
    tpu.vector_store %arg16[%swap3A, %swap3A_4], %convert_element_type3A {strides = array<i32>} : memref<3200x1xi32, #tpu.memory_space<vmem>>, vector<3200x1xi32>,
    %ge3A = arith.constant 5.000000e+04 : f32
    %ge3A_6 = vector.broadcast %ge3A : f32 to vector<3200x1xf32>
    %ge3A_7 = arith.cmpf oge, %get3A_1, %ge3A_6 : vector<3200x1xf32>
    %sub3A = arith.constant 5.000000e+04 : f32
    %sub3A_8 = vector.broadcast %sub3A : f32 to vector<3200x1xf32>
    %sub3A_9 = arith.subf %get3A_1, %sub3A_8 : vector<3200x1xf32>
    %jit3A_10 = arith.constant 5.000800e+04 : f32
    %broadcast_in_dim3A_11 = vector.broadcast %jit3A_10 : f32 to vector<3200x1xf32>
    %select_n3A_12 = arith.select %ge3A_7, %sub3A_9, %broadcast_in_dim3A_11 : vector<3200x1xi1>, vector<3200x1xf32>
    %convert_element_type3A_13 = arith.fptosi %select_n3A_12 : vector<3200x1xf32> to vector<3200x1xi32>
    %swap3A_14 = arith.constant 0 : index
    %swap3A_15 = arith.constant 0 : index
    %swap3A_16 = vector.load %arg17[%swap3A_14, %swap3A_15] : memref<3200x1xi32, #tpu.memory_space<vmem>>, vector<3200x1xi32>
    tpu.vector_store %arg17[%swap3A_14, %swap3A_15], %convert_element_type3A_13 {strides = array<i32>} : memref<3200x1xi32, #tpu.memory_space<vmem>>, vector<3200x1xi32>,
    %get3A_17 = arith.constant 0 : index
    %get3A_18 = arith.constant 0 : index
    %get3A_19 = vector.load %arg1[%get3A_17, %get3A_18] : memref<3200x32xf32, #tpu.memory_space<vmem>>, vector<3200x32xf32>
    %get3A_20 = arith.constant 0 : index
    %get3A_21 = arith.constant 0 : index
    %get3A_22 = vector.load %arg2[%get3A_20, %get3A_21] : memref<3200x64xf32, #tpu.memory_space<vmem>>, vector<3200x64xf32>
    %slice3A = vector.extract_strided_slice %get3A_22 {offsets = [0, 0], sizes = [3200, 32], strides = [1, 1]} : vector<3200x64xf32> to vector<3200x32xf32>
    %add3A = arith.addf %get3A_19, %slice3A : vector<3200x32xf32>
    %logistic3A = arith.negf %add3A : vector<3200x32xf32>
    %logistic3A_23 = math.exp %logistic3A : vector<3200x32xf32>
    %logistic3A_24 = arith.constant 1.000000e+00 : f32
    %logistic3A_25 = vector.broadcast %logistic3A_24 : f32 to vector<3200x32xf32>
    %logistic3A_26 = arith.addf %logistic3A_25, %logistic3A_23 : vector<3200x32xf32>
    %logistic3A_27 = arith.divf %logistic3A_25, %logistic3A_26 : vector<3200x32xf32>
    %mul3A = arith.mulf %add3A, %logistic3A_27 : vector<3200x32xf32>
    %slice3A_28 = vector.extract_strided_slice %get3A_22 {offsets = [0, 32], sizes = [3200, 32], strides = [1, 1]} : vector<3200x64xf32> to vector<3200x32xf32>
    %get3A_29 = arith.constant 0 : index
    %get3A_30 = arith.constant 0 : index
    %get3A_31 = vector.load %arg6[%get3A_29, %get3A_30] : memref<32x32xf32, #tpu.memory_space<vmem>>, vector<32x32xf32>
    %dot_general3A = arith.constant dense<0.000000e+00> : vector<3200x32xf32>
    %dot_general3A_32 = tpu.matmul %mul3A, %get3A_31, %dot_general3A {dimension_numbers = #tpu.dot_dimension_numbers<[1], [0], [0], [1], [0, 0, 1, 1], [], []>, transpose_lhs_hint = false} : vector<3200x32xf32>, vector<32x32xf32>, vector<3200x32xf32> -> vector<3200x32xf32>
    %get3A_33 = arith.constant 0 : index
    %get3A_34 = arith.constant 0 : index
    %get3A_35 = vector.load %arg7[%get3A_33, %get3A_34] : memref<1x32xf32, #tpu.memory_space<vmem>>, vector<1x32xf32>
    %add3A_36 = vector.broadcast %get3A_35 : vector<1x32xf32> to vector<3200x32xf32>
    %add3A_37 = arith.addf %dot_general3A_32, %add3A_36 : vector<3200x32xf32>
    %logistic3A_38 = arith.negf %add3A_37 : vector<3200x32xf32>
    %logistic3A_39 = math.exp %logistic3A_38 : vector<3200x32xf32>
    %logistic3A_40 = arith.constant 1.000000e+00 : f32
    %logistic3A_41 = vector.broadcast %logistic3A_40 : f32 to vector<3200x32xf32>
    %logistic3A_42 = arith.addf %logistic3A_41, %logistic3A_39 : vector<3200x32xf32>
    %logistic3A_43 = arith.divf %logistic3A_41, %logistic3A_42 : vector<3200x32xf32>
    %mul3A_44 = arith.mulf %add3A_37, %logistic3A_43 : vector<3200x32xf32>
    %get3A_45 = arith.constant 0 : index
    %get3A_46 = arith.constant 0 : index
    %get3A_47 = vector.load %arg3[%get3A_45, %get3A_46] : memref<3200x16xf32, #tpu.memory_space<vmem>>, vector<3200x16xf32>
    %slice3A_48 = vector.extract_strided_slice %get3A_47 {offsets = [0, 0], sizes = [3200, 4], strides = [1, 1]} : vector<3200x16xf32> to vector<3200x4xf32>
    %get3A_49 = arith.constant 0 : index
    %get3A_50 = arith.constant 0 : index
    %get3A_51 = vector.load %arg4[%get3A_49, %get3A_50] : memref<3200x16xf32, #tpu.memory_space<vmem>>, vector<3200x16xf32>
    %slice3A_52 = vector.extract_strided_slice %get3A_51 {offsets = [0, 0], sizes = [3200, 4], strides = [1, 1]} : vector<3200x16xf32> to vector<3200x4xf32>
    %sub3A_53 = arith.subf %slice3A_48, %slice3A_52 : vector<3200x4xf32>
    %mul3A_54 = arith.mulf %sub3A_53, %sub3A_53 : vector<3200x4xf32>
    %reduce_sum3A = arith.constant dense<0.000000e+00> : vector<3200xf32>
    %reduce_sum3A_55 = vector.multi_reduction <add>, %mul3A_54, %reduce_sum3A [1] : vector<3200x4xf32> to vector<3200xf32>
    %broadcast_in_dim3A_56 = vector.shape_cast %reduce_sum3A_55 : vector<3200xf32> to vector<3200x1xf32>
    %sqrt3A = math.sqrt %broadcast_in_dim3A_56 : vector<3200x1xf32>
    %min3A = arith.constant 5.000000e+00 : f32
    %min3A_57 = vector.broadcast %min3A : f32 to vector<3200x1xf32>
    %min3A_58 = arith.minimumf %sqrt3A, %min3A_57 : vector<3200x1xf32>
    %mul3A_59 = arith.constant 0.628318548 : f32
    %mul3A_60 = vector.broadcast %mul3A_59 : f32 to vector<3200x1xf32>
    %mul3A_61 = arith.mulf %min3A_58, %mul3A_60 : vector<3200x1xf32>
    %cos3A = math.cos %mul3A_61 : vector<3200x1xf32>
    %add3A_62 = arith.constant 1.000000e+00 : f32
    %add3A_63 = vector.broadcast %add3A_62 : f32 to vector<3200x1xf32>
    %add3A_64 = arith.addf %cos3A, %add3A_63 : vector<3200x1xf32>
    %mul3A_65 = arith.constant 5.000000e-01 : f32
    %mul3A_66 = vector.broadcast %mul3A_65 : f32 to vector<3200x1xf32>
    %mul3A_67 = arith.mulf %mul3A_66, %add3A_64 : vector<3200x1xf32>
    %get3A_68 = arith.constant 0 : index
    %get3A_69 = arith.constant 0 : index
    %get3A_70 = vector.load %arg14[%get3A_68, %get3A_69] : memref<1x32xf32, #tpu.memory_space<vmem>>, vector<1x32xf32>
    %neg3A = arith.constant 0.000000e+00 : f32
    %neg3A_71 = vector.broadcast %neg3A : f32 to vector<1x32xf32>
    %neg3A_72 = arith.subf %neg3A_71, %get3A_70 : vector<1x32xf32>
    %neg3A_73 = arith.constant 0.000000e+00 : f32
    %neg3A_74 = vector.broadcast %neg3A_73 : f32 to vector<3200x1xf32>
    %neg3A_75 = arith.subf %neg3A_74, %sqrt3A : vector<3200x1xf32>
    %exp3A = math.exp %neg3A_75 : vector<3200x1xf32>
    %get3A_76 = arith.constant 0 : index
    %get3A_77 = arith.constant 0 : index
    %get3A_78 = vector.load %arg13[%get3A_76, %get3A_77] : memref<1x32xf32, #tpu.memory_space<vmem>>, vector<1x32xf32>
    %sub3A_79 = vector.broadcast %exp3A : vector<3200x1xf32> to vector<3200x32xf32>
    %sub3A_80 = vector.broadcast %get3A_78 : vector<1x32xf32> to vector<3200x32xf32>
    %sub3A_81 = arith.subf %sub3A_79, %sub3A_80 : vector<3200x32xf32>
    %integer_pow3A = arith.mulf %sub3A_81, %sub3A_81 : vector<3200x32xf32>
    %mul3A_82 = vector.broadcast %neg3A_72 : vector<1x32xf32> to vector<3200x32xf32>
    %mul3A_83 = arith.mulf %mul3A_82, %integer_pow3A : vector<3200x32xf32>
    %exp3A_84 = math.exp %mul3A_83 : vector<3200x32xf32>
    %mul3A_85 = vector.broadcast %mul3A_67 : vector<3200x1xf32> to vector<3200x32xf32>
    %mul3A_86 = arith.mulf %mul3A_85, %exp3A_84 : vector<3200x32xf32>
    %get3A_87 = arith.constant 0 : index
    %get3A_88 = arith.constant 0 : index
    %get3A_89 = vector.load %arg8[%get3A_87, %get3A_88] : memref<32x32xf32, #tpu.memory_space<vmem>>, vector<32x32xf32>
    %dot_general3A_90 = arith.constant dense<0.000000e+00> : vector<3200x32xf32>
    %dot_general3A_91 = tpu.matmul %mul3A_86, %get3A_89, %dot_general3A_90 {dimension_numbers = #tpu.dot_dimension_numbers<[1], [0], [0], [1], [0, 0, 1, 1], [], []>, transpose_lhs_hint = false} : vector<3200x32xf32>, vector<32x32xf32>, vector<3200x32xf32> -> vector<3200x32xf32>
    %mul3A_92 = arith.mulf %mul3A_44, %dot_general3A_91 : vector<3200x32xf32>
    %mul3A_93 = arith.mulf %mul3A_92, %slice3A_28 : vector<3200x32xf32>
    %get3A_94 = arith.constant 0 : index
    %get3A_95 = arith.constant 0 : index
    %get3A_96 = vector.load %arg9[%get3A_94, %get3A_95] : memref<32x32xf32, #tpu.memory_space<vmem>>, vector<32x32xf32>
    %dot_general3A_97 = arith.constant dense<0.000000e+00> : vector<3200x32xf32>
    %dot_general3A_98 = tpu.matmul %mul3A_93, %get3A_96, %dot_general3A_97 {dimension_numbers = #tpu.dot_dimension_numbers<[1], [0], [0], [1], [0, 0, 1, 1], [], []>, transpose_lhs_hint = false} : vector<3200x32xf32>, vector<32x32xf32>, vector<3200x32xf32> -> vector<3200x32xf32>
    %get3A_99 = arith.constant 0 : index
    %get3A_100 = arith.constant 0 : index
    %get3A_101 = vector.load %arg10[%get3A_99, %get3A_100] : memref<1x32xf32, #tpu.memory_space<vmem>>, vector<1x32xf32>
    %add3A_102 = vector.broadcast %get3A_101 : vector<1x32xf32> to vector<3200x32xf32>
    %add3A_103 = arith.addf %dot_general3A_98, %add3A_102 : vector<3200x32xf32>
    %logistic3A_104 = arith.negf %add3A_103 : vector<3200x32xf32>
    %logistic3A_105 = math.exp %logistic3A_104 : vector<3200x32xf32>
    %logistic3A_106 = arith.constant 1.000000e+00 : f32
    %logistic3A_107 = vector.broadcast %logistic3A_106 : f32 to vector<3200x32xf32>
    %logistic3A_108 = arith.addf %logistic3A_107, %logistic3A_105 : vector<3200x32xf32>
    %logistic3A_109 = arith.divf %logistic3A_107, %logistic3A_108 : vector<3200x32xf32>
    %mul3A_110 = arith.mulf %add3A_103, %logistic3A_109 : vector<3200x32xf32>
    %get3A_111 = arith.constant 0 : index
    %get3A_112 = arith.constant 0 : index
    %get3A_113 = vector.load %arg11[%get3A_111, %get3A_112] : memref<1x32xf32, #tpu.memory_space<vmem>>, vector<1x32xf32>
    %mul3A_114 = vector.broadcast %get3A_113 : vector<1x32xf32> to vector<3200x32xf32>
    %mul3A_115 = arith.mulf %mul3A_110, %mul3A_114 : vector<3200x32xf32>
    %reduce_sum3A_116 = arith.constant dense<0.000000e+00> : vector<3200xf32>
    %reduce_sum3A_117 = vector.multi_reduction <add>, %mul3A_115, %reduce_sum3A_116 [1] : vector<3200x32xf32> to vector<3200xf32>
    %broadcast_in_dim3A_118 = vector.shape_cast %reduce_sum3A_117 : vector<3200xf32> to vector<3200x1xf32>
    %get3A_119 = arith.constant 0 : index
    %get3A_120 = arith.constant 0 : index
    %get3A_121 = vector.load %arg12[%get3A_119, %get3A_120] : memref<1x1xf32, #tpu.memory_space<vmem>>, vector<1x1xf32>
    %add3A_122 = vector.broadcast %get3A_121 : vector<1x1xf32> to vector<3200x1xf32>
    %add3A_123 = arith.addf %broadcast_in_dim3A_118, %add3A_122 : vector<3200x1xf32>
    %iota3A = tpu.iota {dimensions = array<i32: 1>} : vector<3200x4xi32>
    %eq3A = arith.constant 3 : i32
    %eq3A_124 = vector.broadcast %eq3A : i32 to vector<3200x4xi32>
    %eq3A_125 = arith.cmpi eq, %iota3A, %eq3A_124 : vector<3200x4xi32>
    %convert_element_type3A_126 = arith.extui %eq3A_125 : vector<3200x4xi1> to vector<3200x4xi32>
    %convert_element_type3A_127 = arith.sitofp %convert_element_type3A_126 : vector<3200x4xi32> to vector<3200x4xf32>
    %mul3A_128 = vector.broadcast %add3A_123 : vector<3200x1xf32> to vector<3200x4xf32>
    %mul3A_129 = arith.mulf %sub3A_53, %mul3A_128 : vector<3200x4xf32>
    %add3A_130 = arith.addf %mul3A_129, %convert_element_type3A_127 : vector<3200x4xf32>
    %broadcast_in_dim3A_131 = arith.constant 0.000000e+00 : f32
    %broadcast_in_dim3A_132 = vector.broadcast %broadcast_in_dim3A_131 : f32 to vector<3200x4xf32>
    %concatenate3A = tpu.concatenate %mul3A_93, %add3A_130, %broadcast_in_dim3A_132 in 1 : vector<3200x32xf32>, vector<3200x4xf32>, vector<3200x4xf32> -> vector<3200x40xf32>
    %swap3A_133 = arith.constant 0 : index
    %swap3A_134 = arith.constant 0 : index
    %swap3A_135 = vector.load %arg15[%swap3A_133, %swap3A_134] : memref<3200x40xf32, #tpu.memory_space<vmem>>, vector<3200x40xf32>
    tpu.vector_store %arg15[%swap3A_133, %swap3A_134], %concatenate3A {strides = array<i32>} : memref<3200x40xf32, #tpu.memory_space<vmem>>, vector<3200x40xf32>,
    return
  }
  func.func @transform_0(%arg0: i32) -> (i32, i32) {
    %c0_i32 = arith.constant 0 : i32
    %c0_i32_0 = arith.constant 0 : i32
    return %arg0, %c0_i32 : i32, i32
  }
  func.func @transform_1(%arg0: i32) -> (i32, i32) {
    %c0_i32 = arith.constant 0 : i32
    %c0_i32_0 = arith.constant 0 : i32
    return %arg0, %c0_i32 : i32, i32
  }
  func.func @transform_2(%arg0: i32) -> (i32, i32) {
    %c0_i32 = arith.constant 0 : i32
    %c0_i32_0 = arith.constant 0 : i32
    return %arg0, %c0_i32 : i32, i32
  }
  func.func @transform_3(%arg0: i32) -> (i32, i32) {
    %c0_i32 = arith.constant 0 : i32
    %c0_i32_0 = arith.constant 0 : i32
    return %arg0, %c0_i32 : i32, i32
  }
  func.func @transform_4(%arg0: i32) -> (i32, i32) {
    %c0_i32 = arith.constant 0 : i32
    %c0_i32_0 = arith.constant 0 : i32
    return %arg0, %c0_i32 : i32, i32
  }
  func.func @transform_5(%arg0: i32) -> (i32, i32) {
    %c0_i32 = arith.constant 0 : i32
    %c0_i32_0 = arith.constant 0 : i32
    %c0_i32_1 = arith.constant 0 : i32
    return %c0_i32, %c0_i32_0 : i32, i32
  }
  func.func @transform_6(%arg0: i32) -> (i32, i32) {
    %c0_i32 = arith.constant 0 : i32
    %c0_i32_0 = arith.constant 0 : i32
    %c0_i32_1 = arith.constant 0 : i32
    return %c0_i32, %c0_i32_0 : i32, i32
  }
  func.func @transform_7(%arg0: i32) -> (i32, i32) {
    %c0_i32 = arith.constant 0 : i32
    %c0_i32_0 = arith.constant 0 : i32
    %c0_i32_1 = arith.constant 0 : i32
    return %c0_i32, %c0_i32_0 : i32, i32
  }
  func.func @transform_8(%arg0: i32) -> (i32, i32) {
    %c0_i32 = arith.constant 0 : i32
    %c0_i32_0 = arith.constant 0 : i32
    %c0_i32_1 = arith.constant 0 : i32
    return %c0_i32, %c0_i32_0 : i32, i32
  }
  func.func @transform_9(%arg0: i32) -> (i32, i32) {
    %c0_i32 = arith.constant 0 : i32
    %c0_i32_0 = arith.constant 0 : i32
    %c0_i32_1 = arith.constant 0 : i32
    return %c0_i32, %c0_i32_0 : i32, i32
  }
  func.func @transform_10(%arg0: i32) -> (i32, i32) {
    %c0_i32 = arith.constant 0 : i32
    %c0_i32_0 = arith.constant 0 : i32
    %c0_i32_1 = arith.constant 0 : i32
    return %c0_i32, %c0_i32_0 : i32, i32
  }
  func.func @transform_11(%arg0: i32) -> (i32, i32) {
    %c0_i32 = arith.constant 0 : i32
    %c0_i32_0 = arith.constant 0 : i32
    %c0_i32_1 = arith.constant 0 : i32
    return %c0_i32, %c0_i32_0 : i32, i32
  }
  func.func @transform_12(%arg0: i32) -> (i32, i32) {
    %c0_i32 = arith.constant 0 : i32
    %c0_i32_0 = arith.constant 0 : i32
    %c0_i32_1 = arith.constant 0 : i32
    return %c0_i32, %c0_i32_0 : i32, i32
  }
  func.func @transform_13(%arg0: i32) -> (i32, i32) {
    %c0_i32 = arith.constant 0 : i32
    %c0_i32_0 = arith.constant 0 : i32
    %c0_i32_1 = arith.constant 0 : i32
    return %c0_i32, %c0_i32_0 : i32, i32
  }
  func.func @transform_14(%arg0: i32) -> (i32, i32) {
    %c0_i32 = arith.constant 0 : i32
    %c0_i32_0 = arith.constant 0 : i32
    return %arg0, %c0_i32 : i32, i32
  }
  func.func @transform_15(%arg0: i32) -> (i32, i32) {
    %c0_i32 = arith.constant 0 : i32
    %c0_i32_0 = arith.constant 0 : i32
    return %arg0, %c0_i32 : i32, i32
  }
  func.func @transform_16(%arg0: i32) -> (i32, i32) {
    %c0_i32 = arith.constant 0 : i32
    %c0_i32_0 = arith.constant 0 : i32
    return %arg0, %c0_i32 : i32, i32
  }
}

module attributes {stable_mosaic.version = 14 : i64} {
  func.func @_stage_e_body(%arg0: i32, %arg1: memref<2000x32xf32, #tpu.memory_space<vmem>>, %arg2: memref<2000x40xf32, #tpu.memory_space<vmem>>, %arg3: memref<2000x4xf32, #tpu.memory_space<vmem>>, %arg4: memref<32x32xf32, #tpu.memory_space<vmem>>, %arg5: memref<32x32xf32, #tpu.memory_space<vmem>>, %arg6: memref<1x32xf32, #tpu.memory_space<vmem>>, %arg7: memref<32x32xf32, #tpu.memory_space<vmem>>, %arg8: memref<1x32xf32, #tpu.memory_space<vmem>>, %arg9: memref<2000x32xf32, #tpu.memory_space<vmem>>, %arg10: memref<2000x4xf32, #tpu.memory_space<vmem>>) attributes {dimension_semantics = [#tpu.dimension_semantics<arbitrary>], iteration_bounds = array<i64: 50>, scalar_prefetch = 0 : i64, scratch_operands = 0 : i64, tpu.core_type = #tpu.core_type<tc>, window_params = [{transform_indices = @transform_0, window_bounds = array<i64: 2000, 32>}, {transform_indices = @transform_1, window_bounds = array<i64: 2000, 40>}, {transform_indices = @transform_2, window_bounds = array<i64: 2000, 4>}, {pipeline_mode = #tpu.pipeline_mode<synchronous>, transform_indices = @transform_3, window_bounds = array<i64: 32, 32>}, {pipeline_mode = #tpu.pipeline_mode<synchronous>, transform_indices = @transform_4, window_bounds = array<i64: 32, 32>}, {pipeline_mode = #tpu.pipeline_mode<synchronous>, transform_indices = @transform_5, window_bounds = array<i64: 1, 32>}, {pipeline_mode = #tpu.pipeline_mode<synchronous>, transform_indices = @transform_6, window_bounds = array<i64: 32, 32>}, {pipeline_mode = #tpu.pipeline_mode<synchronous>, transform_indices = @transform_7, window_bounds = array<i64: 1, 32>}, {transform_indices = @transform_8, window_bounds = array<i64: 2000, 32>}, {transform_indices = @transform_9, window_bounds = array<i64: 2000, 4>}]} {
    %get3A = arith.constant 0 : index
    %get3A_0 = arith.constant 0 : index
    %get3A_1 = vector.load %arg1[%get3A, %get3A_0] : memref<2000x32xf32, #tpu.memory_space<vmem>>, vector<2000x32xf32>
    %get3A_2 = arith.constant 0 : index
    %get3A_3 = arith.constant 0 : index
    %get3A_4 = vector.load %arg2[%get3A_2, %get3A_3] : memref<2000x40xf32, #tpu.memory_space<vmem>>, vector<2000x40xf32>
    %slice3A = vector.extract_strided_slice %get3A_4 {offsets = [0, 0], sizes = [2000, 32], strides = [1, 1]} : vector<2000x40xf32> to vector<2000x32xf32>
    %slice3A_5 = vector.extract_strided_slice %get3A_4 {offsets = [0, 32], sizes = [2000, 4], strides = [1, 1]} : vector<2000x40xf32> to vector<2000x4xf32>
    %get3A_6 = arith.constant 0 : index
    %get3A_7 = arith.constant 0 : index
    %get3A_8 = vector.load %arg4[%get3A_6, %get3A_7] : memref<32x32xf32, #tpu.memory_space<vmem>>, vector<32x32xf32>
    %dot_general3A = arith.constant dense<0.000000e+00> : vector<2000x32xf32>
    %dot_general3A_9 = tpu.matmul %get3A_1, %get3A_8, %dot_general3A {dimension_numbers = #tpu.dot_dimension_numbers<[1], [0], [0], [1], [0, 0, 1, 1], [], []>, transpose_lhs_hint = false} : vector<2000x32xf32>, vector<32x32xf32>, vector<2000x32xf32> -> vector<2000x32xf32>
    %get3A_10 = arith.constant 0 : index
    %get3A_11 = arith.constant 0 : index
    %get3A_12 = vector.load %arg5[%get3A_10, %get3A_11] : memref<32x32xf32, #tpu.memory_space<vmem>>, vector<32x32xf32>
    %dot_general3A_13 = arith.constant dense<0.000000e+00> : vector<2000x32xf32>
    %dot_general3A_14 = tpu.matmul %slice3A, %get3A_12, %dot_general3A_13 {dimension_numbers = #tpu.dot_dimension_numbers<[1], [0], [0], [1], [0, 0, 1, 1], [], []>, transpose_lhs_hint = false} : vector<2000x32xf32>, vector<32x32xf32>, vector<2000x32xf32> -> vector<2000x32xf32>
    %add3A = arith.addf %dot_general3A_9, %dot_general3A_14 : vector<2000x32xf32>
    %get3A_15 = arith.constant 0 : index
    %get3A_16 = arith.constant 0 : index
    %get3A_17 = vector.load %arg6[%get3A_15, %get3A_16] : memref<1x32xf32, #tpu.memory_space<vmem>>, vector<1x32xf32>
    %add3A_18 = vector.broadcast %get3A_17 : vector<1x32xf32> to vector<2000x32xf32>
    %add3A_19 = arith.addf %add3A, %add3A_18 : vector<2000x32xf32>
    %logistic3A = arith.negf %add3A_19 : vector<2000x32xf32>
    %logistic3A_20 = math.exp %logistic3A : vector<2000x32xf32>
    %logistic3A_21 = arith.constant 1.000000e+00 : f32
    %logistic3A_22 = vector.broadcast %logistic3A_21 : f32 to vector<2000x32xf32>
    %logistic3A_23 = arith.addf %logistic3A_22, %logistic3A_20 : vector<2000x32xf32>
    %logistic3A_24 = arith.divf %logistic3A_22, %logistic3A_23 : vector<2000x32xf32>
    %mul3A = arith.mulf %add3A_19, %logistic3A_24 : vector<2000x32xf32>
    %get3A_25 = arith.constant 0 : index
    %get3A_26 = arith.constant 0 : index
    %get3A_27 = vector.load %arg7[%get3A_25, %get3A_26] : memref<32x32xf32, #tpu.memory_space<vmem>>, vector<32x32xf32>
    %dot_general3A_28 = arith.constant dense<0.000000e+00> : vector<2000x32xf32>
    %dot_general3A_29 = tpu.matmul %mul3A, %get3A_27, %dot_general3A_28 {dimension_numbers = #tpu.dot_dimension_numbers<[1], [0], [0], [1], [0, 0, 1, 1], [], []>, transpose_lhs_hint = false} : vector<2000x32xf32>, vector<32x32xf32>, vector<2000x32xf32> -> vector<2000x32xf32>
    %get3A_30 = arith.constant 0 : index
    %get3A_31 = arith.constant 0 : index
    %get3A_32 = vector.load %arg8[%get3A_30, %get3A_31] : memref<1x32xf32, #tpu.memory_space<vmem>>, vector<1x32xf32>
    %add3A_33 = vector.broadcast %get3A_32 : vector<1x32xf32> to vector<2000x32xf32>
    %add3A_34 = arith.addf %dot_general3A_29, %add3A_33 : vector<2000x32xf32>
    %add3A_35 = arith.addf %get3A_1, %add3A_34 : vector<2000x32xf32>
    %logistic3A_36 = arith.negf %add3A_35 : vector<2000x32xf32>
    %logistic3A_37 = math.exp %logistic3A_36 : vector<2000x32xf32>
    %logistic3A_38 = arith.constant 1.000000e+00 : f32
    %logistic3A_39 = vector.broadcast %logistic3A_38 : f32 to vector<2000x32xf32>
    %logistic3A_40 = arith.addf %logistic3A_39, %logistic3A_37 : vector<2000x32xf32>
    %logistic3A_41 = arith.divf %logistic3A_39, %logistic3A_40 : vector<2000x32xf32>
    %mul3A_42 = arith.mulf %add3A_35, %logistic3A_41 : vector<2000x32xf32>
    %swap3A = arith.constant 0 : index
    %swap3A_43 = arith.constant 0 : index
    %swap3A_44 = vector.load %arg9[%swap3A, %swap3A_43] : memref<2000x32xf32, #tpu.memory_space<vmem>>, vector<2000x32xf32>
    tpu.vector_store %arg9[%swap3A, %swap3A_43], %mul3A_42 {strides = array<i32>} : memref<2000x32xf32, #tpu.memory_space<vmem>>, vector<2000x32xf32>,
    %slice3A_45 = vector.extract_strided_slice %slice3A_5 {offsets = [0, 3], sizes = [2000, 1], strides = [1, 1]} : vector<2000x4xf32> to vector<2000x1xf32>
    %max3A = arith.constant 1.000000e+00 : f32
    %max3A_46 = vector.broadcast %max3A : f32 to vector<2000x1xf32>
    %max3A_47 = arith.maximumf %slice3A_45, %max3A_46 : vector<2000x1xf32>
    %iota3A = tpu.iota {dimensions = array<i32: 1>} : vector<2000x4xi32>
    %lt3A = arith.constant 3 : i32
    %lt3A_48 = vector.broadcast %lt3A : i32 to vector<2000x4xi32>
    %lt3A_49 = arith.cmpi slt, %iota3A, %lt3A_48 : vector<2000x4xi32>
    %convert_element_type3A = arith.extui %lt3A_49 : vector<2000x4xi1> to vector<2000x4xi32>
    %convert_element_type3A_50 = arith.sitofp %convert_element_type3A : vector<2000x4xi32> to vector<2000x4xf32>
    %get3A_51 = arith.constant 0 : index
    %get3A_52 = arith.constant 0 : index
    %get3A_53 = vector.load %arg3[%get3A_51, %get3A_52] : memref<2000x4xf32, #tpu.memory_space<vmem>>, vector<2000x4xf32>
    %mul3A_54 = arith.mulf %slice3A_5, %convert_element_type3A_50 : vector<2000x4xf32>
    %div3A = vector.broadcast %max3A_47 : vector<2000x1xf32> to vector<2000x4xf32>
    %div3A_55 = arith.divf %mul3A_54, %div3A : vector<2000x4xf32>
    %add3A_56 = arith.addf %get3A_53, %div3A_55 : vector<2000x4xf32>
    %swap3A_57 = arith.constant 0 : index
    %swap3A_58 = arith.constant 0 : index
    %swap3A_59 = vector.load %arg10[%swap3A_57, %swap3A_58] : memref<2000x4xf32, #tpu.memory_space<vmem>>, vector<2000x4xf32>
    tpu.vector_store %arg10[%swap3A_57, %swap3A_58], %add3A_56 {strides = array<i32>} : memref<2000x4xf32, #tpu.memory_space<vmem>>, vector<2000x4xf32>,
    return
  }
  func.func @transform_0(%arg0: i32) -> (i32, i32) {
    %c0_i32 = arith.constant 0 : i32
    %c0_i32_0 = arith.constant 0 : i32
    return %arg0, %c0_i32 : i32, i32
  }
  func.func @transform_1(%arg0: i32) -> (i32, i32) {
    %c0_i32 = arith.constant 0 : i32
    %c0_i32_0 = arith.constant 0 : i32
    return %arg0, %c0_i32 : i32, i32
  }
  func.func @transform_2(%arg0: i32) -> (i32, i32) {
    %c0_i32 = arith.constant 0 : i32
    %c0_i32_0 = arith.constant 0 : i32
    return %arg0, %c0_i32 : i32, i32
  }
  func.func @transform_3(%arg0: i32) -> (i32, i32) {
    %c0_i32 = arith.constant 0 : i32
    %c0_i32_0 = arith.constant 0 : i32
    %c0_i32_1 = arith.constant 0 : i32
    return %c0_i32, %c0_i32_0 : i32, i32
  }
  func.func @transform_4(%arg0: i32) -> (i32, i32) {
    %c0_i32 = arith.constant 0 : i32
    %c0_i32_0 = arith.constant 0 : i32
    %c0_i32_1 = arith.constant 0 : i32
    return %c0_i32, %c0_i32_0 : i32, i32
  }
  func.func @transform_5(%arg0: i32) -> (i32, i32) {
    %c0_i32 = arith.constant 0 : i32
    %c0_i32_0 = arith.constant 0 : i32
    %c0_i32_1 = arith.constant 0 : i32
    return %c0_i32, %c0_i32_0 : i32, i32
  }
  func.func @transform_6(%arg0: i32) -> (i32, i32) {
    %c0_i32 = arith.constant 0 : i32
    %c0_i32_0 = arith.constant 0 : i32
    %c0_i32_1 = arith.constant 0 : i32
    return %c0_i32, %c0_i32_0 : i32, i32
  }
  func.func @transform_7(%arg0: i32) -> (i32, i32) {
    %c0_i32 = arith.constant 0 : i32
    %c0_i32_0 = arith.constant 0 : i32
    %c0_i32_1 = arith.constant 0 : i32
    return %c0_i32, %c0_i32_0 : i32, i32
  }
  func.func @transform_8(%arg0: i32) -> (i32, i32) {
    %c0_i32 = arith.constant 0 : i32
    %c0_i32_0 = arith.constant 0 : i32
    return %arg0, %c0_i32 : i32, i32
  }
  func.func @transform_9(%arg0: i32) -> (i32, i32) {
    %c0_i32 = arith.constant 0 : i32
    %c0_i32_0 = arith.constant 0 : i32
    return %arg0, %c0_i32 : i32, i32
  }
}

</mosaic_0001>

<sc_bundles>
// kernel: kernel.10.cloned.1.call-start
scs
__scs_entry_jumppad:
0x0: {  	(pc) =	sbr.rel $0x88, $3  }
0x1: {  	(tag) =	ssettag $0x0;
	lr =	simm.s32 $0x1  }
0x2: {  	[smem:$0x3F89] =	sst lr;
	_ =	strace $0xD0000000  }
0x3: {  	_ = 	snop  }
0x4: {  	_ = 	snop  }
0x5: {  	_ = 	snop  }
0x6: {  	_ = 	snop  }
0x7: {  	_ = 	snop  }
__scs_overlays_trampoline_lowered:
0x8: {  	[smem:$0x3F98] =	sst s0  }
0x9: {  	[smem:$0x3F99] =	sst s1  }
0xa: {  	[smem:$0x3F9A] =	sst s2  }
0xb: {  	[smem:$0x3F9B] =	sst s3  }
0xc: {  	[smem:$0x3F9C] =	sst s4  }
0xd: {  	[smem:$0x3F9D] =	sst s5  }
0xe: {  	[smem:$0x3F9E] =	sst s6  }
0xf: {  	[smem:$0x3F9F] =	sst s7  }
0x10: {  	[smem:$0x3FA0] =	sst s8  }
0x11: {  	[smem:$0x3FA1] =	sst s9;
	s0 =	simm.s32 @!p0 $0x0  }
0x12: {  	s1 =	sld [smem:$0x3F87];
	s0 =	simm.s32 @p0 $0x1  }
0x13: {  	[smem:$0x3FA2] =	sst s0;
	s0 =	simm.s32 @!p1 $0x0  }
0x14: {  	s2 =	sld [smem:$0x3F86];
	s0 =	simm.s32 @p1 $0x1  }
0x15: {  	[smem:$0x3FA3] =	sst s0;
	s0 =	simm.s32 @!p2 $0x0  }
0x16: {  	s3 =	sld [smem:$0x3FDB];
	s0 =	simm.s32 @p2 $0x1  }
0x17: {  	s4 =	simm.s32 $0x1BF5;
	[smem:$0x3FA5] =	sst s0  }
0x18: {  	s0 =	sld [smem:$0x3F88];
	_ =	swait.ge [sflag:s4], $0x0  }
0x19: {  	s7 =	sld [smem:$0x3F89]  }
0x1a: {  	s8 =	sadd.s32 $0xFFFFE003, lr  }
0x1b: {  	s9 =	sadd.s32 $0xFFFFFEF7, lr;
	s5 =	simm.s32 $0xFFFFFFFF;
	p2 =	slt.u32 s8, $0xFFFFF086  }
0x1c: {  	p1 =	slt.u32 s9, $0xF7A;
	s5 =	simm.s32 @!p2 $0x0  }
0x1d: {  	s5 =	simm.s32 @p1 $0x1;
	p0 =	seq.s32 s7, s2  }
0x1e: {  	s7 =	smul.u32 @!p0 $0xF7A, s2;
	p2 =	seq.s32 @!p0 s5, $0x0  }
0x1f: {  	s9 =	smul.u32 $0xF7A, s1;
	s8 =	simm.s32 @!p0 $0x1BF5;
	p2 =	por !p2, p0  }
0x20: {  	[sflag:s8] =	ssyncset.s32 @!p0 $0xFFFFF086;
	s6 =	sadd.s32 @!p0 s3, s7;
	s7 =	simm.s32 @!p0 $0x108  }
0x21: {  	s3 =	sadd.s32 s3, s9;
	s6 =	sadd.s32 @!p0 $0x88, s6;
	s7 =	simm.s32 @p2 $0x1082  }
0x22: {  	[simem:s7], [sflag:s8] =	dma.local @!p0 [hbm:s6], $0xF7A  }
0x23: {  	s9 =	sor.u32 $0xD0000000, s2;
	s6 =	simm.s32 $0x108;
	_ =	swait.ge @!p0 [sflag:s8], $0x0  }
0x24: {  	s3 =	sadd.s32 $0x88, s3;
	s6 =	simm.s32 @!p1 $0x1082;
	[sflag:s4] =	ssyncset.s32 $0xFFFFF086  }
0x25: {  	[simem:s6], [sflag:s4] =	dma.local [hbm:s3], $0xF7A  }
0x26: {  	[smem:$0x3F89] =	sst s1;
	(tag) =	ssettag s2;
	_ =	strace s9  }
0x27: {  	s1 =	sld [smem:$0x3F99]  }
0x28: {  	s2 =	sld [smem:$0x3F9A]  }
0x29: {  	s4 =	sld [smem:$0x3F9C]  }
0x2a: {  	p0 =	seq.s32 s5, $0x0;
	s5 =	sld [smem:$0x3F9D]  }
0x2b: {  	s6 =	sld [smem:$0x3F9E]  }
0x2c: {  	s7 =	sld [smem:$0x3F9F]  }
0x2d: {  	s3 =	simm.s32 $0x108;
	s8 =	sld [smem:$0x3FA0]  }
0x2e: {  	s3 =	simm.s32 @!p0 $0x1082;
	s9 =	sld [smem:$0x3FA1]  }
0x2f: {  	lr =	sadd.s32 s0, s3;
	s0 =	sld [smem:$0x3F98]  }
0x30: {  	s3 =	sld [smem:$0x3F9B]  }
0x31: {  	[smem:$0x3FA4] =	sst s10  }
0x32: {  	s10 =	sld [smem:$0x3FA2];
	_ =	sdelay $0x3  }
0x33: {  	p0 =	seq.s32 s10, $0x1;
	s10 =	sld [smem:$0x3FA4];
	_ =	sdelay $0x3  }
0x34: {  	[smem:$0x3FA4] =	sst s10  }
0x35: {  	s10 =	sld [smem:$0x3FA3];
	_ =	sdelay $0x3  }
0x36: {  	p1 =	seq.s32 s10, $0x1;
	s10 =	sld [smem:$0x3FA4];
	_ =	sdelay $0x3  }
0x37: {  	[smem:$0x3FA4] =	sst s10  }
0x38: {  	s10 =	sld [smem:$0x3FA5]  }
0x39: {  	_ = 	snop;
	(pc) =	sbr.ind lr, $3  }
0x3a: {  	_ = 	snop  }
0x3b: {  	_ = 	snop  }
0x3c: {  	p2 =	seq.s32 s10, $0x1;
	s10 =	sld [smem:$0x3FA4]  }
0x3d: {  	_ =	shalt  }
0x3e: {  	_ =	shalt  }
0x3f: {  	_ =	shalt  }
0x40: {  	_ =	shalt  }
0x41: {  	_ =	shalt  }
0x42: {  	_ =	shalt  }
0x43: {  	_ =	shalt  }
0x44: {  	_ =	shalt  }
0x45: {  	_ =	shalt  }
0x46: {  	_ =	shalt  }
0x47: {  	_ =	shalt  }
0x48: {  	_ =	shalt  }
0x49: {  	_ =	shalt  }
0x4a: {  	_ =	shalt  }
0x4b: {  	_ =	shalt  }
0x4c: {  	_ =	shalt  }
0x4d: {  	_ =	shalt  }
0x4e: {  	_ =	shalt  }
0x4f: {  	_ =	shalt  }
0x50: {  	_ =	shalt  }
0x51: {  	_ =	shalt  }
0x52: {  	_ =	shalt  }
0x53: {  	_ =	shalt  }
0x54: {  	_ =	shalt  }
0x55: {  	_ =	shalt  }
0x56: {  	_ =	shalt  }
0x57: {  	_ =	shalt  }
0x58: {  	_ =	shalt  }
0x59: {  	_ =	shalt  }
0x5a: {  	_ =	shalt  }
0x5b: {  	_ =	shalt  }
0x5c: {  	_ =	shalt  }
0x5d: {  	_ =	shalt  }
0x5e: {  	_ =	shalt  }
0x5f: {  	_ =	shalt  }
0x60: {  	_ =	shalt  }
0x61: {  	_ =	shalt  }
0x62: {  	_ =	shalt  }
0x63: {  	_ =	shalt  }
0x64: {  	_ =	shalt  }
0x65: {  	_ =	shalt  }
0x66: {  	_ =	shalt  }
0x67: {  	_ =	shalt  }
0x68: {  	_ =	shalt  }
0x69: {  	_ =	shalt  }
0x6a: {  	_ =	shalt  }
0x6b: {  	_ =	shalt  }
0x6c: {  	_ =	shalt  }
0x6d: {  	_ =	shalt  }
0x6e: {  	_ =	shalt  }
0x6f: {  	_ =	shalt  }
0x70: {  	_ =	shalt  }
0x71: {  	_ =	shalt  }
0x72: {  	_ =	shalt  }
0x73: {  	_ =	shalt  }
0x74: {  	_ =	shalt  }
0x75: {  	_ =	shalt  }
0x76: {  	_ =	shalt  }
0x77: {  	_ =	shalt  }
0x78: {  	_ =	shalt  }
0x79: {  	_ =	shalt  }
0x7a: {  	_ =	shalt  }
0x7b: {  	_ =	shalt  }
0x7c: {  	_ =	shalt  }
0x7d: {  	_ =	shalt  }
0x7e: {  	_ =	shalt  }
0x7f: {  	_ =	shalt  }
0x80: {  	_ =	shalt  }
0x81: {  	_ =	shalt  }
0x82: {  	_ =	shalt  }
0x83: {  	_ =	shalt  }
0x84: {  	_ =	shalt  }
0x85: {  	_ =	shalt  }
0x86: {  	_ =	shalt  }
0x87: {  	_ =	shalt  }
.Lfunc_end0:
.L_simem_size_0:
called_computation.1_lowered:
.L_overlay_start_0:
0x88: {  	s2 =	sld [smem:$0x3FD9]  }
0x89: {  	s3 =	sld [smem:$0x3FFE];
	_ =	sdelay $0x1  }
0x8a: {  	s1 =	srdreg.scid  }
0x8b: {  	s0 =	sand.u32 $0x1, s1  }
0x8c: {  	s14 =	sshll.u32 s0, $0xA;
	s2 =	sadd.s32 s3, s2  }
0x8d: {  	s2 =	sadd.s32 s2, s14  }
0x8e: {  	[smem:$0x3FB0] =	sst s2  }
0x8f: {  	_ = 	snop  }
0x90: {  	s2 =	sld [smem:$0x3FD0];
	_ =	sdelay $0x2  }
0x91: {  	s15 =	simm.s32 $0xA;
	s4 =	simm.s32 $0x10  }
0x92: {  	[smem:s4], [sflag:s15] =	dma.local [hbm:s2], $0x1  }
0x93: {  	_ =	swait.eq [sflag:s15], $0x1  }
0x94: {  	[sflag:s15] =	ssyncset.done $0x0  }
0x95: {  	s16 =	sld [smem:$0x10];
	[sflag:s15] =	ssyncadd.s32 $0xFFFFFFFF  }
0x96: {  	s17 =	sld [smem:$0x11];
	(tm) =	ssettm $0x1  }
0x97: {  	s18 =	sld [smem:$0x3FFB];
	_ =	sdelay $0x3  }
0x98: {  	_ =	strace s18  }
0x99: {  	s4 =	sld [smem:$0x3FFC];
	_ =	sdelay $0x3  }
0x9a: {  	_ =	strace s4  }
0x9b: {  	s4 =	sld [smem:$0x3FFD];
	_ =	sdelay $0x3  }
0x9c: {  	_ =	strace s4  }
0x9d: {  	_ =	strace $0x8FFFFFFF  }
0x9e: {  	s19 =	sld [smem:$0x3FDB];
	_ =	sdelay $0x1  }
0x9f: {  	s5 =	simm.s32 $_scs_section_size  }
0xa0: {  	s6 =	simm.s32 $_size__tile_overlayer_lowered;
	s7 =	simm.s32 $_tile_overlayer_lowered  }
0xa1: {  	s22 =	simm.s32 $0x1BFF;
	s21 =	sshll.u32 s7, $0x1;
	s4 =	sadd.s32 s5, s19  }
0xa2: {  	s8 =	simm.s32 $0x0;
	s20 =	sshll.u32 s6, $0x1;
	s6 =	sadd.s32 s21, s4  }
0xa3: {  	[timem:s8], [sflag:s22] =	dma.local [hbm:s6], s20  }
0xa4: {  	_ =	swait.ge [sflag:s22], s20  }
0xa5: {  	s5 =	ssub.s32 $0x0, s20;
	[sflag:s22] =	ssyncset.done $0x0  }
0xa6: {  	[sflag:s22] =	ssyncadd.s32 s5;
	_ =	sdelay $0x1  }
0xa7: {  	s23 =	simm.s32 $0x1B8B  }
0xa8: {  	_ =	swait.ge [sflag:s23], $0x1  }
0xa9: {  	[sflag:s23] =	ssyncset.done $0x0  }
0xaa: {  	s25 =	simm.s32 $0x1B8E;
	s24 =	sld [smem:$0x3FFE];
	[sflag:s23] =	ssyncadd.s32 $0xFFFFFFFF  }
0xab: {  	s26 =	simm.s32 $execute0_lowered;
	[smem:$0x3FD2] =	sst s25  }
0xac: {  	s6 =	sshll.u32 s26, $0x1;
	_ =	strace $0x80000049;
	[dreg:$0x1] =	wrdreg $0xFFFFFFFF  }
0xad: {  	s28 =	simm.s32 $_size_execute0_lowered;
	s4 =	sadd.s32 s4, s6;
	[dreg:$0x0] =	wrdreg $0x0  }
0xae: {  	s6 =	sshll.u32 s28, $0x1;
	[dreg:$0x2] =	wrdreg s4  }
0xaf: {  	[dreg:$0x3] =	wrdreg s6  }
0xb0: {  	[dreg:$0x4] =	wrdreg $0xC0  }
0xb1: {  	_ =	task [dreg:s8], $0x5FFFF  }
0xb2: {  	[dreg:$0x1] =	wrdreg $0xFFFFFFFF  }
0xb3: {  	[dreg:$0x0] =	wrdreg $0x60  }
0xb4: {  	[dreg:$0x2] =	wrdreg s16  }
0xb5: {  	[dreg:$0x3] =	wrdreg s24  }
0xb6: {  	[dreg:$0x4] =	wrdreg s17  }
0xb7: {  	[dreg:$0x5] =	wrdreg $0x15000  }
0xb8: {  	[dreg:$0x6] =	wrdreg $0x9  }
0xb9: {  	_ =	task.clear_ibuf [dreg:s8], $0x7FFFF;
	_ =	strace $0x90000049  }
0xba: {  	s29 =	simm.s32 $0x9;
	_ =	strace $0x8000004B  }
0xbb: {  	_ =	swait.ge [sflag:s29], $0x1  }
0xbc: {  	[sflag:s29] =	ssyncadd.s32 $0xFFFFFFFF  }
0xbd: {  	_ =	strace $0x9000004B  }
0xbe: {  	_ =	sfence  }
0xbf: {  	s30 =	sld [smem:$0x0];
	_ =	sdelay $0x2  }
0xc0: {  	s31 =	sshll.u32 s1, $0xD;
	s1 =	sshrl.u32 s1, $0x2  }
0xc1: {  	s3 =	sand.u32 $0x4000, s31;
	s1 =	sadd.s32 s1, s30  }
0xc2: {  	s0 =	sor.u32 s3, s0;
	s1 =	sshll.u32 s1, $0x11  }
0xc3: {  	s0 =	sor.u32 s1, s0  }
0xc4: {  	s0 =	sadd.s32 $0x8F2B, s0  }
0xc5: {  	[sflag:s0] =	ssyncadd.remote.s32 $0x1  }
0xc6: {  	_ =	sfence.sel $0xFFFF  }
0xc7: {  	[dreg:$0x0] =	wrdreg $0xFFFFFFFF;
	(pc) =	sbr.abs _section_cstart, $3  }
0xc8: {  	[dreg:$0x1] =	wrdreg $0xFFFFFFFF  }
0xc9: {  	_ =	task.clear_ibuf [dreg:s8], $0x2FFFF;
	_ =	strace $0x9FFFFFFF  }
0xca: {  	(tm) =	ssettm $0x7FFFFFFF  }
0xcb: {  	_ =	shalt  }
tec
execute0_lowered:
.L_overlay_start_1:
0x0: {  	(tag) =	ssettag $0x1  }
0x1: {  	s13 =	rddreg [dreg:$0x0]  }
0x2: {  	s5 =	rddreg [dreg:$0x1]  }
0x3: {  	s14 =	rddreg [dreg:$0x2]  }
0x4: {  	s0 =	stileid.u32;
	s2 =	rddreg [dreg:$0x3]  }
0x5: {  	s1 =	rddreg [dreg:$0x4];
	s4 =	smul.u32 $0x3D0400, s0  }
0x6: {  	s7 =	srdreg.scid;
	s3 =	simm.s32 $0x0;
	s18 =	smul.u32 $0x30D, s0  }
0x7: {  	s12 =	smin.u32 s0, $0x4;
	s8 =	sand.u32 $0x1, s7;
	s20 =	smul.u32 $0xC00, s0  }
0x8: {  	[smem:$0x7FF] =	sst s3;
	s16 =	sadd.s32 $0x4C00, s5;
	s21 =	smul.u32 $0x180, s0  }
0x9: {  	p0 =	slt.u32 s0, $0x7;
	s11 =	smin.u32 s0, $0x7;
	s6 =	smul.u32 $0x1400, s12  }
0xa: {  	s7 =	simm.s32 $0x30E;
	s19 =	smin.u32 s0, $0x6;
	s17 =	smul.u32 $0xC350, s8  }
0xb: {  	s28 =	ssub.s32 $0x2, s8;
	_ =	strace $0x8000004A;
	s9 =	smul.u32 $0x1E8480, s8  }
0xc: {  	s8 =	smul.u32 $0x30D4, s8;
	s30 =	sshll.u32 s19, $0x7;
	s11 =	sshll.u32 s11, $0x4  }
0xd: {  	s29 =	sshrl.u32 s28, $0x1;
	s19 =	sor.u32 s30, s20;
	s31 =	sadd.s32 s21, s14  }
0xe: {  	s20 =	simm.s32 $0x0;
	s4 =	sadd.s32 s6, s4;
	s10 =	ssub.s32 s28, s29  }
0xf: {  	s6 =	simm.s32 $0x19;
	s9 =	sshrl.u32 s9, $0x3;
	s18 =	sadd.s32 s18, s8  }
0x10: {  	s8 =	sadd.s32 $0x1860, s14;
	s11 =	sadd.s32 s11, s31;
	s17 =	sadd.s32 s17, s19  }
0x11: {  	s19 =	sshrl.u32 s19, $0x3;
	s4 =	sshrl.u32 s4, $0x3;
	s6 =	simm.s32 @!p0 $0x18  }
0x12: {  	p0 =	slt.u32 s0, $0x4;
	s9 =	sadd.s32 s16, s9;
	s10 =	smax.u32 s10, $0x1  }
0x13: {  	s12 =	sadd.s32 s12, s18;
	s17 =	smul.u32 $0x5, s17;
	s14 =	sadd.s32 s19, s14  }
0x14: {  	s19 =	simm.s32 $0x50;
	s15 =	sadd.s32 s4, s5;
	s4 =	sadd.s32 $0x4800, s5  }
0x15: {  	s5 =	simm.s32 $0x19;
	s7 =	simm.s32 @!p0 $0x30D;
	p0 =	slt.u32 s0, $0x6  }
0x16: {  	s9 =	sadd.s32 $0x3CF00, s9;
	s18 =	sshll.u32 s12, $0x4;
	s5 =	simm.s32 @!p0 $0x18  }
0x17: {  	s12 =	sadd.s32 $0x7A5A00, s15;
	s13 =	sadd.s32 s18, s13;
	s15 =	sadd.s32 s17, s16  }
0x18: {  	s16 =	simm.s32 $0x100;
	s17 =	simm.s32 $0x1;
	s18 =	simm.s32 $0x80  }
.LBB2_1:
0x19: {  	[tilespmem:s16], [sflag:$0x1] =	stream.linear.gather [hbm4b:s4+s3], $0x1400, $0x38;
	[tilespmem:$0x1FDC0] =	vst v63  }
0x1a: {  	_ =	swait.ge [sflag:s17], $0x1400  }
0x1b: {  	[sflag:s17] =	ssyncset.done $0x0  }
0x1c: {  	[sflag:s17] =	ssyncadd.s32 $0xFFFFEC00  }
0x1d: {  	[tilespmem:s18], [sflag:$0x1] =	stream.linear.gather [hbm4b:s11+s3], $0x80, $0x38;
	[tilespmem:$0x1FDC0] =	vst v63  }
0x1e: {  	p0 =	sne.s32 s6, $0x1;
	_ =	swait.ge [sflag:s17], $0x80  }
.Ltmp0:
0x1f: {  	[sflag:s17] =	ssyncset.done $0x0;
	(pc) =	sbr.rel @!p0 .LBB2_3-.Ltmp0, $4  }
0x20: {  	[sflag:s17] =	ssyncadd.s32 $0xFFFFFF80  }
0x21: {  	[spmem:s2] =	stream.indirect.scatter [tilespmem:s16], [sflag:$0x1], $0x28, s18, s18, $0xb8;
	[tilespmem:$0x1FDC0] =	vst v63  }
0x22: {  	_ =	swait.ge [sflag:s17], $0x1400  }
0x23: {  	s21 =	sadd.s32 $0xFFFFFFFF, s6;
	s22 =	smov.u32 s11;
	[sflag:s17] =	ssyncset.done $0x0  }
.LBB2_2:
0x24: {  	p0 =	sne.s32 s21, $0x1;
	[sflag:s17] =	ssyncadd.s32 $0xFFFFEC00;
	s22 =	sadd.s32 $0x10, s22  }
0x25: {  	[tilespmem:s18], [sflag:$0x1] =	stream.linear.gather [hbm4b:s22+s3], $0x80, $0x38;
	[tilespmem:$0x1FDC0] =	vst v63  }
0x26: {  	s21 =	sadd.s32 $0xFFFFFFFF, s21;
	_ =	swait.ge [sflag:s17], $0x80  }
.Ltmp1:
0x27: {  	[sflag:s17] =	ssyncset.done $0x0;
	(pc) =	sbr.rel @p0 .LBB2_2-.Ltmp1, $4  }
0x28: {  	[sflag:s17] =	ssyncadd.s32 $0xFFFFFF80  }
0x29: {  	[spmem:s2] =	stream.indirect.scatter [tilespmem:s16], [sflag:$0x1], $0x28, s18, s18, $0xb8;
	[tilespmem:$0x1FDC0] =	vst v63  }
0x2a: {  	_ =	swait.ge [sflag:s17], $0x1400  }
0x2b: {  	[sflag:s17] =	ssyncset.done $0x0  }
.LBB2_3:
0x2c: {  	[sflag:s17] =	ssyncadd.s32 $0xFFFFEC00  }
0x2d: {  	[bflag:$0x0] =	sbarrier.arrive $0xFFFF  }
0x2e: {  	[tilespmem:s3], [sflag:$0x1] =	stream.linear.gather [hbm4b:s13+s3], $0x80, $0x38;
	[tilespmem:$0x1FDC0] =	vst v63  }
0x2f: {  	_ =	swait.ge [sflag:s17], $0x80  }
0x30: {  	[sflag:s17] =	ssyncset.done $0x0  }
0x31: {  	[sflag:s17] =	ssyncadd.s32 $0xFFFFFF80  }
0x32: {  	[tilespmem:s16], [sflag:$0x1] =	stream.linear.gather [hbm4b:s12+s3], $0x1400, $0x38;
	[tilespmem:$0x1FDC0] =	vst v63  }
0x33: {  	p0 =	sne.s32 s7, $0x1;
	_ =	swait.ge [sflag:s17], $0x1400  }
.Ltmp2:
0x34: {  	[sflag:s17] =	ssyncset.done $0x0;
	(pc) =	sbr.rel @!p0 .LBB2_5-.Ltmp2, $4  }
0x35: {  	[sflag:s17] =	ssyncadd.s32 $0xFFFFEC00  }
0x36: {  	[spmem:s2] =	stream.indirect.scatter.add.f32 [tilespmem:s16], [sflag:$0x1], $0x28, s3, s18, $0xb8;
	[tilespmem:$0x1FDC0] =	vst v63  }
0x37: {  	s21 =	sadd.s32 $0xFFFFFFFF, s7;
	_ =	swait.ge [sflag:s17], $0x1400  }
0x38: {  	s22 =	smov.u32 s12;
	s23 =	smov.u32 s13;
	[sflag:s17] =	ssyncset.done $0x0  }
.LBB2_4:
0x39: {  	[sflag:s17] =	ssyncadd.s32 $0xFFFFEC00;
	s22 =	sadd.s32 $0x280, s22;
	s23 =	sadd.s32 $0x10, s23  }
0x3a: {  	[tilespmem:s3], [sflag:$0x1] =	stream.linear.gather [hbm4b:s23+s3], $0x80, $0x38;
	[tilespmem:$0x1FDC0] =	vst v63  }
0x3b: {  	p0 =	sne.s32 s21, $0x1;
	s21 =	sadd.s32 $0xFFFFFFFF, s21;
	_ =	swait.ge [sflag:s17], $0x80  }
0x3c: {  	[sflag:s17] =	ssyncset.done $0x0  }
0x3d: {  	[sflag:s17] =	ssyncadd.s32 $0xFFFFFF80  }
0x3e: {  	[tilespmem:s16], [sflag:$0x1] =	stream.linear.gather [hbm4b:s22+s3], $0x1400, $0x38;
	[tilespmem:$0x1FDC0] =	vst v63  }
0x3f: {  	_ =	swait.ge [sflag:s17], $0x1400  }
.Ltmp3:
0x40: {  	[sflag:s17] =	ssyncset.done $0x0;
	(pc) =	sbr.rel @p0 .LBB2_4-.Ltmp3, $4  }
0x41: {  	[sflag:s17] =	ssyncadd.s32 $0xFFFFEC00  }
0x42: {  	[spmem:s2] =	stream.indirect.scatter.add.f32 [tilespmem:s16], [sflag:$0x1], $0x28, s3, s18, $0xb8;
	[tilespmem:$0x1FDC0] =	vst v63  }
0x43: {  	_ =	swait.ge [sflag:s17], $0x1400  }
0x44: {  	[sflag:s17] =	ssyncset.done $0x0  }
.LBB2_5:
0x45: {  	[sflag:s17] =	ssyncadd.s32 $0xFFFFEC00  }
0x46: {  	[bflag:$0x0] =	sbarrier.arrive $0xFFFF  }
0x47: {  	[tilespmem:s18], [sflag:$0x1] =	stream.linear.gather [hbm4b:s14+s3], $0x80, $0x38;
	[tilespmem:$0x1FDC0] =	vst v63  }
0x48: {  	_ =	swait.ge [sflag:s17], $0x80  }
0x49: {  	[sflag:s17] =	ssyncset.done $0x0  }
0x4a: {  	[sflag:s17] =	ssyncadd.s32 $0xFFFFFF80  }
0x4b: {  	[tilespmem:s16], [sflag:$0x1] =	stream.indirect.gather [spmem:s2], $0x28, s18, s18, $0xb8;
	[tilespmem:$0x1FDC0] =	vst v63  }
0x4c: {  	p0 =	sne.s32 s5, $0x1;
	_ =	swait.ge [sflag:s17], $0x1400  }
.Ltmp4:
0x4d: {  	[sflag:s17] =	ssyncset.done $0x0;
	(pc) =	sbr.rel @!p0 .LBB2_7-.Ltmp4, $4  }
0x4e: {  	[sflag:s17] =	ssyncadd.s32 $0xFFFFEC00  }
0x4f: {  	[hbm4b:s15+s3] =	stream.linear.scatter [tilespmem:s16], [sflag:$0x1], $0x1400, $0x38;
	[tilespmem:$0x1FDC0] =	vst v63  }
0x50: {  	s21 =	sadd.s32 $0xFFFFFFFF, s5;
	_ =	swait.ge [sflag:s17], $0x1400  }
0x51: {  	s22 =	smov.u32 s14;
	s23 =	smov.u32 s15;
	[sflag:s17] =	ssyncset.done $0x0  }
.LBB2_6:
0x52: {  	[sflag:s17] =	ssyncadd.s32 $0xFFFFEC00;
	s22 =	sadd.s32 $0x10, s22;
	s23 =	sadd.s32 $0x280, s23  }
0x53: {  	[tilespmem:s18], [sflag:$0x1] =	stream.linear.gather [hbm4b:s22+s3], $0x80, $0x38;
	[tilespmem:$0x1FDC0] =	vst v63  }
0x54: {  	p0 =	sne.s32 s21, $0x1;
	s21 =	sadd.s32 $0xFFFFFFFF, s21;
	_ =	swait.ge [sflag:s17], $0x80  }
0x55: {  	[sflag:s17] =	ssyncset.done $0x0  }
0x56: {  	[sflag:s17] =	ssyncadd.s32 $0xFFFFFF80  }
0x57: {  	[tilespmem:s16], [sflag:$0x1] =	stream.indirect.gather [spmem:s2], $0x28, s18, s18, $0xb8;
	[tilespmem:$0x1FDC0] =	vst v63  }
0x58: {  	_ =	swait.ge [sflag:s17], $0x1400  }
.Ltmp5:
0x59: {  	[sflag:s17] =	ssyncset.done $0x0;
	(pc) =	sbr.rel @p0 .LBB2_6-.Ltmp5, $4  }
0x5a: {  	[sflag:s17] =	ssyncadd.s32 $0xFFFFEC00  }
0x5b: {  	[hbm4b:s23+s3] =	stream.linear.scatter [tilespmem:s16], [sflag:$0x1], $0x1400, $0x38;
	[tilespmem:$0x1FDC0] =	vst v63  }
0x5c: {  	_ =	swait.ge [sflag:s17], $0x1400  }
0x5d: {  	[sflag:s17] =	ssyncset.done $0x0  }
.LBB2_7:
0x5e: {  	[sflag:s17] =	ssyncadd.s32 $0xFFFFEC00  }
0x5f: {  	[tilespmem:s18], [sflag:$0x1] =	stream.linear.gather [hbm4b:s8+s3], $0x80, $0x38;
	[tilespmem:$0x1FDC0] =	vst v63  }
0x60: {  	_ =	swait.ge [sflag:s17], $0x80  }
0x61: {  	[sflag:s17] =	ssyncset.done $0x0  }
0x62: {  	[sflag:s17] =	ssyncadd.s32 $0xFFFFFF80  }
0x63: {  	[tilespmem:s16], [sflag:$0x1] =	stream.indirect.gather [spmem:s2], $0x28, s18, s19, $0xb8;
	[tilespmem:$0x1FDC0] =	vst v63  }
0x64: {  	s20 =	sadd.s32 $0x1, s20;
	_ =	swait.ge [sflag:s17], $0xC80  }
0x65: {  	p0 =	sne.s32 s20, s10;
	[sflag:s17] =	ssyncset.done $0x0  }
.Ltmp6:
0x66: {  	[sflag:s17] =	ssyncadd.s32 $0xFFFFF380;
	(pc) =	sbr.rel @p0 .LBB2_1-.Ltmp6, $4  }
0x67: {  	[hbm4b:s9+s3] =	stream.linear.scatter [tilespmem:s16], [sflag:$0x1], $0xC80, $0x38;
	[tilespmem:$0x1FDC0] =	vst v63  }
0x68: {  	_ =	swait.ge [sflag:s17], $0xC80  }
0x69: {  	[sflag:s17] =	ssyncset.done $0x0  }
0x6a: {  	[sflag:s17] =	ssyncadd.s32 $0xFFFFF380  }
0x6b: {  	_ =	sfence.sel $0x180000  }
0x6c: {  	[bflag:$0x0] =	sbarrier.arrive $0xFFFF  }
0x6d: {  	p0 =	sne.s32 s0, $0x0;
	_ =	strace $0x9000004A  }
0x6e: {  	s0 =	sadd.s32 @!p0 $0x100000, s1;
	[bflag:$0x2] =	sbarrier.arrive $0xFFFF  }
0x6f: {  	[sflag:s0] =	ssyncadd.tile.s32 @!p0 $0x1;
	_ =	shalt  }
.Lfunc_end2:
_tile_overlayer_lowered:
.L_overlay_start_2:
0x70: {  	(tag) =	ssettag $0x2  }
0x71: {  	s0 =	rddreg [dreg:$0x0];
	s2 =	stileid.u32  }
0x72: {  	s1 =	rddreg [dreg:$0x1];
	p0 =	sne.s32 s2, $0x0  }
0x73: {  	s3 =	rddreg [dreg:$0x2];
	[bflag:$0x3] =	sbarrier.arrive $0xFFFF;
	s2 =	simm.s32 @!p0 $0x1C01  }
0x74: {  	[timem:s3], [sflag:s2] =	dma.local @!p0 [hbm:s0], s1  }
0x75: {  	s0 =	simm.s32 @!p0 $0x1  }
0x76: {  	_ =	swait.ge @!p0 [sflag:s0], s1  }
0x77: {  	s1 =	ssub.s32 @!p0 $0x0, s1;
	[sflag:s0] =	ssyncset.done @!p0 $0x0  }
0x78: {  	[sflag:s0] =	ssyncadd.s32 @!p0 s1  }
0x79: {  	[bflag:$0x3] =	sbarrier.arrive $0xFFFF  }
0x7a: {  	_ =	shalt  }

// kernel: kernel.7.cloned.1.call-start
scs
__scs_entry_jumppad:
0x0: {  	(pc) =	sbr.rel $0x88, $3  }
0x1: {  	(tag) =	ssettag $0x0;
	lr =	simm.s32 $0x1  }
0x2: {  	[smem:$0x3F89] =	sst lr;
	_ =	strace $0xD0000000  }
0x3: {  	_ = 	snop  }
0x4: {  	_ = 	snop  }
0x5: {  	_ = 	snop  }
0x6: {  	_ = 	snop  }
0x7: {  	_ = 	snop  }
__scs_overlays_trampoline_lowered:
0x8: {  	[smem:$0x3F98] =	sst s0  }
0x9: {  	[smem:$0x3F99] =	sst s1  }
0xa: {  	[smem:$0x3F9A] =	sst s2  }
0xb: {  	[smem:$0x3F9B] =	sst s3  }
0xc: {  	[smem:$0x3F9C] =	sst s4  }
0xd: {  	[smem:$0x3F9D] =	sst s5  }
0xe: {  	[smem:$0x3F9E] =	sst s6  }
0xf: {  	[smem:$0x3F9F] =	sst s7  }
0x10: {  	[smem:$0x3FA0] =	sst s8  }
0x11: {  	[smem:$0x3FA1] =	sst s9;
	s0 =	simm.s32 @!p0 $0x0  }
0x12: {  	s1 =	sld [smem:$0x3F87];
	s0 =	simm.s32 @p0 $0x1  }
0x13: {  	[smem:$0x3FA2] =	sst s0;
	s0 =	simm.s32 @!p1 $0x0  }
0x14: {  	s2 =	sld [smem:$0x3F86];
	s0 =	simm.s32 @p1 $0x1  }
0x15: {  	[smem:$0x3FA3] =	sst s0;
	s0 =	simm.s32 @!p2 $0x0  }
0x16: {  	s3 =	sld [smem:$0x3FDB];
	s0 =	simm.s32 @p2 $0x1  }
0x17: {  	s4 =	simm.s32 $0x1BF5;
	[smem:$0x3FA5] =	sst s0  }
0x18: {  	s0 =	sld [smem:$0x3F88];
	_ =	swait.ge [sflag:s4], $0x0  }
0x19: {  	s7 =	sld [smem:$0x3F89]  }
0x1a: {  	s8 =	sadd.s32 $0xFFFFE003, lr  }
0x1b: {  	s9 =	sadd.s32 $0xFFFFFEF7, lr;
	s5 =	simm.s32 $0xFFFFFFFF;
	p2 =	slt.u32 s8, $0xFFFFF086  }
0x1c: {  	p1 =	slt.u32 s9, $0xF7A;
	s5 =	simm.s32 @!p2 $0x0  }
0x1d: {  	s5 =	simm.s32 @p1 $0x1;
	p0 =	seq.s32 s7, s2  }
0x1e: {  	s7 =	smul.u32 @!p0 $0xF7A, s2;
	p2 =	seq.s32 @!p0 s5, $0x0  }
0x1f: {  	s9 =	smul.u32 $0xF7A, s1;
	s8 =	simm.s32 @!p0 $0x1BF5;
	p2 =	por !p2, p0  }
0x20: {  	[sflag:s8] =	ssyncset.s32 @!p0 $0xFFFFF086;
	s6 =	sadd.s32 @!p0 s3, s7;
	s7 =	simm.s32 @!p0 $0x108  }
0x21: {  	s3 =	sadd.s32 s3, s9;
	s6 =	sadd.s32 @!p0 $0x88, s6;
	s7 =	simm.s32 @p2 $0x1082  }
0x22: {  	[simem:s7], [sflag:s8] =	dma.local @!p0 [hbm:s6], $0xF7A  }
0x23: {  	s9 =	sor.u32 $0xD0000000, s2;
	s6 =	simm.s32 $0x108;
	_ =	swait.ge @!p0 [sflag:s8], $0x0  }
0x24: {  	s3 =	sadd.s32 $0x88, s3;
	s6 =	simm.s32 @!p1 $0x1082;
	[sflag:s4] =	ssyncset.s32 $0xFFFFF086  }
0x25: {  	[simem:s6], [sflag:s4] =	dma.local [hbm:s3], $0xF7A  }
0x26: {  	[smem:$0x3F89] =	sst s1;
	(tag) =	ssettag s2;
	_ =	strace s9  }
0x27: {  	s1 =	sld [smem:$0x3F99]  }
0x28: {  	s2 =	sld [smem:$0x3F9A]  }
0x29: {  	s4 =	sld [smem:$0x3F9C]  }
0x2a: {  	p0 =	seq.s32 s5, $0x0;
	s5 =	sld [smem:$0x3F9D]  }
0x2b: {  	s6 =	sld [smem:$0x3F9E]  }
0x2c: {  	s7 =	sld [smem:$0x3F9F]  }
0x2d: {  	s3 =	simm.s32 $0x108;
	s8 =	sld [smem:$0x3FA0]  }
0x2e: {  	s3 =	simm.s32 @!p0 $0x1082;
	s9 =	sld [smem:$0x3FA1]  }
0x2f: {  	lr =	sadd.s32 s0, s3;
	s0 =	sld [smem:$0x3F98]  }
0x30: {  	s3 =	sld [smem:$0x3F9B]  }
0x31: {  	[smem:$0x3FA4] =	sst s10  }
0x32: {  	s10 =	sld [smem:$0x3FA2];
	_ =	sdelay $0x3  }
0x33: {  	p0 =	seq.s32 s10, $0x1;
	s10 =	sld [smem:$0x3FA4];
	_ =	sdelay $0x3  }
0x34: {  	[smem:$0x3FA4] =	sst s10  }
0x35: {  	s10 =	sld [smem:$0x3FA3];
	_ =	sdelay $0x3  }
0x36: {  	p1 =	seq.s32 s10, $0x1;
	s10 =	sld [smem:$0x3FA4];
	_ =	sdelay $0x3  }
0x37: {  	[smem:$0x3FA4] =	sst s10  }
0x38: {  	s10 =	sld [smem:$0x3FA5]  }
0x39: {  	_ = 	snop;
	(pc) =	sbr.ind lr, $3  }
0x3a: {  	_ = 	snop  }
0x3b: {  	_ = 	snop  }
0x3c: {  	p2 =	seq.s32 s10, $0x1;
	s10 =	sld [smem:$0x3FA4]  }
0x3d: {  	_ =	shalt  }
0x3e: {  	_ =	shalt  }
0x3f: {  	_ =	shalt  }
0x40: {  	_ =	shalt  }
0x41: {  	_ =	shalt  }
0x42: {  	_ =	shalt  }
0x43: {  	_ =	shalt  }
0x44: {  	_ =	shalt  }
0x45: {  	_ =	shalt  }
0x46: {  	_ =	shalt  }
0x47: {  	_ =	shalt  }
0x48: {  	_ =	shalt  }
0x49: {  	_ =	shalt  }
0x4a: {  	_ =	shalt  }
0x4b: {  	_ =	shalt  }
0x4c: {  	_ =	shalt  }
0x4d: {  	_ =	shalt  }
0x4e: {  	_ =	shalt  }
0x4f: {  	_ =	shalt  }
0x50: {  	_ =	shalt  }
0x51: {  	_ =	shalt  }
0x52: {  	_ =	shalt  }
0x53: {  	_ =	shalt  }
0x54: {  	_ =	shalt  }
0x55: {  	_ =	shalt  }
0x56: {  	_ =	shalt  }
0x57: {  	_ =	shalt  }
0x58: {  	_ =	shalt  }
0x59: {  	_ =	shalt  }
0x5a: {  	_ =	shalt  }
0x5b: {  	_ =	shalt  }
0x5c: {  	_ =	shalt  }
0x5d: {  	_ =	shalt  }
0x5e: {  	_ =	shalt  }
0x5f: {  	_ =	shalt  }
0x60: {  	_ =	shalt  }
0x61: {  	_ =	shalt  }
0x62: {  	_ =	shalt  }
0x63: {  	_ =	shalt  }
0x64: {  	_ =	shalt  }
0x65: {  	_ =	shalt  }
0x66: {  	_ =	shalt  }
0x67: {  	_ =	shalt  }
0x68: {  	_ =	shalt  }
0x69: {  	_ =	shalt  }
0x6a: {  	_ =	shalt  }
0x6b: {  	_ =	shalt  }
0x6c: {  	_ =	shalt  }
0x6d: {  	_ =	shalt  }
0x6e: {  	_ =	shalt  }
0x6f: {  	_ =	shalt  }
0x70: {  	_ =	shalt  }
0x71: {  	_ =	shalt  }
0x72: {  	_ =	shalt  }
0x73: {  	_ =	shalt  }
0x74: {  	_ =	shalt  }
0x75: {  	_ =	shalt  }
0x76: {  	_ =	shalt  }
0x77: {  	_ =	shalt  }
0x78: {  	_ =	shalt  }
0x79: {  	_ =	shalt  }
0x7a: {  	_ =	shalt  }
0x7b: {  	_ =	shalt  }
0x7c: {  	_ =	shalt  }
0x7d: {  	_ =	shalt  }
0x7e: {  	_ =	shalt  }
0x7f: {  	_ =	shalt  }
0x80: {  	_ =	shalt  }
0x81: {  	_ =	shalt  }
0x82: {  	_ =	shalt  }
0x83: {  	_ =	shalt  }
0x84: {  	_ =	shalt  }
0x85: {  	_ =	shalt  }
0x86: {  	_ =	shalt  }
0x87: {  	_ =	shalt  }
.Lfunc_end0:
.L_simem_size_0:
called_computation_lowered:
.L_overlay_start_0:
0x88: {  	s2 =	sld [smem:$0x3FD9]  }
0x89: {  	s3 =	sld [smem:$0x3FFE];
	_ =	sdelay $0x1  }
0x8a: {  	s1 =	srdreg.scid  }
0x8b: {  	s0 =	sand.u32 $0x1, s1  }
0x8c: {  	s14 =	sshll.u32 s0, $0xA;
	s2 =	sadd.s32 s3, s2  }
0x8d: {  	s2 =	sadd.s32 s2, s14  }
0x8e: {  	[smem:$0x3FB0] =	sst s2  }
0x8f: {  	_ = 	snop  }
0x90: {  	s2 =	sld [smem:$0x3FD0];
	_ =	sdelay $0x2  }
0x91: {  	s15 =	simm.s32 $0xA;
	s4 =	simm.s32 $0x10  }
0x92: {  	[smem:s4], [sflag:s15] =	dma.local [hbm:s2], $0x1  }
0x93: {  	_ =	swait.eq [sflag:s15], $0x1  }
0x94: {  	[sflag:s15] =	ssyncset.done $0x0  }
0x95: {  	[sflag:s15] =	ssyncadd.s32 $0xFFFFFFFF  }
0x96: {  	s16 =	sld [smem:$0x10];
	(tm) =	ssettm $0x1  }
0x97: {  	s17 =	sld [smem:$0x3FFB];
	_ =	sdelay $0x3  }
0x98: {  	_ =	strace s17  }
0x99: {  	s3 =	sld [smem:$0x3FFC];
	_ =	sdelay $0x3  }
0x9a: {  	_ =	strace s3  }
0x9b: {  	s3 =	sld [smem:$0x3FFD];
	_ =	sdelay $0x3  }
0x9c: {  	_ =	strace s3  }
0x9d: {  	_ =	strace $0x8FFFFFFF  }
0x9e: {  	s18 =	sld [smem:$0x3FDB];
	_ =	sdelay $0x1  }
0x9f: {  	s19 =	simm.s32 $_scs_section_size  }
0xa0: {  	s5 =	simm.s32 $_size__tile_overlayer_lowered;
	s6 =	simm.s32 $_tile_overlayer_lowered  }
0xa1: {  	s22 =	simm.s32 $0x1BFF;
	s21 =	sshll.u32 s6, $0x1;
	s3 =	sadd.s32 s19, s18  }
0xa2: {  	s7 =	simm.s32 $0x0;
	s20 =	sshll.u32 s5, $0x1;
	s5 =	sadd.s32 s21, s3  }
0xa3: {  	[timem:s7], [sflag:s22] =	dma.local [hbm:s5], s20  }
0xa4: {  	_ =	swait.ge [sflag:s22], s20  }
0xa5: {  	s4 =	ssub.s32 $0x0, s20;
	[sflag:s22] =	ssyncset.done $0x0  }
0xa6: {  	[sflag:s22] =	ssyncadd.s32 s4;
	_ =	sdelay $0x1  }
0xa7: {  	s23 =	simm.s32 $0x1B8B  }
0xa8: {  	_ =	swait.ge [sflag:s23], $0x1  }
0xa9: {  	[sflag:s23] =	ssyncset.done $0x0  }
0xaa: {  	s25 =	simm.s32 $0x1B8E;
	s24 =	sld [smem:$0x3FFE];
	[sflag:s23] =	ssyncadd.s32 $0xFFFFFFFF  }
0xab: {  	s26 =	simm.s32 $execute0_lowered;
	[smem:$0x3FD2] =	sst s25  }
0xac: {  	s5 =	sshll.u32 s26, $0x1;
	_ =	strace $0x80000046;
	[dreg:$0x1] =	wrdreg $0xFFFFFFFF  }
0xad: {  	s28 =	simm.s32 $_size_execute0_lowered;
	s3 =	sadd.s32 s3, s5;
	[dreg:$0x0] =	wrdreg $0x0  }
0xae: {  	s5 =	sshll.u32 s28, $0x1;
	[dreg:$0x2] =	wrdreg s3  }
0xaf: {  	[dreg:$0x3] =	wrdreg s5  }
0xb0: {  	[dreg:$0x4] =	wrdreg $0xC0  }
0xb1: {  	_ =	task [dreg:s7], $0x5FFFF  }
0xb2: {  	[dreg:$0x1] =	wrdreg $0xFFFFFFFF  }
0xb3: {  	[dreg:$0x0] =	wrdreg $0x60  }
0xb4: {  	[dreg:$0x2] =	wrdreg s16  }
0xb5: {  	[dreg:$0x3] =	wrdreg s24  }
0xb6: {  	[dreg:$0x4] =	wrdreg $0x9  }
0xb7: {  	_ =	task.clear_ibuf [dreg:s7], $0x5FFFF;
	_ =	strace $0x90000046  }
0xb8: {  	s29 =	simm.s32 $0x9;
	_ =	strace $0x80000048  }
0xb9: {  	_ =	swait.ge [sflag:s29], $0x1  }
0xba: {  	[sflag:s29] =	ssyncadd.s32 $0xFFFFFFFF  }
0xbb: {  	_ =	strace $0x90000048  }
0xbc: {  	_ =	sfence  }
0xbd: {  	s30 =	sld [smem:$0x0];
	_ =	sdelay $0x2  }
0xbe: {  	s31 =	sshll.u32 s1, $0xD;
	s1 =	sshrl.u32 s1, $0x2  }
0xbf: {  	s3 =	sand.u32 $0x4000, s31;
	s1 =	sadd.s32 s1, s30  }
0xc0: {  	s0 =	sor.u32 s3, s0;
	s1 =	sshll.u32 s1, $0x11  }
0xc1: {  	s0 =	sor.u32 s1, s0  }
0xc2: {  	s0 =	sadd.s32 $0x8F2B, s0  }
0xc3: {  	[sflag:s0] =	ssyncadd.remote.s32 $0x1  }
0xc4: {  	_ =	sfence.sel $0xFFFF  }
0xc5: {  	[dreg:$0x0] =	wrdreg $0xFFFFFFFF;
	(pc) =	sbr.abs _section_cstart, $3  }
0xc6: {  	[dreg:$0x1] =	wrdreg $0xFFFFFFFF  }
0xc7: {  	_ =	task.clear_ibuf [dreg:s7], $0x2FFFF;
	_ =	strace $0x9FFFFFFF  }
0xc8: {  	(tm) =	ssettm $0x7FFFFFFF  }
0xc9: {  	_ =	shalt  }
tec
execute0_lowered:
.L_overlay_start_1:
0x0: {  	(tag) =	ssettag $0x1  }
0x1: {  	s0 =	srdreg.scid;
	s2 =	rddreg [dreg:$0x0]  }
0x2: {  	s3 =	stileid.u32;
	s6 =	rddreg [dreg:$0x1];
	s18 =	simm.s32 $0x1400  }
0x3: {  	s19 =	simm.s32 $0x6400;
	s20 =	simm.s32 $0xCC00;
	s21 =	simm.s32 $0xEC00  }
0x4: {  	s1 =	smul.u32 $0xC2, s3;
	s4 =	sshll.u32 s3, $0x1;
	s3 =	simm.s32 $0x0  }
0x5: {  	s22 =	simm.s32 $0x2400;
	s23 =	simm.s32 $0x8400;
	[smem:$0x7FF] =	sst s3  }
0x6: {  	s24 =	simm.s32 $0xD400;
	_ =	strace $0x80000047;
	[dreg:$0x3] =	wrdreg s18  }
0x7: {  	s25 =	simm.s32 $0xF400;
	s26 =	simm.s32 $0x3400;
	[dreg:$0x4] =	wrdreg s19  }
0x8: {  	s30 =	simm.s32 $0xA400;
	s31 =	simm.s32 $0xDC00;
	[dreg:$0x5] =	wrdreg s20  }
0x9: {  	s28 =	simm.s32 $0x1;
	s0 =	sand.u32 $0x1, s0;
	[dreg:$0x6] =	wrdreg s21  }
0xa: {  	s29 =	simm.s32 $0x0;
	s5 =	smul.u32 $0x61, s0;
	[dreg:$0x7] =	wrdreg s22  }
0xb: {  	s7 =	sor.u32 s0, s4;
	s0 =	ssub.s32 $0x2, s0;
	[dreg:$0x8] =	wrdreg s23  }
0xc: {  	s4 =	smin.u32 s7, $0x15;
	s14 =	sshrl.u32 s0, $0x1;
	[dreg:$0x9] =	wrdreg s24  }
0xd: {  	p0 =	slt.u32 s7, $0x15;
	s18 =	simm.s32 $0x4400;
	[dreg:$0xa] =	wrdreg s25  }
0xe: {  	s19 =	simm.s32 $0xC400;
	s20 =	simm.s32 $0xE400;
	[dreg:$0xb] =	wrdreg s26  }
0xf: {  	s21 =	simm.s32 $0x280;
	s22 =	simm.s32 $0x100;
	[dreg:$0xc] =	wrdreg s30  }
0x10: {  	s23 =	simm.s32 $0x300;
	s24 =	simm.s32 $0x180;
	[dreg:$0xd] =	wrdreg s31  }
0x11: {  	s25 =	simm.s32 $0x380;
	s26 =	simm.s32 $0xFC00;
	s1 =	sadd.s32 s5, s1  }
0x12: {  	s5 =	sadd.s32 $0x3D5200, s6;
	s0 =	ssub.s32 s0, s14;
	s1 =	sadd.s32 s4, s1  }
0x13: {  	s14 =	simm.s32 $0x2;
	s0 =	smax.u32 s0, $0x1;
	s8 =	sshll.u32 s1, $0x6  }
0x14: {  	s9 =	sshll.u32 s1, $0xB;
	s13 =	sshll.u32 s1, $0xC;
	s1 =	sshll.u32 s1, $0xA  }
0x15: {  	s4 =	sadd.s32 $0x4800, s6;
	[dreg:$0x12] =	wrdreg s0;
	s1 =	sadd.s32 s1, s6  }
0x16: {  	s8 =	sadd.s32 s8, s6;
	s10 =	sadd.s32 s9, s6;
	s15 =	sadd.s32 $0x19F5200, s1  }
0x17: {  	s11 =	sadd.s32 s13, s6;
	s1 =	sadd.s32 $0x1D02600, s1;
	[dreg:$0xe] =	wrdreg s15  }
0x18: {  	s6 =	simm.s32 $0x62;
	s16 =	sadd.s32 $0xDC0200, s11;
	[dreg:$0xf] =	wrdreg s1  }
0x19: {  	s6 =	simm.s32 @!p0 $0x61;
	s17 =	sadd.s32 $0x7A5A00, s10;
	[dreg:$0x10] =	wrdreg s16  }
0x1a: {  	s11 =	sadd.s32 $0x27F600, s8;
	s13 =	sadd.s32 $0x24E800, s8;
	[dreg:$0x11] =	wrdreg s17  }
0x1b: {  	s15 =	simm.s32 $0x200;
	s16 =	simm.s32 $0x80;
	s17 =	simm.s32 $0x400  }
.LBB2_1:
0x1c: {  	[tilespmem:s3], [sflag:$0x2] =	stream.linear.gather [hbm4b:s11+s3], $0x200, $0x38;
	[tilespmem:$0x10400] =	vst v63  }
0x1d: {  	_ =	swait.ge [sflag:s14], $0x200  }
0x1e: {  	[sflag:s14] =	ssyncset.done $0x0  }
0x1f: {  	[sflag:s14] =	ssyncadd.s32 $0xFFFFFE00  }
0x20: {  	[tilespmem:s15], [sflag:$0x2] =	stream.linear.gather [hbm4b:s13+s3], $0x200, $0x38;
	[tilespmem:$0x10400] =	vst v63  }
0x21: {  	_ =	swait.ge [sflag:s14], $0x200  }
0x22: {  	[sflag:s14] =	ssyncset.done $0x0  }
0x23: {  	[sflag:s14] =	ssyncadd.s32 $0xFFFFFE00  }
0x24: {  	[tilespmem:s17], [sflag:$0x1] =	stream.indirect.gather [hbm4b:s2+s16], $0x20, s3, s16, $0xb8;
	[tilespmem:$0x10400] =	vst v63  }
0x25: {  	_ = 	snop  }
0x26: {  	[tilespmem:s18], [sflag:$0x1] =	stream.indirect.gather [hbm4b:s4+s16], $0x40, s15, s16, $0xb8;
	[tilespmem:$0x10400] =	vst v63  }
0x27: {  	_ = 	snop  }
0x28: {  	[tilespmem:s19], [sflag:$0x1] =	stream.indirect.gather [hbm4b:s5+s16], $0x10, s3, s16, $0xb8;
	[tilespmem:$0x10400] =	vst v63  }
0x29: {  	_ = 	snop  }
0x2a: {  	[tilespmem:s20], [sflag:$0x1] =	stream.indirect.gather [hbm4b:s5+s16], $0x10, s15, s16, $0xb8;
	[tilespmem:$0x10400] =	vst v63  }
0x2b: {  	s0 =	rddreg [dreg:$0x3]  }
0x2c: {  	[tilespmem:s0], [sflag:$0x1] =	stream.indirect.gather [hbm4b:s2+s16], $0x20, s16, s16, $0xb8;
	[tilespmem:$0x10400] =	vst v63  }
0x2d: {  	s1 =	rddreg [dreg:$0x4]  }
0x2e: {  	[tilespmem:s1], [sflag:$0x1] =	stream.indirect.gather [hbm4b:s4+s16], $0x40, s21, s16, $0xb8;
	[tilespmem:$0x10400] =	vst v63  }
0x2f: {  	s7 =	rddreg [dreg:$0x5]  }
0x30: {  	[tilespmem:s7], [sflag:$0x1] =	stream.indirect.gather [hbm4b:s5+s16], $0x10, s16, s16, $0xb8;
	[tilespmem:$0x10400] =	vst v63  }
0x31: {  	s8 =	rddreg [dreg:$0x6]  }
0x32: {  	[tilespmem:s8], [sflag:$0x1] =	stream.indirect.gather [hbm4b:s5+s16], $0x10, s21, s16, $0xb8;
	[tilespmem:$0x10400] =	vst v63  }
0x33: {  	s9 =	rddreg [dreg:$0x7]  }
0x34: {  	[tilespmem:s9], [sflag:$0x1] =	stream.indirect.gather [hbm4b:s2+s16], $0x20, s22, s16, $0xb8;
	[tilespmem:$0x10400] =	vst v63  }
0x35: {  	s10 =	rddreg [dreg:$0x8]  }
0x36: {  	[tilespmem:s10], [sflag:$0x1] =	stream.indirect.gather [hbm4b:s4+s16], $0x40, s23, s16, $0xb8;
	[tilespmem:$0x10400] =	vst v63  }
0x37: {  	s12 =	rddreg [dreg:$0x9]  }
0x38: {  	[tilespmem:s12], [sflag:$0x1] =	stream.indirect.gather [hbm4b:s5+s16], $0x10, s22, s16, $0xb8;
	[tilespmem:$0x10400] =	vst v63  }
0x39: {  	s7 =	rddreg [dreg:$0xa]  }
0x3a: {  	[tilespmem:s7], [sflag:$0x1] =	stream.indirect.gather [hbm4b:s5+s16], $0x10, s23, s16, $0xb8;
	[tilespmem:$0x10400] =	vst v63  }
0x3b: {  	s8 =	rddreg [dreg:$0xb]  }
0x3c: {  	[tilespmem:s8], [sflag:$0x1] =	stream.indirect.gather [hbm4b:s2+s16], $0x20, s24, s16, $0xb8;
	[tilespmem:$0x10400] =	vst v63  }
0x3d: {  	s9 =	rddreg [dreg:$0xc]  }
0x3e: {  	[tilespmem:s9], [sflag:$0x1] =	stream.indirect.gather [hbm4b:s4+s16], $0x40, s25, s16, $0xb8;
	[tilespmem:$0x10400] =	vst v63  }
0x3f: {  	s10 =	rddreg [dreg:$0xd]  }
0x40: {  	[tilespmem:s10], [sflag:$0x1] =	stream.indirect.gather [hbm4b:s5+s16], $0x10, s24, s16, $0xb8;
	[tilespmem:$0x10400] =	vst v63  }
0x41: {  	_ = 	snop  }
0x42: {  	[tilespmem:s26], [sflag:$0x1] =	stream.indirect.gather [hbm4b:s5+s16], $0x10, s25, s16, $0xb8;
	[tilespmem:$0x10400] =	vst v63  }
0x43: {  	_ =	swait.ge [sflag:s28], $0x1000  }
0x44: {  	[sflag:s28] =	ssyncset.done $0x0  }
0x45: {  	[sflag:s28] =	ssyncadd.s32 $0xFFFFF000  }
0x46: {  	_ =	swait.ge [sflag:s28], $0x2000  }
0x47: {  	[sflag:s28] =	ssyncset.done $0x0  }
0x48: {  	[sflag:s28] =	ssyncadd.s32 $0xFFFFE000  }
0x49: {  	_ =	swait.ge [sflag:s28], $0x800  }
0x4a: {  	[sflag:s28] =	ssyncset.done $0x0  }
0x4b: {  	[sflag:s28] =	ssyncadd.s32 $0xFFFFF800  }
0x4c: {  	_ =	swait.ge [sflag:s28], $0x800  }
0x4d: {  	[sflag:s28] =	ssyncset.done $0x0  }
0x4e: {  	[sflag:s28] =	ssyncadd.s32 $0xFFFFF800  }
0x4f: {  	_ =	swait.ge [sflag:s28], $0x1000  }
0x50: {  	[sflag:s28] =	ssyncset.done $0x0  }
0x51: {  	[sflag:s28] =	ssyncadd.s32 $0xFFFFF000  }
0x52: {  	_ =	swait.ge [sflag:s28], $0x2000  }
0x53: {  	[sflag:s28] =	ssyncset.done $0x0  }
0x54: {  	[sflag:s28] =	ssyncadd.s32 $0xFFFFE000  }
0x55: {  	_ =	swait.ge [sflag:s28], $0x800  }
0x56: {  	[sflag:s28] =	ssyncset.done $0x0  }
0x57: {  	[sflag:s28] =	ssyncadd.s32 $0xFFFFF800  }
0x58: {  	_ =	swait.ge [sflag:s28], $0x800  }
0x59: {  	[sflag:s28] =	ssyncset.done $0x0  }
0x5a: {  	[sflag:s28] =	ssyncadd.s32 $0xFFFFF800  }
0x5b: {  	_ =	swait.ge [sflag:s28], $0x1000  }
0x5c: {  	[sflag:s28] =	ssyncset.done $0x0  }
0x5d: {  	[sflag:s28] =	ssyncadd.s32 $0xFFFFF000  }
0x5e: {  	_ =	swait.ge [sflag:s28], $0x2000  }
0x5f: {  	[sflag:s28] =	ssyncset.done $0x0  }
0x60: {  	[sflag:s28] =	ssyncadd.s32 $0xFFFFE000  }
0x61: {  	_ =	swait.ge [sflag:s28], $0x800  }
0x62: {  	[sflag:s28] =	ssyncset.done $0x0  }
0x63: {  	[sflag:s28] =	ssyncadd.s32 $0xFFFFF800  }
0x64: {  	_ =	swait.ge [sflag:s28], $0x800  }
0x65: {  	[sflag:s28] =	ssyncset.done $0x0  }
0x66: {  	[sflag:s28] =	ssyncadd.s32 $0xFFFFF800  }
0x67: {  	_ =	swait.ge [sflag:s28], $0x1000  }
0x68: {  	[sflag:s28] =	ssyncset.done $0x0  }
0x69: {  	[sflag:s28] =	ssyncadd.s32 $0xFFFFF000  }
0x6a: {  	_ =	swait.ge [sflag:s28], $0x2000  }
0x6b: {  	[sflag:s28] =	ssyncset.done $0x0  }
0x6c: {  	[sflag:s28] =	ssyncadd.s32 $0xFFFFE000  }
0x6d: {  	_ =	swait.ge [sflag:s28], $0x800  }
0x6e: {  	[sflag:s28] =	ssyncset.done $0x0  }
0x6f: {  	[sflag:s28] =	ssyncadd.s32 $0xFFFFF800  }
0x70: {  	_ =	swait.ge [sflag:s28], $0x800  }
0x71: {  	[sflag:s28] =	ssyncset.done $0x0  }
0x72: {  	s9 =	rddreg [dreg:$0x11];
	[sflag:s28] =	ssyncadd.s32 $0xFFFFF800  }
0x73: {  	[hbm4b:s9+s3] =	stream.linear.scatter [tilespmem:s17], [sflag:$0x2], $0x4000, $0x38;
	[tilespmem:$0x10400] =	vst v63  }
0x74: {  	_ =	swait.ge [sflag:s14], $0x4000  }
0x75: {  	[sflag:s14] =	ssyncset.done $0x0  }
0x76: {  	s12 =	rddreg [dreg:$0x10];
	[sflag:s14] =	ssyncadd.s32 $0xFFFFC000  }
0x77: {  	[hbm4b:s12+s3] =	stream.linear.scatter [tilespmem:s18], [sflag:$0x2], $0x8000, $0x38;
	[tilespmem:$0x10400] =	vst v63  }
0x78: {  	_ =	swait.ge [sflag:s14], $0x8000  }
0x79: {  	[sflag:s14] =	ssyncset.done $0x0  }
0x7a: {  	s7 =	rddreg [dreg:$0xe];
	[sflag:s14] =	ssyncadd.s32 $0xFFFF8000  }
0x7b: {  	[hbm4b:s7+s3] =	stream.linear.scatter [tilespmem:s19], [sflag:$0x2], $0x2000, $0x38;
	[tilespmem:$0x10400] =	vst v63  }
0x7c: {  	p0 =	sne.s32 s6, $0x1;
	_ =	swait.ge [sflag:s14], $0x2000  }
.Ltmp0:
0x7d: {  	[sflag:s14] =	ssyncset.done $0x0;
	(pc) =	sbr.rel @!p0 .LBB2_3-.Ltmp0, $4  }
0x7e: {  	s30 =	sadd.s32 $0xFFFFFFFF, s6;
	s8 =	rddreg [dreg:$0xf];
	[sflag:s14] =	ssyncadd.s32 $0xFFFFE000  }
0x7f: {  	[hbm4b:s8+s3] =	stream.linear.scatter [tilespmem:s20], [sflag:$0x2], $0x2000, $0x38;
	[tilespmem:$0x10400] =	vst v63  }
0x80: {  	s31 =	sadd.s32 $0x40, s11;
	s1 =	sadd.s32 $0x40, s13;
	_ =	swait.ge [sflag:s14], $0x2000  }
0x81: {  	s0 =	sadd.s32 $0x1000, s12;
	s12 =	sadd.s32 $0x800, s9;
	[sflag:s14] =	ssyncset.done $0x0  }
.LBB2_2:
0x82: {  	[sflag:s14] =	ssyncadd.s32 $0xFFFFE000  }
0x83: {  	[tilespmem:s3], [sflag:$0x2] =	stream.linear.gather [hbm4b:s31+s3], $0x200, $0x38;
	[tilespmem:$0x10400] =	vst v63  }
0x84: {  	_ =	swait.ge [sflag:s14], $0x200  }
0x85: {  	[sflag:s14] =	ssyncset.done $0x0  }
0x86: {  	[sflag:s14] =	ssyncadd.s32 $0xFFFFFE00  }
0x87: {  	[tilespmem:s15], [sflag:$0x2] =	stream.linear.gather [hbm4b:s1+s3], $0x200, $0x38;
	[tilespmem:$0x10400] =	vst v63  }
0x88: {  	_ =	swait.ge [sflag:s14], $0x200  }
0x89: {  	[sflag:s14] =	ssyncset.done $0x0  }
0x8a: {  	[sflag:s14] =	ssyncadd.s32 $0xFFFFFE00  }
0x8b: {  	[tilespmem:s17], [sflag:$0x1] =	stream.indirect.gather [hbm4b:s2+s16], $0x20, s3, s16, $0xb8;
	[tilespmem:$0x10400] =	vst v63  }
0x8c: {  	_ = 	snop  }
0x8d: {  	[tilespmem:s18], [sflag:$0x1] =	stream.indirect.gather [hbm4b:s4+s16], $0x40, s15, s16, $0xb8;
	[tilespmem:$0x10400] =	vst v63  }
0x8e: {  	_ = 	snop  }
0x8f: {  	[tilespmem:s19], [sflag:$0x1] =	stream.indirect.gather [hbm4b:s5+s16], $0x10, s3, s16, $0xb8;
	[tilespmem:$0x10400] =	vst v63  }
0x90: {  	_ = 	snop  }
0x91: {  	[tilespmem:s20], [sflag:$0x1] =	stream.indirect.gather [hbm4b:s5+s16], $0x10, s15, s16, $0xb8;
	[tilespmem:$0x10400] =	vst v63  }
0x92: {  	s10 =	rddreg [dreg:$0x3]  }
0x93: {  	[tilespmem:s10], [sflag:$0x1] =	stream.indirect.gather [hbm4b:s2+s16], $0x20, s16, s16, $0xb8;
	[tilespmem:$0x10400] =	vst v63  }
0x94: {  	s9 =	rddreg [dreg:$0x4]  }
0x95: {  	[tilespmem:s9], [sflag:$0x1] =	stream.indirect.gather [hbm4b:s4+s16], $0x40, s21, s16, $0xb8;
	[tilespmem:$0x10400] =	vst v63  }
0x96: {  	s10 =	rddreg [dreg:$0x5]  }
0x97: {  	[tilespmem:s10], [sflag:$0x1] =	stream.indirect.gather [hbm4b:s5+s16], $0x10, s16, s16, $0xb8;
	[tilespmem:$0x10400] =	vst v63  }
0x98: {  	s9 =	rddreg [dreg:$0x6]  }
0x99: {  	[tilespmem:s9], [sflag:$0x1] =	stream.indirect.gather [hbm4b:s5+s16], $0x10, s21, s16, $0xb8;
	[tilespmem:$0x10400] =	vst v63  }
0x9a: {  	s10 =	rddreg [dreg:$0x7]  }
0x9b: {  	[tilespmem:s10], [sflag:$0x1] =	stream.indirect.gather [hbm4b:s2+s16], $0x20, s22, s16, $0xb8;
	[tilespmem:$0x10400] =	vst v63  }
0x9c: {  	s9 =	rddreg [dreg:$0x8]  }
0x9d: {  	[tilespmem:s9], [sflag:$0x1] =	stream.indirect.gather [hbm4b:s4+s16], $0x40, s23, s16, $0xb8;
	[tilespmem:$0x10400] =	vst v63  }
0x9e: {  	s10 =	rddreg [dreg:$0x9]  }
0x9f: {  	[tilespmem:s10], [sflag:$0x1] =	stream.indirect.gather [hbm4b:s5+s16], $0x10, s22, s16, $0xb8;
	[tilespmem:$0x10400] =	vst v63  }
0xa0: {  	s9 =	rddreg [dreg:$0xa]  }
0xa1: {  	[tilespmem:s9], [sflag:$0x1] =	stream.indirect.gather [hbm4b:s5+s16], $0x10, s23, s16, $0xb8;
	[tilespmem:$0x10400] =	vst v63  }
0xa2: {  	s10 =	rddreg [dreg:$0xb]  }
0xa3: {  	[tilespmem:s10], [sflag:$0x1] =	stream.indirect.gather [hbm4b:s2+s16], $0x20, s24, s16, $0xb8;
	[tilespmem:$0x10400] =	vst v63  }
0xa4: {  	s9 =	rddreg [dreg:$0xc]  }
0xa5: {  	[tilespmem:s9], [sflag:$0x1] =	stream.indirect.gather [hbm4b:s4+s16], $0x40, s25, s16, $0xb8;
	[tilespmem:$0x10400] =	vst v63  }
0xa6: {  	s10 =	rddreg [dreg:$0xd]  }
0xa7: {  	[tilespmem:s10], [sflag:$0x1] =	stream.indirect.gather [hbm4b:s5+s16], $0x10, s24, s16, $0xb8;
	[tilespmem:$0x10400] =	vst v63  }
0xa8: {  	_ = 	snop  }
0xa9: {  	[tilespmem:s26], [sflag:$0x1] =	stream.indirect.gather [hbm4b:s5+s16], $0x10, s25, s16, $0xb8;
	[tilespmem:$0x10400] =	vst v63  }
0xaa: {  	_ =	swait.ge [sflag:s28], $0x1000  }
0xab: {  	[sflag:s28] =	ssyncset.done $0x0  }
0xac: {  	[sflag:s28] =	ssyncadd.s32 $0xFFFFF000  }
0xad: {  	_ =	swait.ge [sflag:s28], $0x2000  }
0xae: {  	[sflag:s28] =	ssyncset.done $0x0  }
0xaf: {  	[sflag:s28] =	ssyncadd.s32 $0xFFFFE000  }
0xb0: {  	_ =	swait.ge [sflag:s28], $0x800  }
0xb1: {  	[sflag:s28] =	ssyncset.done $0x0  }
0xb2: {  	[sflag:s28] =	ssyncadd.s32 $0xFFFFF800  }
0xb3: {  	_ =	swait.ge [sflag:s28], $0x800  }
0xb4: {  	[sflag:s28] =	ssyncset.done $0x0  }
0xb5: {  	[sflag:s28] =	ssyncadd.s32 $0xFFFFF800  }
0xb6: {  	_ =	swait.ge [sflag:s28], $0x1000  }
0xb7: {  	[sflag:s28] =	ssyncset.done $0x0  }
0xb8: {  	[sflag:s28] =	ssyncadd.s32 $0xFFFFF000  }
0xb9: {  	_ =	swait.ge [sflag:s28], $0x2000  }
0xba: {  	[sflag:s28] =	ssyncset.done $0x0  }
0xbb: {  	[sflag:s28] =	ssyncadd.s32 $0xFFFFE000  }
0xbc: {  	_ =	swait.ge [sflag:s28], $0x800  }
0xbd: {  	[sflag:s28] =	ssyncset.done $0x0  }
0xbe: {  	[sflag:s28] =	ssyncadd.s32 $0xFFFFF800  }
0xbf: {  	_ =	swait.ge [sflag:s28], $0x800  }
0xc0: {  	[sflag:s28] =	ssyncset.done $0x0  }
0xc1: {  	[sflag:s28] =	ssyncadd.s32 $0xFFFFF800  }
0xc2: {  	_ =	swait.ge [sflag:s28], $0x1000  }
0xc3: {  	[sflag:s28] =	ssyncset.done $0x0  }
0xc4: {  	[sflag:s28] =	ssyncadd.s32 $0xFFFFF000  }
0xc5: {  	_ =	swait.ge [sflag:s28], $0x2000  }
0xc6: {  	[sflag:s28] =	ssyncset.done $0x0  }
0xc7: {  	[sflag:s28] =	ssyncadd.s32 $0xFFFFE000  }
0xc8: {  	_ =	swait.ge [sflag:s28], $0x800  }
0xc9: {  	[sflag:s28] =	ssyncset.done $0x0  }
0xca: {  	[sflag:s28] =	ssyncadd.s32 $0xFFFFF800  }
0xcb: {  	_ =	swait.ge [sflag:s28], $0x800  }
0xcc: {  	[sflag:s28] =	ssyncset.done $0x0  }
0xcd: {  	[sflag:s28] =	ssyncadd.s32 $0xFFFFF800  }
0xce: {  	_ =	swait.ge [sflag:s28], $0x1000  }
0xcf: {  	[sflag:s28] =	ssyncset.done $0x0  }
0xd0: {  	[sflag:s28] =	ssyncadd.s32 $0xFFFFF000  }
0xd1: {  	_ =	swait.ge [sflag:s28], $0x2000  }
0xd2: {  	[sflag:s28] =	ssyncset.done $0x0  }
0xd3: {  	[sflag:s28] =	ssyncadd.s32 $0xFFFFE000  }
0xd4: {  	_ =	swait.ge [sflag:s28], $0x800  }
0xd5: {  	[sflag:s28] =	ssyncset.done $0x0  }
0xd6: {  	[sflag:s28] =	ssyncadd.s32 $0xFFFFF800  }
0xd7: {  	_ =	swait.ge [sflag:s28], $0x800  }
0xd8: {  	[sflag:s28] =	ssyncset.done $0x0  }
0xd9: {  	[sflag:s28] =	ssyncadd.s32 $0xFFFFF800  }
0xda: {  	[hbm4b:s12+s3] =	stream.linear.scatter [tilespmem:s17], [sflag:$0x2], $0x4000, $0x38;
	[tilespmem:$0x10400] =	vst v63  }
0xdb: {  	_ =	swait.ge [sflag:s14], $0x4000  }
0xdc: {  	[sflag:s14] =	ssyncset.done $0x0  }
0xdd: {  	[sflag:s14] =	ssyncadd.s32 $0xFFFFC000  }
0xde: {  	[hbm4b:s0+s3] =	stream.linear.scatter [tilespmem:s18], [sflag:$0x2], $0x8000, $0x38;
	[tilespmem:$0x10400] =	vst v63  }
0xdf: {  	_ =	swait.ge [sflag:s14], $0x8000  }
0xe0: {  	[sflag:s14] =	ssyncset.done $0x0  }
0xe1: {  	s7 =	sadd.s32 $0x400, s7;
	[sflag:s14] =	ssyncadd.s32 $0xFFFF8000  }
0xe2: {  	[hbm4b:s7+s3] =	stream.linear.scatter [tilespmem:s19], [sflag:$0x2], $0x2000, $0x38;
	[tilespmem:$0x10400] =	vst v63  }
0xe3: {  	p0 =	sne.s32 s30, $0x1;
	_ =	swait.ge [sflag:s14], $0x2000  }
.Ltmp1:
0xe4: {  	[sflag:s14] =	ssyncset.done $0x0;
	(pc) =	sbr.rel @p0 .LBB2_2-.Ltmp1, $4  }
0xe5: {  	s8 =	sadd.s32 $0x400, s8;
	s30 =	sadd.s32 $0xFFFFFFFF, s30;
	[sflag:s14] =	ssyncadd.s32 $0xFFFFE000  }
0xe6: {  	[hbm4b:s8+s3] =	stream.linear.scatter [tilespmem:s20], [sflag:$0x2], $0x2000, $0x38;
	[tilespmem:$0x10400] =	vst v63  }
0xe7: {  	s31 =	sadd.s32 $0x40, s31;
	s1 =	sadd.s32 $0x40, s1;
	_ =	swait.ge [sflag:s14], $0x2000  }
0xe8: {  	s12 =	sadd.s32 $0x800, s12;
	s0 =	sadd.s32 $0x1000, s0;
	[sflag:s14] =	ssyncset.done $0x0  }
.LBB2_3:
0xe9: {  	s29 =	sadd.s32 $0x1, s29;
	s0 =	rddreg [dreg:$0x12]  }
0xea: {  	p0 =	sne.s32 s29, s0  }
.Ltmp2:
0xeb: {  	_ = 	snop;
	(pc) =	sbr.rel @p0 .LBB2_1-.Ltmp2, $2  }
0xec: {  	_ =	sdelay $0x2  }
0xed: {  	[sflag:s14] =	ssyncadd.s32 $0xFFFFE000  }
0xee: {  	_ =	sfence.sel $0x180000  }
0xef: {  	[bflag:$0x0] =	sbarrier.arrive $0xFFFF  }
0xf0: {  	_ =	strace $0x90000047  }
0xf1: {  	s0 =	stileid.u32;
	[bflag:$0x2] =	sbarrier.arrive $0xFFFF  }
0xf2: {  	p0 =	sne.s32 s0, $0x0;
	s0 =	rddreg [dreg:$0x2]  }
0xf3: {  	s0 =	sadd.s32 @!p0 $0x100000, s0  }
0xf4: {  	[sflag:s0] =	ssyncadd.tile.s32 @!p0 $0x1;
	_ =	shalt  }
.Lfunc_end2:
_tile_overlayer_lowered:
.L_overlay_start_2:
0xf5: {  	(tag) =	ssettag $0x2  }
0xf6: {  	s0 =	rddreg [dreg:$0x0];
	s2 =	stileid.u32  }
0xf7: {  	s1 =	rddreg [dreg:$0x1];
	p0 =	sne.s32 s2, $0x0  }
0xf8: {  	s3 =	rddreg [dreg:$0x2];
	[bflag:$0x3] =	sbarrier.arrive $0xFFFF;
	s2 =	simm.s32 @!p0 $0x1C02  }
0xf9: {  	[timem:s3], [sflag:s2] =	dma.local @!p0 [hbm:s0], s1  }
0xfa: {  	s0 =	simm.s32 @!p0 $0x2  }
0xfb: {  	_ =	swait.ge @!p0 [sflag:s0], s1  }
0xfc: {  	s1 =	ssub.s32 @!p0 $0x0, s1;
	[sflag:s0] =	ssyncset.done @!p0 $0x0  }
0xfd: {  	[sflag:s0] =	ssyncadd.s32 @!p0 s1  }
0xfe: {  	[bflag:$0x3] =	sbarrier.arrive $0xFFFF  }
0xff: {  	_ =	shalt  }

</sc_bundles>
